<compile_context>
chip_gen: v7x
topology: tpu7x:2x2x1
jax: 0.10.2.dev20260603
libtpu: 0.0.44.dev20260713+nightly
codegen_flags: <defaults>
</compile_context>

<pallas_src>
import functools

import jax
import jax.numpy as jnp
from jax import lax
from jax.experimental import pallas as pl
from jax.experimental.pallas import tpu as pltpu
from jax.experimental.pallas import tpu_sc as plsc

NC = 2
NS = 16
NW = NC * NS
CHUNK = 2560
DIM = 16
LANES = 16
TILE_R = 8
TILE_C = 128
PLANE = CHUNK * TILE_R


@functools.lru_cache(maxsize=None)
def _make_gather(n_atom_cols, n_edge_cols, n_feat_atom, n_feat_edge,
                 atom_rows, bond_rows):
    a_tc = n_atom_cols // TILE_C
    e_tc = n_edge_cols // TILE_C
    a_nch = -(-n_atom_cols // CHUNK)
    e_nch = -(-n_edge_cols // CHUNK)
    a_tasks = n_feat_atom * a_nch
    e_tasks = n_feat_edge * e_nch

    mesh = plsc.VectorSubcoreMesh(core_axis_name="c", subcore_axis_name="s")

    @functools.partial(
        pl.kernel,
        out_type=(
            jax.ShapeDtypeStruct((n_feat_atom * DIM * n_atom_cols,), jnp.float32),
            jax.ShapeDtypeStruct((n_feat_edge * DIM * n_edge_cols,), jnp.float32),
        ),
        mesh=mesh,
        scratch_types=[
            pltpu.VMEM((atom_rows * DIM,), jnp.float32),
            pltpu.VMEM((bond_rows * DIM,), jnp.float32),
            pltpu.VMEM((2, CHUNK), jnp.int32),
            pltpu.VMEM((2, 2, PLANE), jnp.float32),
            pltpu.SemaphoreType.DMA,
            pltpu.SemaphoreType.DMA,
            pltpu.SemaphoreType.DMA,
            pltpu.SemaphoreType.DMA,
        ],
        compiler_params=pltpu.CompilerParams(
            use_tc_tiling_on_sc=False, needs_layout_passes=False),
    )
    def gather_kernel(atab, xidx, btab, eidx, xout, eout,
                      atab_v, btab_v, idx_v, rows_v,
                      sem_i0, sem_i1, sem_o0, sem_o1):
        wid = lax.axis_index("s") * NC + lax.axis_index("c")
        pltpu.sync_copy(atab, atab_v)
        pltpu.sync_copy(btab, btab_v)
        sem_i = (sem_i0, sem_i1)
        sem_o = (sem_o0, sem_o1)

        def run(tab_v, idxs, out, n_tasks, nch, ncols, ntc):
            n_max = -(-n_tasks // NW)
            n_pair = -(-n_max // 2)
            total = 2 * n_pair

            def chunk_of(k):
                t = jnp.minimum(wid + k * NW, n_tasks - 1)
                f = t // nch
                n0 = jnp.minimum((t % nch) * CHUNK, ncols - CHUNK)
                return f, n0

            def start_idx(k, s):
                f, n0 = chunk_of(k)
                pltpu.async_copy(idxs.at[pl.ds(f * ncols + n0, CHUNK)],
                                 idx_v.at[s], sem_i[s])

            def wait_idx(s):
                pltpu.make_async_copy(idxs.at[pl.ds(0, CHUNK)],
                                      idx_v.at[s], sem_i[s]).wait()

            def wait_out(s):
                for tr in range(2):
                    pltpu.make_async_copy(rows_v.at[s, tr],
                                          out.at[pl.ds(0, PLANE)],
                                          sem_o[s]).wait()

            start_idx(0, 0)
            start_idx(1, 1)

            def pair_body(kk, carry):
                for s in range(2):
                    k = kk * 2 + s
                    wait_idx(s)

                    @pl.when(k >= 2)
                    def _():
                        wait_out(s)

                    @plsc.parallel_loop(0, CHUNK // LANES, unroll=3)
                    def row_body(j):
                        iv = idx_v[s, pl.ds(j * LANES, LANES)]
                        base = iv * DIM
                        off = (j // 8) * (TILE_R * TILE_C) + (j % 8) * LANES
                        skew = 3
                        vals = []

                        def store(d):
                            rows_v[s, d // TILE_R,
                                   pl.ds(off + (d % TILE_R) * TILE_C,
                                         LANES)] = vals[d]

                        for d in range(DIM):
                            vals.append(plsc.load_gather(tab_v, [base + d]))
                            if d >= skew:
                                store(d - skew)
                        for d in range(DIM - skew, DIM):
                            store(d)

                    f, n0 = chunk_of(k)
                    for tr in range(2):
                        q0 = ((f * 2 + tr) * ntc + n0 // TILE_C) * (TILE_R * TILE_C)
                        pltpu.async_copy(rows_v.at[s, tr],
                                         out.at[pl.ds(q0, PLANE)], sem_o[s])

                    @pl.when(k + 2 < total)
                    def _():
                        start_idx(k + 2, s)
                return carry

            lax.fori_loop(0, n_pair, pair_body, 0)
            for s in range(2):
                wait_out(s)

        run(atab_v, xidx, xout, a_tasks, a_nch, n_atom_cols, a_tc)
        run(btab_v, eidx, eout, e_tasks, e_nch, n_edge_cols, e_tc)

    return gather_kernel


def kernel(x, edge_attr, atom_table, bond_table):
    n_atom, f_atom = x.shape
    n_edge, f_edge = edge_attr.shape
    a_cols = -(-n_atom // TILE_C) * TILE_C
    e_cols = -(-n_edge // TILE_C) * TILE_C

    xt = jnp.pad(x.T.astype(jnp.int32), ((0, 0), (0, a_cols - n_atom)))
    et = jnp.pad(edge_attr.T.astype(jnp.int32), ((0, 0), (0, e_cols - n_edge)))

    gk = _make_gather(a_cols, e_cols, f_atom, f_edge,
                      atom_table.shape[0], bond_table.shape[0])
    xo, eo = gk(atom_table.reshape(-1), xt.reshape(-1),
                bond_table.reshape(-1), et.reshape(-1))

    x_emb = (xo.reshape(f_atom, 2, a_cols // TILE_C, TILE_R, TILE_C)
             .transpose(2, 4, 0, 1, 3)
             .reshape(a_cols, f_atom, DIM)[:n_atom])
    e_emb = (eo.reshape(f_edge, 2, e_cols // TILE_C, TILE_R, TILE_C)
             .transpose(2, 4, 0, 1, 3)
             .reshape(e_cols, f_edge, DIM)[:n_edge])
    return (x_emb, e_emb)

# --- scband reference (transcript-rebuilt; emitter-appended) ---
"""Pipeline reference for scband-molecule-embedding-8607114461807 (READ-ONLY COPY).

The authoritative reference and input builder live on the scoring server;
editing this copy changes nothing except your own understanding.
"""

import jax, jax.numpy as jnp
import numpy as np

NUM_ATOM_FEATURES = 9
NUM_BOND_FEATURES = 3
EMBEDDING_DIM = 16
OFFSET = 128
N_NODES = 50000
N_EDGES = 800000


def setup_inputs(seed: int = 0) -> dict:
    key = jax.random.key(seed)
    k1, k2, k3, k4 = jax.random.split(key, 4)
    x = jax.random.randint(k1, (N_NODES, NUM_ATOM_FEATURES), 0, NUM_ATOM_FEATURES * OFFSET, dtype=jnp.int64) if jax.config.jax_enable_x64 else jax.random.randint(k1, (N_NODES, NUM_ATOM_FEATURES), 0, NUM_ATOM_FEATURES * OFFSET, dtype=jnp.int32)
    edge_attr = jax.random.randint(k2, (N_EDGES, NUM_BOND_FEATURES), 0, NUM_BOND_FEATURES * OFFSET, dtype=jnp.int32)
    atom_table = jax.random.normal(k3, (NUM_ATOM_FEATURES * OFFSET, EMBEDDING_DIM), dtype=jnp.float32)
    bond_table = jax.random.normal(k4, (NUM_BOND_FEATURES * OFFSET, EMBEDDING_DIM), dtype=jnp.float32)
    return {"x": x, "edge_attr": edge_attr, "atom_table": atom_table, "bond_table": bond_table}


def reference(x, edge_attr, atom_table, bond_table):
    # nn.Embedding lookup == row gather from table
    x_embedded = jnp.take(atom_table, x, axis=0)            # [N, F_atom, D]
    edge_attr_embedded = jnp.take(bond_table, edge_attr, axis=0)  # [E, F_bond, D]
    return (x_embedded, edge_attr_embedded)

if __name__ == "__main__":
    import jax
    _d = setup_inputs()
    print(jax.jit(kernel)(*tuple(_d.values())))

</pallas_src>

<mosaic_0001>
#map = affine_map<(d0, d1) -> (0)>
module attributes {stable_mosaic.version = 14 : i64} {
  func.func @gather_kernel(%arg0: i32, %arg1: i32, %arg2: memref<18432xf32, #tpu.memory_space<hbm>>, %arg3: memref<450432xi32, #tpu.memory_space<hbm>>, %arg4: memref<6144xf32, #tpu.memory_space<hbm>>, %arg5: memref<2400000xi32, #tpu.memory_space<hbm>>, %arg6: memref<7206912xf32, #tpu.memory_space<hbm>>, %arg7: memref<38400000xf32, #tpu.memory_space<hbm>>, %arg8: memref<18432xf32, #tpu.memory_space<vmem>>, %arg9: memref<6144xf32, #tpu.memory_space<vmem>>, %arg10: memref<2x2560xi32, #tpu.memory_space<vmem>>, %arg11: memref<2x2x20480xf32, #tpu.memory_space<vmem>>, %arg12: memref<!tpu.dma_semaphore, #tpu.memory_space<semaphore_mem>>, %arg13: memref<!tpu.dma_semaphore, #tpu.memory_space<semaphore_mem>>, %arg14: memref<!tpu.dma_semaphore, #tpu.memory_space<semaphore_mem>>, %arg15: memref<!tpu.dma_semaphore, #tpu.memory_space<semaphore_mem>>) attributes {dimension_semantics = [#tpu.dimension_semantics<core_parallel>, #tpu.dimension_semantics<subcore_parallel>], iteration_bounds = array<i64: 2, 16>, scalar_prefetch = 0 : i64, scratch_operands = 8 : i64, tpu.core_type = #tpu.core_type<sc_vector_subcore>, window_params = [{transform_indices = #map}, {transform_indices = #map}, {transform_indices = #map}, {transform_indices = #map}, {transform_indices = #map}, {transform_indices = #map}]} {
    %mul3A = arith.constant 2 : i32
    %mul3A_0 = arith.muli %arg1, %mul3A : i32
    %add3A = arith.addi %mul3A_0, %arg0 : i32
    "tpu.region"() ({
      %run_scoped3A = tpu.sem_alloc : memref<!tpu.dma_semaphore, #tpu.memory_space<semaphore_mem>>
      tpu.enqueue_dma source(%arg2 : memref<18432xf32, #tpu.memory_space<hbm>>) target(%arg8 : memref<18432xf32, #tpu.memory_space<vmem>>) target_semaphore(%run_scoped3A : memref<!tpu.dma_semaphore, #tpu.memory_space<semaphore_mem>>)
      tpu.wait_dma2 semaphore(%run_scoped3A : memref<!tpu.dma_semaphore, #tpu.memory_space<semaphore_mem>>) src(%arg2 : memref<18432xf32, #tpu.memory_space<hbm>>) dst(%arg8 : memref<18432xf32, #tpu.memory_space<vmem>>)
      tpu.yield
    }) : () -> ()
    "tpu.region"() ({
      %run_scoped3A = tpu.sem_alloc : memref<!tpu.dma_semaphore, #tpu.memory_space<semaphore_mem>>
      tpu.enqueue_dma source(%arg4 : memref<6144xf32, #tpu.memory_space<hbm>>) target(%arg9 : memref<6144xf32, #tpu.memory_space<vmem>>) target_semaphore(%run_scoped3A : memref<!tpu.dma_semaphore, #tpu.memory_space<semaphore_mem>>)
      tpu.wait_dma2 semaphore(%run_scoped3A : memref<!tpu.dma_semaphore, #tpu.memory_space<semaphore_mem>>) src(%arg4 : memref<6144xf32, #tpu.memory_space<hbm>>) dst(%arg9 : memref<6144xf32, #tpu.memory_space<vmem>>)
      tpu.yield
    }) : () -> ()
    %add3A_1 = arith.constant 0 : i32
    %add3A_2 = arith.addi %add3A, %add3A_1 : i32
    %min3A = arith.constant 179 : i32
    %min3A_3 = arith.minsi %add3A_2, %min3A : i32
    %jit3A = arith.constant 20 : i32
    %div3A = arith.divsi %min3A_3, %jit3A : i32
    %sign3A = arith.constant 0 : i32
    %sign3A_4 = arith.cmpi sgt, %min3A_3, %sign3A : i32
    %sign3A_5 = arith.extui %sign3A_4 : i1 to i32
    %sign3A_6 = arith.constant 0 : i32
    %sign3A_7 = arith.cmpi slt, %min3A_3, %sign3A_6 : i32
    %sign3A_8 = arith.extui %sign3A_7 : i1 to i32
    %sign3A_9 = arith.subi %sign3A_5, %sign3A_8 : i32
    %sign3A_10 = arith.constant 0 : i32
    %sign3A_11 = arith.cmpi sgt, %jit3A, %sign3A_10 : i32
    %sign3A_12 = arith.extui %sign3A_11 : i1 to i32
    %sign3A_13 = arith.constant 0 : i32
    %sign3A_14 = arith.cmpi slt, %jit3A, %sign3A_13 : i32
    %sign3A_15 = arith.extui %sign3A_14 : i1 to i32
    %sign3A_16 = arith.subi %sign3A_12, %sign3A_15 : i32
    %ne3A = arith.cmpi ne, %sign3A_9, %sign3A_16 : i32
    %rem3A = arith.remsi %min3A_3, %jit3A : i32
    %ne3A_17 = arith.constant 0 : i32
    %ne3A_18 = arith.cmpi ne, %rem3A, %ne3A_17 : i32
    %and3A = arith.andi %ne3A, %ne3A_18 : i1
    %sub3A = arith.constant 1 : i32
    %sub3A_19 = arith.subi %div3A, %sub3A : i32
    %select_n3A = arith.select %and3A, %sub3A_19, %div3A : i32
    %jit3A_20 = arith.constant 20 : i32
    %eq3A = arith.constant 0 : i32
    %eq3A_21 = arith.cmpi eq, %jit3A_20, %eq3A : i32
    %jit3A_22 = arith.constant 1 : i32
    %select_n3A_23 = arith.select %eq3A_21, %jit3A_22, %jit3A_20 : i32
    %rem3A_24 = arith.remsi %min3A_3, %select_n3A_23 : i32
    %ne3A_25 = arith.constant 0 : i32
    %ne3A_26 = arith.cmpi ne, %rem3A_24, %ne3A_25 : i32
    %lt3A = arith.constant 0 : i32
    %lt3A_27 = arith.cmpi slt, %rem3A_24, %lt3A : i32
    %lt3A_28 = arith.constant 0 : i32
    %lt3A_29 = arith.cmpi slt, %select_n3A_23, %lt3A_28 : i32
    %ne3A_30 = arith.xori %lt3A_27, %lt3A_29 : i1
    %and3A_31 = arith.andi %ne3A_30, %ne3A_26 : i1
    %add3A_32 = arith.addi %rem3A_24, %select_n3A_23 : i32
    %select_n3A_33 = arith.select %and3A_31, %add3A_32, %rem3A_24 : i32
    %mul3A_34 = arith.constant 2560 : i32
    %mul3A_35 = arith.muli %select_n3A_33, %mul3A_34 : i32
    %min3A_36 = arith.constant 47488 : i32
    %min3A_37 = arith.minsi %mul3A_35, %min3A_36 : i32
    %mul3A_38 = arith.constant 50048 : i32
    %mul3A_39 = arith.muli %select_n3A, %mul3A_38 : i32
    %add3A_40 = arith.addi %mul3A_39, %min3A_37 : i32
    %dma_start3A = arith.constant 0 : i32
    %dma_start3A_41 = arith.constant 0 : i32
    %dma_start3A_42 = tpu.memref_slice %arg10[%dma_start3A, %dma_start3A_41] : memref<2x2560xi32, #tpu.memory_space<vmem>> -> memref<1x2560xi32, #tpu.memory_space<vmem>>
    %dma_start3A_43 = tpu.memref_squeeze %dma_start3A_42 : memref<1x2560xi32, #tpu.memory_space<vmem>> -> memref<2560xi32, #tpu.memory_space<vmem>>
    %dma_start3A_44 = tpu.memref_slice %arg3[%add3A_40] : memref<450432xi32, #tpu.memory_space<hbm>> -> memref<2560xi32, #tpu.memory_space<hbm>>
    %dma_start3A_45 = arith.constant 0 : i32
    %dma_start3A_46 = tpu.memref_slice %arg10[%dma_start3A, %dma_start3A_45] : memref<2x2560xi32, #tpu.memory_space<vmem>> -> memref<1x2560xi32, #tpu.memory_space<vmem>>
    %dma_start3A_47 = tpu.memref_squeeze %dma_start3A_46 : memref<1x2560xi32, #tpu.memory_space<vmem>> -> memref<2560xi32, #tpu.memory_space<vmem>>
    %dma_start3A_48 = tpu.memref_slice %arg3[%add3A_40] : memref<450432xi32, #tpu.memory_space<hbm>> -> memref<2560xi32, #tpu.memory_space<hbm>>
    tpu.enqueue_dma source(%dma_start3A_48 : memref<2560xi32, #tpu.memory_space<hbm>>) target(%dma_start3A_47 : memref<2560xi32, #tpu.memory_space<vmem>>) target_semaphore(%arg12 : memref<!tpu.dma_semaphore, #tpu.memory_space<semaphore_mem>>)
    %add3A_49 = arith.constant 32 : i32
    %add3A_50 = arith.addi %add3A, %add3A_49 : i32
    %min3A_51 = arith.constant 179 : i32
    %min3A_52 = arith.minsi %add3A_50, %min3A_51 : i32
    %jit3A_53 = arith.constant 20 : i32
    %div3A_54 = arith.divsi %min3A_52, %jit3A_53 : i32
    %sign3A_55 = arith.constant 0 : i32
    %sign3A_56 = arith.cmpi sgt, %min3A_52, %sign3A_55 : i32
    %sign3A_57 = arith.extui %sign3A_56 : i1 to i32
    %sign3A_58 = arith.constant 0 : i32
    %sign3A_59 = arith.cmpi slt, %min3A_52, %sign3A_58 : i32
    %sign3A_60 = arith.extui %sign3A_59 : i1 to i32
    %sign3A_61 = arith.subi %sign3A_57, %sign3A_60 : i32
    %sign3A_62 = arith.constant 0 : i32
    %sign3A_63 = arith.cmpi sgt, %jit3A_53, %sign3A_62 : i32
    %sign3A_64 = arith.extui %sign3A_63 : i1 to i32
    %sign3A_65 = arith.constant 0 : i32
    %sign3A_66 = arith.cmpi slt, %jit3A_53, %sign3A_65 : i32
    %sign3A_67 = arith.extui %sign3A_66 : i1 to i32
    %sign3A_68 = arith.subi %sign3A_64, %sign3A_67 : i32
    %ne3A_69 = arith.cmpi ne, %sign3A_61, %sign3A_68 : i32
    %rem3A_70 = arith.remsi %min3A_52, %jit3A_53 : i32
    %ne3A_71 = arith.constant 0 : i32
    %ne3A_72 = arith.cmpi ne, %rem3A_70, %ne3A_71 : i32
    %and3A_73 = arith.andi %ne3A_69, %ne3A_72 : i1
    %sub3A_74 = arith.constant 1 : i32
    %sub3A_75 = arith.subi %div3A_54, %sub3A_74 : i32
    %select_n3A_76 = arith.select %and3A_73, %sub3A_75, %div3A_54 : i32
    %jit3A_77 = arith.constant 20 : i32
    %eq3A_78 = arith.constant 0 : i32
    %eq3A_79 = arith.cmpi eq, %jit3A_77, %eq3A_78 : i32
    %jit3A_80 = arith.constant 1 : i32
    %select_n3A_81 = arith.select %eq3A_79, %jit3A_80, %jit3A_77 : i32
    %rem3A_82 = arith.remsi %min3A_52, %select_n3A_81 : i32
    %ne3A_83 = arith.constant 0 : i32
    %ne3A_84 = arith.cmpi ne, %rem3A_82, %ne3A_83 : i32
    %lt3A_85 = arith.constant 0 : i32
    %lt3A_86 = arith.cmpi slt, %rem3A_82, %lt3A_85 : i32
    %lt3A_87 = arith.constant 0 : i32
    %lt3A_88 = arith.cmpi slt, %select_n3A_81, %lt3A_87 : i32
    %ne3A_89 = arith.xori %lt3A_86, %lt3A_88 : i1
    %and3A_90 = arith.andi %ne3A_89, %ne3A_84 : i1
    %add3A_91 = arith.addi %rem3A_82, %select_n3A_81 : i32
    %select_n3A_92 = arith.select %and3A_90, %add3A_91, %rem3A_82 : i32
    %mul3A_93 = arith.constant 2560 : i32
    %mul3A_94 = arith.muli %select_n3A_92, %mul3A_93 : i32
    %min3A_95 = arith.constant 47488 : i32
    %min3A_96 = arith.minsi %mul3A_94, %min3A_95 : i32
    %mul3A_97 = arith.constant 50048 : i32
    %mul3A_98 = arith.muli %select_n3A_76, %mul3A_97 : i32
    %add3A_99 = arith.addi %mul3A_98, %min3A_96 : i32
    %dma_start3A_100 = arith.constant 1 : i32
    %dma_start3A_101 = arith.constant 0 : i32
    %dma_start3A_102 = tpu.memref_slice %arg10[%dma_start3A_100, %dma_start3A_101] : memref<2x2560xi32, #tpu.memory_space<vmem>> -> memref<1x2560xi32, #tpu.memory_space<vmem>>
    %dma_start3A_103 = tpu.memref_squeeze %dma_start3A_102 : memref<1x2560xi32, #tpu.memory_space<vmem>> -> memref<2560xi32, #tpu.memory_space<vmem>>
    %dma_start3A_104 = tpu.memref_slice %arg3[%add3A_99] : memref<450432xi32, #tpu.memory_space<hbm>> -> memref<2560xi32, #tpu.memory_space<hbm>>
    %dma_start3A_105 = arith.constant 0 : i32
    %dma_start3A_106 = tpu.memref_slice %arg10[%dma_start3A_100, %dma_start3A_105] : memref<2x2560xi32, #tpu.memory_space<vmem>> -> memref<1x2560xi32, #tpu.memory_space<vmem>>
    %dma_start3A_107 = tpu.memref_squeeze %dma_start3A_106 : memref<1x2560xi32, #tpu.memory_space<vmem>> -> memref<2560xi32, #tpu.memory_space<vmem>>
    %dma_start3A_108 = tpu.memref_slice %arg3[%add3A_99] : memref<450432xi32, #tpu.memory_space<hbm>> -> memref<2560xi32, #tpu.memory_space<hbm>>
    tpu.enqueue_dma source(%dma_start3A_108 : memref<2560xi32, #tpu.memory_space<hbm>>) target(%dma_start3A_107 : memref<2560xi32, #tpu.memory_space<vmem>>) target_semaphore(%arg13 : memref<!tpu.dma_semaphore, #tpu.memory_space<semaphore_mem>>)
    %scan3A = arith.constant 0 : i32
    %scan3A_109 = arith.constant 0 : i32
    %scan3A_110 = arith.constant 3 : i32
    %scan3A_111 = arith.addi %scan3A_109, %scan3A_110 : i32
    %scan3A_112 = arith.constant 1 : i32
    scf.for %scan3A_335 = %scan3A_109 to %scan3A_111 step %scan3A_112  : i32 {
      %mul3A_336 = arith.constant 2 : i32
      %mul3A_337 = arith.muli %scan3A_335, %mul3A_336 : i32
      %add3A_338 = arith.constant 0 : i32
      %add3A_339 = arith.addi %mul3A_337, %add3A_338 : i32
      %dma_wait3A_340 = arith.constant 0 : i32
      %dma_wait3A_341 = arith.constant 0 : i32
      %dma_wait3A_342 = tpu.memref_slice %arg10[%dma_wait3A_340, %dma_wait3A_341] : memref<2x2560xi32, #tpu.memory_space<vmem>> -> memref<1x2560xi32, #tpu.memory_space<vmem>>
      %dma_wait3A_343 = tpu.memref_squeeze %dma_wait3A_342 : memref<1x2560xi32, #tpu.memory_space<vmem>> -> memref<2560xi32, #tpu.memory_space<vmem>>
      %dma_wait3A_344 = arith.constant 0 : i32
      %dma_wait3A_345 = tpu.memref_slice %arg3[%dma_wait3A_344] : memref<450432xi32, #tpu.memory_space<hbm>> -> memref<2560xi32, #tpu.memory_space<hbm>>
      %dma_wait3A_346 = arith.constant 0 : i32
      %dma_wait3A_347 = tpu.memref_slice %arg10[%dma_wait3A_340, %dma_wait3A_346] : memref<2x2560xi32, #tpu.memory_space<vmem>> -> memref<1x2560xi32, #tpu.memory_space<vmem>>
      %dma_wait3A_348 = tpu.memref_squeeze %dma_wait3A_347 : memref<1x2560xi32, #tpu.memory_space<vmem>> -> memref<2560xi32, #tpu.memory_space<vmem>>
      %dma_wait3A_349 = arith.constant 0 : i32
      %dma_wait3A_350 = tpu.memref_slice %arg3[%dma_wait3A_349] : memref<450432xi32, #tpu.memory_space<hbm>> -> memref<2560xi32, #tpu.memory_space<hbm>>
      tpu.wait_dma2 semaphore(%arg12 : memref<!tpu.dma_semaphore, #tpu.memory_space<semaphore_mem>>) src(%dma_wait3A_350 : memref<2560xi32, #tpu.memory_space<hbm>>) dst(%dma_wait3A_348 : memref<2560xi32, #tpu.memory_space<vmem>>)
      %ge3A = arith.constant 2 : i32
      %ge3A_351 = arith.cmpi sge, %add3A_339, %ge3A : i32
      %convert_element_type3A = arith.extui %ge3A_351 : i1 to i32
      %cond3A = arith.constant 0 : i32
      %cond3A_352 = arith.cmpi ne, %convert_element_type3A, %cond3A : i32
      scf.if %cond3A_352 {
        %dma_wait3A_662 = arith.constant 0 : i32
        %dma_wait3A_663 = arith.constant 0 : i32
        %dma_wait3A_664 = arith.constant 0 : i32
        %dma_wait3A_665 = tpu.memref_slice %arg11[%dma_wait3A_662, %dma_wait3A_663, %dma_wait3A_664] : memref<2x2x20480xf32, #tpu.memory_space<vmem>> -> memref<1x1x20480xf32, #tpu.memory_space<vmem>>
        %dma_wait3A_666 = tpu.memref_squeeze %dma_wait3A_665 : memref<1x1x20480xf32, #tpu.memory_space<vmem>> -> memref<20480xf32, #tpu.memory_space<vmem>>
        %dma_wait3A_667 = arith.constant 0 : i32
        %dma_wait3A_668 = tpu.memref_slice %arg6[%dma_wait3A_667] : memref<7206912xf32, #tpu.memory_space<hbm>> -> memref<20480xf32, #tpu.memory_space<hbm>>
        %dma_wait3A_669 = arith.constant 0 : i32
        %dma_wait3A_670 = tpu.memref_slice %arg6[%dma_wait3A_669] : memref<7206912xf32, #tpu.memory_space<hbm>> -> memref<20480xf32, #tpu.memory_space<hbm>>
        %dma_wait3A_671 = arith.constant 0 : i32
        %dma_wait3A_672 = tpu.memref_slice %arg11[%dma_wait3A_662, %dma_wait3A_663, %dma_wait3A_671] : memref<2x2x20480xf32, #tpu.memory_space<vmem>> -> memref<1x1x20480xf32, #tpu.memory_space<vmem>>
        %dma_wait3A_673 = tpu.memref_squeeze %dma_wait3A_672 : memref<1x1x20480xf32, #tpu.memory_space<vmem>> -> memref<20480xf32, #tpu.memory_space<vmem>>
        tpu.wait_dma2 semaphore(%arg14 : memref<!tpu.dma_semaphore, #tpu.memory_space<semaphore_mem>>) src(%dma_wait3A_673 : memref<20480xf32, #tpu.memory_space<vmem>>) dst(%dma_wait3A_670 : memref<20480xf32, #tpu.memory_space<hbm>>)
        %dma_wait3A_674 = arith.constant 0 : i32
        %dma_wait3A_675 = arith.constant 1 : i32
        %dma_wait3A_676 = arith.constant 0 : i32
        %dma_wait3A_677 = tpu.memref_slice %arg11[%dma_wait3A_674, %dma_wait3A_675, %dma_wait3A_676] : memref<2x2x20480xf32, #tpu.memory_space<vmem>> -> memref<1x1x20480xf32, #tpu.memory_space<vmem>>
        %dma_wait3A_678 = tpu.memref_squeeze %dma_wait3A_677 : memref<1x1x20480xf32, #tpu.memory_space<vmem>> -> memref<20480xf32, #tpu.memory_space<vmem>>
        %dma_wait3A_679 = arith.constant 0 : i32
        %dma_wait3A_680 = tpu.memref_slice %arg6[%dma_wait3A_679] : memref<7206912xf32, #tpu.memory_space<hbm>> -> memref<20480xf32, #tpu.memory_space<hbm>>
        %dma_wait3A_681 = arith.constant 0 : i32
        %dma_wait3A_682 = tpu.memref_slice %arg6[%dma_wait3A_681] : memref<7206912xf32, #tpu.memory_space<hbm>> -> memref<20480xf32, #tpu.memory_space<hbm>>
        %dma_wait3A_683 = arith.constant 0 : i32
        %dma_wait3A_684 = tpu.memref_slice %arg11[%dma_wait3A_674, %dma_wait3A_675, %dma_wait3A_683] : memref<2x2x20480xf32, #tpu.memory_space<vmem>> -> memref<1x1x20480xf32, #tpu.memory_space<vmem>>
        %dma_wait3A_685 = tpu.memref_squeeze %dma_wait3A_684 : memref<1x1x20480xf32, #tpu.memory_space<vmem>> -> memref<20480xf32, #tpu.memory_space<vmem>>
        tpu.wait_dma2 semaphore(%arg14 : memref<!tpu.dma_semaphore, #tpu.memory_space<semaphore_mem>>) src(%dma_wait3A_685 : memref<20480xf32, #tpu.memory_space<vmem>>) dst(%dma_wait3A_682 : memref<20480xf32, #tpu.memory_space<hbm>>)
      } else {
      }
      %parallel_loop3A = arith.constant 0 : i32
      %parallel_loop3A_353 = arith.constant 160 : i32
      %parallel_loop3A_354 = arith.constant 1 : i32
      scf.for %parallel_loop3A_662 = %parallel_loop3A to %parallel_loop3A_353 step %parallel_loop3A_354  : i32 {
        %parallel_loop3A_663 = arith.constant 16 : i32
        %parallel_loop3A_664 = arith.muli %parallel_loop3A_662, %parallel_loop3A_663 : i32
        %parallel_loop3A_665 = arith.constant 0 : i32
        %parallel_loop3A_666 = arith.index_cast %parallel_loop3A_665 : i32 to index
        %parallel_loop3A_667 = arith.index_cast %parallel_loop3A_664 : i32 to index
        %parallel_loop3A_668 = tpu.vector_load %arg10[%parallel_loop3A_666, %parallel_loop3A_667] {strides = array<i32>} : memref<2x2560xi32, #tpu.memory_space<vmem>>, vector<16xi32>,
        %parallel_loop3A_669 = arith.constant 16 : i32
        %parallel_loop3A_670 = vector.broadcast %parallel_loop3A_669 : i32 to vector<16xi32>
        %parallel_loop3A_671 = arith.muli %parallel_loop3A_668, %parallel_loop3A_670 : vector<16xi32>
        %parallel_loop3A_672 = arith.constant 8 : i32
        %parallel_loop3A_673 = arith.divsi %parallel_loop3A_662, %parallel_loop3A_672 : i32
        %parallel_loop3A_674 = arith.constant 0 : i32
        %parallel_loop3A_675 = arith.cmpi sgt, %parallel_loop3A_662, %parallel_loop3A_674 : i32
        %parallel_loop3A_676 = arith.extui %parallel_loop3A_675 : i1 to i32
        %parallel_loop3A_677 = arith.constant 0 : i32
        %parallel_loop3A_678 = arith.cmpi slt, %parallel_loop3A_662, %parallel_loop3A_677 : i32
        %parallel_loop3A_679 = arith.extui %parallel_loop3A_678 : i1 to i32
        %parallel_loop3A_680 = arith.subi %parallel_loop3A_676, %parallel_loop3A_679 : i32
        %parallel_loop3A_681 = arith.constant 0 : i32
        %parallel_loop3A_682 = arith.cmpi sgt, %parallel_loop3A_672, %parallel_loop3A_681 : i32
        %parallel_loop3A_683 = arith.extui %parallel_loop3A_682 : i1 to i32
        %parallel_loop3A_684 = arith.constant 0 : i32
        %parallel_loop3A_685 = arith.cmpi slt, %parallel_loop3A_672, %parallel_loop3A_684 : i32
        %parallel_loop3A_686 = arith.extui %parallel_loop3A_685 : i1 to i32
        %parallel_loop3A_687 = arith.subi %parallel_loop3A_683, %parallel_loop3A_686 : i32
        %parallel_loop3A_688 = arith.cmpi ne, %parallel_loop3A_680, %parallel_loop3A_687 : i32
        %parallel_loop3A_689 = arith.remsi %parallel_loop3A_662, %parallel_loop3A_672 : i32
        %parallel_loop3A_690 = arith.constant 0 : i32
        %parallel_loop3A_691 = arith.cmpi ne, %parallel_loop3A_689, %parallel_loop3A_690 : i32
        %parallel_loop3A_692 = arith.andi %parallel_loop3A_688, %parallel_loop3A_691 : i1
        %parallel_loop3A_693 = arith.constant 1 : i32
        %parallel_loop3A_694 = arith.subi %parallel_loop3A_673, %parallel_loop3A_693 : i32
        %parallel_loop3A_695 = arith.select %parallel_loop3A_692, %parallel_loop3A_694, %parallel_loop3A_673 : i32
        %parallel_loop3A_696 = arith.constant 1024 : i32
        %parallel_loop3A_697 = arith.muli %parallel_loop3A_695, %parallel_loop3A_696 : i32
        %parallel_loop3A_698 = arith.constant 8 : i32
        %parallel_loop3A_699 = arith.constant 0 : i32
        %parallel_loop3A_700 = arith.cmpi eq, %parallel_loop3A_698, %parallel_loop3A_699 : i32
        %parallel_loop3A_701 = arith.constant 1 : i32
        %parallel_loop3A_702 = arith.select %parallel_loop3A_700, %parallel_loop3A_701, %parallel_loop3A_698 : i32
        %parallel_loop3A_703 = arith.remsi %parallel_loop3A_662, %parallel_loop3A_702 : i32
        %parallel_loop3A_704 = arith.constant 0 : i32
        %parallel_loop3A_705 = arith.cmpi ne, %parallel_loop3A_703, %parallel_loop3A_704 : i32
        %parallel_loop3A_706 = arith.constant 0 : i32
        %parallel_loop3A_707 = arith.cmpi slt, %parallel_loop3A_703, %parallel_loop3A_706 : i32
        %parallel_loop3A_708 = arith.constant 0 : i32
        %parallel_loop3A_709 = arith.cmpi slt, %parallel_loop3A_702, %parallel_loop3A_708 : i32
        %parallel_loop3A_710 = arith.xori %parallel_loop3A_707, %parallel_loop3A_709 : i1
        %parallel_loop3A_711 = arith.andi %parallel_loop3A_710, %parallel_loop3A_705 : i1
        %parallel_loop3A_712 = arith.addi %parallel_loop3A_703, %parallel_loop3A_702 : i32
        %parallel_loop3A_713 = arith.select %parallel_loop3A_711, %parallel_loop3A_712, %parallel_loop3A_703 : i32
        %parallel_loop3A_714 = arith.constant 16 : i32
        %parallel_loop3A_715 = arith.muli %parallel_loop3A_713, %parallel_loop3A_714 : i32
        %parallel_loop3A_716 = arith.addi %parallel_loop3A_697, %parallel_loop3A_715 : i32
        %parallel_loop3A_717 = arith.constant 0 : i32
        %parallel_loop3A_718 = vector.broadcast %parallel_loop3A_717 : i32 to vector<16xi32>
        %parallel_loop3A_719 = arith.addi %parallel_loop3A_671, %parallel_loop3A_718 : vector<16xi32>
        %parallel_loop3A_720 = tpu.vector_load_idx %arg8[%parallel_loop3A_719] : memref<18432xf32, #tpu.memory_space<vmem>>[vector<16xi32>], vector<16xf32>,
        %parallel_loop3A_721 = arith.constant 1 : i32
        %parallel_loop3A_722 = vector.broadcast %parallel_loop3A_721 : i32 to vector<16xi32>
        %parallel_loop3A_723 = arith.addi %parallel_loop3A_671, %parallel_loop3A_722 : vector<16xi32>
        %parallel_loop3A_724 = tpu.vector_load_idx %arg8[%parallel_loop3A_723] : memref<18432xf32, #tpu.memory_space<vmem>>[vector<16xi32>], vector<16xf32>,
        %parallel_loop3A_725 = arith.constant 2 : i32
        %parallel_loop3A_726 = vector.broadcast %parallel_loop3A_725 : i32 to vector<16xi32>
        %parallel_loop3A_727 = arith.addi %parallel_loop3A_671, %parallel_loop3A_726 : vector<16xi32>
        %parallel_loop3A_728 = tpu.vector_load_idx %arg8[%parallel_loop3A_727] : memref<18432xf32, #tpu.memory_space<vmem>>[vector<16xi32>], vector<16xf32>,
        %parallel_loop3A_729 = arith.constant 3 : i32
        %parallel_loop3A_730 = vector.broadcast %parallel_loop3A_729 : i32 to vector<16xi32>
        %parallel_loop3A_731 = arith.addi %parallel_loop3A_671, %parallel_loop3A_730 : vector<16xi32>
        %parallel_loop3A_732 = tpu.vector_load_idx %arg8[%parallel_loop3A_731] : memref<18432xf32, #tpu.memory_space<vmem>>[vector<16xi32>], vector<16xf32>,
        %parallel_loop3A_733 = arith.constant 0 : i32
        %parallel_loop3A_734 = arith.addi %parallel_loop3A_716, %parallel_loop3A_733 : i32
        %parallel_loop3A_735 = arith.constant 0 : i32
        %parallel_loop3A_736 = arith.constant 0 : i32
        %parallel_loop3A_737 = arith.index_cast %parallel_loop3A_735 : i32 to index
        %parallel_loop3A_738 = arith.index_cast %parallel_loop3A_736 : i32 to index
        %parallel_loop3A_739 = arith.index_cast %parallel_loop3A_734 : i32 to index
        %parallel_loop3A_740 = tpu.vector_load %arg11[%parallel_loop3A_737, %parallel_loop3A_738, %parallel_loop3A_739] {strides = array<i32>} : memref<2x2x20480xf32, #tpu.memory_space<vmem>>, vector<16xf32>,
        tpu.vector_store %arg11[%parallel_loop3A_737, %parallel_loop3A_738, %parallel_loop3A_739], %parallel_loop3A_720 {strides = array<i32>} : memref<2x2x20480xf32, #tpu.memory_space<vmem>>, vector<16xf32>,
        %parallel_loop3A_741 = arith.constant 4 : i32
        %parallel_loop3A_742 = vector.broadcast %parallel_loop3A_741 : i32 to vector<16xi32>
        %parallel_loop3A_743 = arith.addi %parallel_loop3A_671, %parallel_loop3A_742 : vector<16xi32>
        %parallel_loop3A_744 = tpu.vector_load_idx %arg8[%parallel_loop3A_743] : memref<18432xf32, #tpu.memory_space<vmem>>[vector<16xi32>], vector<16xf32>,
        %parallel_loop3A_745 = arith.constant 128 : i32
        %parallel_loop3A_746 = arith.addi %parallel_loop3A_716, %parallel_loop3A_745 : i32
        %parallel_loop3A_747 = arith.constant 0 : i32
        %parallel_loop3A_748 = arith.constant 0 : i32
        %parallel_loop3A_749 = arith.index_cast %parallel_loop3A_747 : i32 to index
        %parallel_loop3A_750 = arith.index_cast %parallel_loop3A_748 : i32 to index
        %parallel_loop3A_751 = arith.index_cast %parallel_loop3A_746 : i32 to index
        %parallel_loop3A_752 = tpu.vector_load %arg11[%parallel_loop3A_749, %parallel_loop3A_750, %parallel_loop3A_751] {strides = array<i32>} : memref<2x2x20480xf32, #tpu.memory_space<vmem>>, vector<16xf32>,
        tpu.vector_store %arg11[%parallel_loop3A_749, %parallel_loop3A_750, %parallel_loop3A_751], %parallel_loop3A_724 {strides = array<i32>} : memref<2x2x20480xf32, #tpu.memory_space<vmem>>, vector<16xf32>,
        %parallel_loop3A_753 = arith.constant 5 : i32
        %parallel_loop3A_754 = vector.broadcast %parallel_loop3A_753 : i32 to vector<16xi32>
        %parallel_loop3A_755 = arith.addi %parallel_loop3A_671, %parallel_loop3A_754 : vector<16xi32>
        %parallel_loop3A_756 = tpu.vector_load_idx %arg8[%parallel_loop3A_755] : memref<18432xf32, #tpu.memory_space<vmem>>[vector<16xi32>], vector<16xf32>,
        %parallel_loop3A_757 = arith.constant 256 : i32
        %parallel_loop3A_758 = arith.addi %parallel_loop3A_716, %parallel_loop3A_757 : i32
        %parallel_loop3A_759 = arith.constant 0 : i32
        %parallel_loop3A_760 = arith.constant 0 : i32
        %parallel_loop3A_761 = arith.index_cast %parallel_loop3A_759 : i32 to index
        %parallel_loop3A_762 = arith.index_cast %parallel_loop3A_760 : i32 to index
        %parallel_loop3A_763 = arith.index_cast %parallel_loop3A_758 : i32 to index
        %parallel_loop3A_764 = tpu.vector_load %arg11[%parallel_loop3A_761, %parallel_loop3A_762, %parallel_loop3A_763] {strides = array<i32>} : memref<2x2x20480xf32, #tpu.memory_space<vmem>>, vector<16xf32>,
        tpu.vector_store %arg11[%parallel_loop3A_761, %parallel_loop3A_762, %parallel_loop3A_763], %parallel_loop3A_728 {strides = array<i32>} : memref<2x2x20480xf32, #tpu.memory_space<vmem>>, vector<16xf32>,
        %parallel_loop3A_765 = arith.constant 6 : i32
        %parallel_loop3A_766 = vector.broadcast %parallel_loop3A_765 : i32 to vector<16xi32>
        %parallel_loop3A_767 = arith.addi %parallel_loop3A_671, %parallel_loop3A_766 : vector<16xi32>
        %parallel_loop3A_768 = tpu.vector_load_idx %arg8[%parallel_loop3A_767] : memref<18432xf32, #tpu.memory_space<vmem>>[vector<16xi32>], vector<16xf32>,
        %parallel_loop3A_769 = arith.constant 384 : i32
        %parallel_loop3A_770 = arith.addi %parallel_loop3A_716, %parallel_loop3A_769 : i32
        %parallel_loop3A_771 = arith.constant 0 : i32
        %parallel_loop3A_772 = arith.constant 0 : i32
        %parallel_loop3A_773 = arith.index_cast %parallel_loop3A_771 : i32 to index
        %parallel_loop3A_774 = arith.index_cast %parallel_loop3A_772 : i32 to index
        %parallel_loop3A_775 = arith.index_cast %parallel_loop3A_770 : i32 to index
        %parallel_loop3A_776 = tpu.vector_load %arg11[%parallel_loop3A_773, %parallel_loop3A_774, %parallel_loop3A_775] {strides = array<i32>} : memref<2x2x20480xf32, #tpu.memory_space<vmem>>, vector<16xf32>,
        tpu.vector_store %arg11[%parallel_loop3A_773, %parallel_loop3A_774, %parallel_loop3A_775], %parallel_loop3A_732 {strides = array<i32>} : memref<2x2x20480xf32, #tpu.memory_space<vmem>>, vector<16xf32>,
        %parallel_loop3A_777 = arith.constant 7 : i32
        %parallel_loop3A_778 = vector.broadcast %parallel_loop3A_777 : i32 to vector<16xi32>
        %parallel_loop3A_779 = arith.addi %parallel_loop3A_671, %parallel_loop3A_778 : vector<16xi32>
        %parallel_loop3A_780 = tpu.vector_load_idx %arg8[%parallel_loop3A_779] : memref<18432xf32, #tpu.memory_space<vmem>>[vector<16xi32>], vector<16xf32>,
        %parallel_loop3A_781 = arith.constant 512 : i32
        %parallel_loop3A_782 = arith.addi %parallel_loop3A_716, %parallel_loop3A_781 : i32
        %parallel_loop3A_783 = arith.constant 0 : i32
        %parallel_loop3A_784 = arith.constant 0 : i32
        %parallel_loop3A_785 = arith.index_cast %parallel_loop3A_783 : i32 to index
        %parallel_loop3A_786 = arith.index_cast %parallel_loop3A_784 : i32 to index
        %parallel_loop3A_787 = arith.index_cast %parallel_loop3A_782 : i32 to index
        %parallel_loop3A_788 = tpu.vector_load %arg11[%parallel_loop3A_785, %parallel_loop3A_786, %parallel_loop3A_787] {strides = array<i32>} : memref<2x2x20480xf32, #tpu.memory_space<vmem>>, vector<16xf32>,
        tpu.vector_store %arg11[%parallel_loop3A_785, %parallel_loop3A_786, %parallel_loop3A_787], %parallel_loop3A_744 {strides = array<i32>} : memref<2x2x20480xf32, #tpu.memory_space<vmem>>, vector<16xf32>,
        %parallel_loop3A_789 = arith.constant 8 : i32
        %parallel_loop3A_790 = vector.broadcast %parallel_loop3A_789 : i32 to vector<16xi32>
        %parallel_loop3A_791 = arith.addi %parallel_loop3A_671, %parallel_loop3A_790 : vector<16xi32>
        %parallel_loop3A_792 = tpu.vector_load_idx %arg8[%parallel_loop3A_791] : memref<18432xf32, #tpu.memory_space<vmem>>[vector<16xi32>], vector<16xf32>,
        %parallel_loop3A_793 = arith.constant 640 : i32
        %parallel_loop3A_794 = arith.addi %parallel_loop3A_716, %parallel_loop3A_793 : i32
        %parallel_loop3A_795 = arith.constant 0 : i32
        %parallel_loop3A_796 = arith.constant 0 : i32
        %parallel_loop3A_797 = arith.index_cast %parallel_loop3A_795 : i32 to index
        %parallel_loop3A_798 = arith.index_cast %parallel_loop3A_796 : i32 to index
        %parallel_loop3A_799 = arith.index_cast %parallel_loop3A_794 : i32 to index
        %parallel_loop3A_800 = tpu.vector_load %arg11[%parallel_loop3A_797, %parallel_loop3A_798, %parallel_loop3A_799] {strides = array<i32>} : memref<2x2x20480xf32, #tpu.memory_space<vmem>>, vector<16xf32>,
        tpu.vector_store %arg11[%parallel_loop3A_797, %parallel_loop3A_798, %parallel_loop3A_799], %parallel_loop3A_756 {strides = array<i32>} : memref<2x2x20480xf32, #tpu.memory_space<vmem>>, vector<16xf32>,
        %parallel_loop3A_801 = arith.constant 9 : i32
        %parallel_loop3A_802 = vector.broadcast %parallel_loop3A_801 : i32 to vector<16xi32>
        %parallel_loop3A_803 = arith.addi %parallel_loop3A_671, %parallel_loop3A_802 : vector<16xi32>
        %parallel_loop3A_804 = tpu.vector_load_idx %arg8[%parallel_loop3A_803] : memref<18432xf32, #tpu.memory_space<vmem>>[vector<16xi32>], vector<16xf32>,
        %parallel_loop3A_805 = arith.constant 768 : i32
        %parallel_loop3A_806 = arith.addi %parallel_loop3A_716, %parallel_loop3A_805 : i32
        %parallel_loop3A_807 = arith.constant 0 : i32
        %parallel_loop3A_808 = arith.constant 0 : i32
        %parallel_loop3A_809 = arith.index_cast %parallel_loop3A_807 : i32 to index
        %parallel_loop3A_810 = arith.index_cast %parallel_loop3A_808 : i32 to index
        %parallel_loop3A_811 = arith.index_cast %parallel_loop3A_806 : i32 to index
        %parallel_loop3A_812 = tpu.vector_load %arg11[%parallel_loop3A_809, %parallel_loop3A_810, %parallel_loop3A_811] {strides = array<i32>} : memref<2x2x20480xf32, #tpu.memory_space<vmem>>, vector<16xf32>,
        tpu.vector_store %arg11[%parallel_loop3A_809, %parallel_loop3A_810, %parallel_loop3A_811], %parallel_loop3A_768 {strides = array<i32>} : memref<2x2x20480xf32, #tpu.memory_space<vmem>>, vector<16xf32>,
        %parallel_loop3A_813 = arith.constant 10 : i32
        %parallel_loop3A_814 = vector.broadcast %parallel_loop3A_813 : i32 to vector<16xi32>
        %parallel_loop3A_815 = arith.addi %parallel_loop3A_671, %parallel_loop3A_814 : vector<16xi32>
        %parallel_loop3A_816 = tpu.vector_load_idx %arg8[%parallel_loop3A_815] : memref<18432xf32, #tpu.memory_space<vmem>>[vector<16xi32>], vector<16xf32>,
        %parallel_loop3A_817 = arith.constant 896 : i32
        %parallel_loop3A_818 = arith.addi %parallel_loop3A_716, %parallel_loop3A_817 : i32
        %parallel_loop3A_819 = arith.constant 0 : i32
        %parallel_loop3A_820 = arith.constant 0 : i32
        %parallel_loop3A_821 = arith.index_cast %parallel_loop3A_819 : i32 to index
        %parallel_loop3A_822 = arith.index_cast %parallel_loop3A_820 : i32 to index
        %parallel_loop3A_823 = arith.index_cast %parallel_loop3A_818 : i32 to index
        %parallel_loop3A_824 = tpu.vector_load %arg11[%parallel_loop3A_821, %parallel_loop3A_822, %parallel_loop3A_823] {strides = array<i32>} : memref<2x2x20480xf32, #tpu.memory_space<vmem>>, vector<16xf32>,
        tpu.vector_store %arg11[%parallel_loop3A_821, %parallel_loop3A_822, %parallel_loop3A_823], %parallel_loop3A_780 {strides = array<i32>} : memref<2x2x20480xf32, #tpu.memory_space<vmem>>, vector<16xf32>,
        %parallel_loop3A_825 = arith.constant 11 : i32
        %parallel_loop3A_826 = vector.broadcast %parallel_loop3A_825 : i32 to vector<16xi32>
        %parallel_loop3A_827 = arith.addi %parallel_loop3A_671, %parallel_loop3A_826 : vector<16xi32>
        %parallel_loop3A_828 = tpu.vector_load_idx %arg8[%parallel_loop3A_827] : memref<18432xf32, #tpu.memory_space<vmem>>[vector<16xi32>], vector<16xf32>,
        %parallel_loop3A_829 = arith.constant 0 : i32
        %parallel_loop3A_830 = arith.addi %parallel_loop3A_716, %parallel_loop3A_829 : i32
        %parallel_loop3A_831 = arith.constant 0 : i32
        %parallel_loop3A_832 = arith.constant 1 : i32
        %parallel_loop3A_833 = arith.index_cast %parallel_loop3A_831 : i32 to index
        %parallel_loop3A_834 = arith.index_cast %parallel_loop3A_832 : i32 to index
        %parallel_loop3A_835 = arith.index_cast %parallel_loop3A_830 : i32 to index
        %parallel_loop3A_836 = tpu.vector_load %arg11[%parallel_loop3A_833, %parallel_loop3A_834, %parallel_loop3A_835] {strides = array<i32>} : memref<2x2x20480xf32, #tpu.memory_space<vmem>>, vector<16xf32>,
        tpu.vector_store %arg11[%parallel_loop3A_833, %parallel_loop3A_834, %parallel_loop3A_835], %parallel_loop3A_792 {strides = array<i32>} : memref<2x2x20480xf32, #tpu.memory_space<vmem>>, vector<16xf32>,
        %parallel_loop3A_837 = arith.constant 12 : i32
        %parallel_loop3A_838 = vector.broadcast %parallel_loop3A_837 : i32 to vector<16xi32>
        %parallel_loop3A_839 = arith.addi %parallel_loop3A_671, %parallel_loop3A_838 : vector<16xi32>
        %parallel_loop3A_840 = tpu.vector_load_idx %arg8[%parallel_loop3A_839] : memref<18432xf32, #tpu.memory_space<vmem>>[vector<16xi32>], vector<16xf32>,
        %parallel_loop3A_841 = arith.constant 128 : i32
        %parallel_loop3A_842 = arith.addi %parallel_loop3A_716, %parallel_loop3A_841 : i32
        %parallel_loop3A_843 = arith.constant 0 : i32
        %parallel_loop3A_844 = arith.constant 1 : i32
        %parallel_loop3A_845 = arith.index_cast %parallel_loop3A_843 : i32 to index
        %parallel_loop3A_846 = arith.index_cast %parallel_loop3A_844 : i32 to index
        %parallel_loop3A_847 = arith.index_cast %parallel_loop3A_842 : i32 to index
        %parallel_loop3A_848 = tpu.vector_load %arg11[%parallel_loop3A_845, %parallel_loop3A_846, %parallel_loop3A_847] {strides = array<i32>} : memref<2x2x20480xf32, #tpu.memory_space<vmem>>, vector<16xf32>,
        tpu.vector_store %arg11[%parallel_loop3A_845, %parallel_loop3A_846, %parallel_loop3A_847], %parallel_loop3A_804 {strides = array<i32>} : memref<2x2x20480xf32, #tpu.memory_space<vmem>>, vector<16xf32>,
        %parallel_loop3A_849 = arith.constant 13 : i32
        %parallel_loop3A_850 = vector.broadcast %parallel_loop3A_849 : i32 to vector<16xi32>
        %parallel_loop3A_851 = arith.addi %parallel_loop3A_671, %parallel_loop3A_850 : vector<16xi32>
        %parallel_loop3A_852 = tpu.vector_load_idx %arg8[%parallel_loop3A_851] : memref<18432xf32, #tpu.memory_space<vmem>>[vector<16xi32>], vector<16xf32>,
        %parallel_loop3A_853 = arith.constant 256 : i32
        %parallel_loop3A_854 = arith.addi %parallel_loop3A_716, %parallel_loop3A_853 : i32
        %parallel_loop3A_855 = arith.constant 0 : i32
        %parallel_loop3A_856 = arith.constant 1 : i32
        %parallel_loop3A_857 = arith.index_cast %parallel_loop3A_855 : i32 to index
        %parallel_loop3A_858 = arith.index_cast %parallel_loop3A_856 : i32 to index
        %parallel_loop3A_859 = arith.index_cast %parallel_loop3A_854 : i32 to index
        %parallel_loop3A_860 = tpu.vector_load %arg11[%parallel_loop3A_857, %parallel_loop3A_858, %parallel_loop3A_859] {strides = array<i32>} : memref<2x2x20480xf32, #tpu.memory_space<vmem>>, vector<16xf32>,
        tpu.vector_store %arg11[%parallel_loop3A_857, %parallel_loop3A_858, %parallel_loop3A_859], %parallel_loop3A_816 {strides = array<i32>} : memref<2x2x20480xf32, #tpu.memory_space<vmem>>, vector<16xf32>,
        %parallel_loop3A_861 = arith.constant 14 : i32
        %parallel_loop3A_862 = vector.broadcast %parallel_loop3A_861 : i32 to vector<16xi32>
        %parallel_loop3A_863 = arith.addi %parallel_loop3A_671, %parallel_loop3A_862 : vector<16xi32>
        %parallel_loop3A_864 = tpu.vector_load_idx %arg8[%parallel_loop3A_863] : memref<18432xf32, #tpu.memory_space<vmem>>[vector<16xi32>], vector<16xf32>,
        %parallel_loop3A_865 = arith.constant 384 : i32
        %parallel_loop3A_866 = arith.addi %parallel_loop3A_716, %parallel_loop3A_865 : i32
        %parallel_loop3A_867 = arith.constant 0 : i32
        %parallel_loop3A_868 = arith.constant 1 : i32
        %parallel_loop3A_869 = arith.index_cast %parallel_loop3A_867 : i32 to index
        %parallel_loop3A_870 = arith.index_cast %parallel_loop3A_868 : i32 to index
        %parallel_loop3A_871 = arith.index_cast %parallel_loop3A_866 : i32 to index
        %parallel_loop3A_872 = tpu.vector_load %arg11[%parallel_loop3A_869, %parallel_loop3A_870, %parallel_loop3A_871] {strides = array<i32>} : memref<2x2x20480xf32, #tpu.memory_space<vmem>>, vector<16xf32>,
        tpu.vector_store %arg11[%parallel_loop3A_869, %parallel_loop3A_870, %parallel_loop3A_871], %parallel_loop3A_828 {strides = array<i32>} : memref<2x2x20480xf32, #tpu.memory_space<vmem>>, vector<16xf32>,
        %parallel_loop3A_873 = arith.constant 15 : i32
        %parallel_loop3A_874 = vector.broadcast %parallel_loop3A_873 : i32 to vector<16xi32>
        %parallel_loop3A_875 = arith.addi %parallel_loop3A_671, %parallel_loop3A_874 : vector<16xi32>
        %parallel_loop3A_876 = tpu.vector_load_idx %arg8[%parallel_loop3A_875] : memref<18432xf32, #tpu.memory_space<vmem>>[vector<16xi32>], vector<16xf32>,
        %parallel_loop3A_877 = arith.constant 512 : i32
        %parallel_loop3A_878 = arith.addi %parallel_loop3A_716, %parallel_loop3A_877 : i32
        %parallel_loop3A_879 = arith.constant 0 : i32
        %parallel_loop3A_880 = arith.constant 1 : i32
        %parallel_loop3A_881 = arith.index_cast %parallel_loop3A_879 : i32 to index
        %parallel_loop3A_882 = arith.index_cast %parallel_loop3A_880 : i32 to index
        %parallel_loop3A_883 = arith.index_cast %parallel_loop3A_878 : i32 to index
        %parallel_loop3A_884 = tpu.vector_load %arg11[%parallel_loop3A_881, %parallel_loop3A_882, %parallel_loop3A_883] {strides = array<i32>} : memref<2x2x20480xf32, #tpu.memory_space<vmem>>, vector<16xf32>,
        tpu.vector_store %arg11[%parallel_loop3A_881, %parallel_loop3A_882, %parallel_loop3A_883], %parallel_loop3A_840 {strides = array<i32>} : memref<2x2x20480xf32, #tpu.memory_space<vmem>>, vector<16xf32>,
        %parallel_loop3A_885 = arith.constant 640 : i32
        %parallel_loop3A_886 = arith.addi %parallel_loop3A_716, %parallel_loop3A_885 : i32
        %parallel_loop3A_887 = arith.constant 0 : i32
        %parallel_loop3A_888 = arith.constant 1 : i32
        %parallel_loop3A_889 = arith.index_cast %parallel_loop3A_887 : i32 to index
        %parallel_loop3A_890 = arith.index_cast %parallel_loop3A_888 : i32 to index
        %parallel_loop3A_891 = arith.index_cast %parallel_loop3A_886 : i32 to index
        %parallel_loop3A_892 = tpu.vector_load %arg11[%parallel_loop3A_889, %parallel_loop3A_890, %parallel_loop3A_891] {strides = array<i32>} : memref<2x2x20480xf32, #tpu.memory_space<vmem>>, vector<16xf32>,
        tpu.vector_store %arg11[%parallel_loop3A_889, %parallel_loop3A_890, %parallel_loop3A_891], %parallel_loop3A_852 {strides = array<i32>} : memref<2x2x20480xf32, #tpu.memory_space<vmem>>, vector<16xf32>,
        %parallel_loop3A_893 = arith.constant 768 : i32
        %parallel_loop3A_894 = arith.addi %parallel_loop3A_716, %parallel_loop3A_893 : i32
        %parallel_loop3A_895 = arith.constant 0 : i32
        %parallel_loop3A_896 = arith.constant 1 : i32
        %parallel_loop3A_897 = arith.index_cast %parallel_loop3A_895 : i32 to index
        %parallel_loop3A_898 = arith.index_cast %parallel_loop3A_896 : i32 to index
        %parallel_loop3A_899 = arith.index_cast %parallel_loop3A_894 : i32 to index
        %parallel_loop3A_900 = tpu.vector_load %arg11[%parallel_loop3A_897, %parallel_loop3A_898, %parallel_loop3A_899] {strides = array<i32>} : memref<2x2x20480xf32, #tpu.memory_space<vmem>>, vector<16xf32>,
        tpu.vector_store %arg11[%parallel_loop3A_897, %parallel_loop3A_898, %parallel_loop3A_899], %parallel_loop3A_864 {strides = array<i32>} : memref<2x2x20480xf32, #tpu.memory_space<vmem>>, vector<16xf32>,
        %parallel_loop3A_901 = arith.constant 896 : i32
        %parallel_loop3A_902 = arith.addi %parallel_loop3A_716, %parallel_loop3A_901 : i32
        %parallel_loop3A_903 = arith.constant 0 : i32
        %parallel_loop3A_904 = arith.constant 1 : i32
        %parallel_loop3A_905 = arith.index_cast %parallel_loop3A_903 : i32 to index
        %parallel_loop3A_906 = arith.index_cast %parallel_loop3A_904 : i32 to index
        %parallel_loop3A_907 = arith.index_cast %parallel_loop3A_902 : i32 to index
        %parallel_loop3A_908 = tpu.vector_load %arg11[%parallel_loop3A_905, %parallel_loop3A_906, %parallel_loop3A_907] {strides = array<i32>} : memref<2x2x20480xf32, #tpu.memory_space<vmem>>, vector<16xf32>,
        tpu.vector_store %arg11[%parallel_loop3A_905, %parallel_loop3A_906, %parallel_loop3A_907], %parallel_loop3A_876 {strides = array<i32>} : memref<2x2x20480xf32, #tpu.memory_space<vmem>>, vector<16xf32>,
      } {sc.loop_unroll_factor = 3 : i64, sc.parallel_access}
      %mul3A_355 = arith.constant 32 : i32
      %mul3A_356 = arith.muli %add3A_339, %mul3A_355 : i32
      %add3A_357 = arith.addi %add3A, %mul3A_356 : i32
      %min3A_358 = arith.constant 179 : i32
      %min3A_359 = arith.minsi %add3A_357, %min3A_358 : i32
      %jit3A_360 = arith.constant 20 : i32
      %div3A_361 = arith.divsi %min3A_359, %jit3A_360 : i32
      %sign3A_362 = arith.constant 0 : i32
      %sign3A_363 = arith.cmpi sgt, %min3A_359, %sign3A_362 : i32
      %sign3A_364 = arith.extui %sign3A_363 : i1 to i32
      %sign3A_365 = arith.constant 0 : i32
      %sign3A_366 = arith.cmpi slt, %min3A_359, %sign3A_365 : i32
      %sign3A_367 = arith.extui %sign3A_366 : i1 to i32
      %sign3A_368 = arith.subi %sign3A_364, %sign3A_367 : i32
      %sign3A_369 = arith.constant 0 : i32
      %sign3A_370 = arith.cmpi sgt, %jit3A_360, %sign3A_369 : i32
      %sign3A_371 = arith.extui %sign3A_370 : i1 to i32
      %sign3A_372 = arith.constant 0 : i32
      %sign3A_373 = arith.cmpi slt, %jit3A_360, %sign3A_372 : i32
      %sign3A_374 = arith.extui %sign3A_373 : i1 to i32
      %sign3A_375 = arith.subi %sign3A_371, %sign3A_374 : i32
      %ne3A_376 = arith.cmpi ne, %sign3A_368, %sign3A_375 : i32
      %rem3A_377 = arith.remsi %min3A_359, %jit3A_360 : i32
      %ne3A_378 = arith.constant 0 : i32
      %ne3A_379 = arith.cmpi ne, %rem3A_377, %ne3A_378 : i32
      %and3A_380 = arith.andi %ne3A_376, %ne3A_379 : i1
      %sub3A_381 = arith.constant 1 : i32
      %sub3A_382 = arith.subi %div3A_361, %sub3A_381 : i32
      %select_n3A_383 = arith.select %and3A_380, %sub3A_382, %div3A_361 : i32
      %jit3A_384 = arith.constant 20 : i32
      %eq3A_385 = arith.constant 0 : i32
      %eq3A_386 = arith.cmpi eq, %jit3A_384, %eq3A_385 : i32
      %jit3A_387 = arith.constant 1 : i32
      %select_n3A_388 = arith.select %eq3A_386, %jit3A_387, %jit3A_384 : i32
      %rem3A_389 = arith.remsi %min3A_359, %select_n3A_388 : i32
      %ne3A_390 = arith.constant 0 : i32
      %ne3A_391 = arith.cmpi ne, %rem3A_389, %ne3A_390 : i32
      %lt3A_392 = arith.constant 0 : i32
      %lt3A_393 = arith.cmpi slt, %rem3A_389, %lt3A_392 : i32
      %lt3A_394 = arith.constant 0 : i32
      %lt3A_395 = arith.cmpi slt, %select_n3A_388, %lt3A_394 : i32
      %ne3A_396 = arith.xori %lt3A_393, %lt3A_395 : i1
      %and3A_397 = arith.andi %ne3A_396, %ne3A_391 : i1
      %add3A_398 = arith.addi %rem3A_389, %select_n3A_388 : i32
      %select_n3A_399 = arith.select %and3A_397, %add3A_398, %rem3A_389 : i32
      %mul3A_400 = arith.constant 2560 : i32
      %mul3A_401 = arith.muli %select_n3A_399, %mul3A_400 : i32
      %min3A_402 = arith.constant 47488 : i32
      %min3A_403 = arith.minsi %mul3A_401, %min3A_402 : i32
      %mul3A_404 = arith.constant 2 : i32
      %mul3A_405 = arith.muli %select_n3A_383, %mul3A_404 : i32
      %add3A_406 = arith.constant 0 : i32
      %add3A_407 = arith.addi %mul3A_405, %add3A_406 : i32
      %mul3A_408 = arith.constant 391 : i32
      %mul3A_409 = arith.muli %add3A_407, %mul3A_408 : i32
      %jit3A_410 = arith.constant 128 : i32
      %div3A_411 = arith.divsi %min3A_403, %jit3A_410 : i32
      %sign3A_412 = arith.constant 0 : i32
      %sign3A_413 = arith.cmpi sgt, %min3A_403, %sign3A_412 : i32
      %sign3A_414 = arith.extui %sign3A_413 : i1 to i32
      %sign3A_415 = arith.constant 0 : i32
      %sign3A_416 = arith.cmpi slt, %min3A_403, %sign3A_415 : i32
      %sign3A_417 = arith.extui %sign3A_416 : i1 to i32
      %sign3A_418 = arith.subi %sign3A_414, %sign3A_417 : i32
      %sign3A_419 = arith.constant 0 : i32
      %sign3A_420 = arith.cmpi sgt, %jit3A_410, %sign3A_419 : i32
      %sign3A_421 = arith.extui %sign3A_420 : i1 to i32
      %sign3A_422 = arith.constant 0 : i32
      %sign3A_423 = arith.cmpi slt, %jit3A_410, %sign3A_422 : i32
      %sign3A_424 = arith.extui %sign3A_423 : i1 to i32
      %sign3A_425 = arith.subi %sign3A_421, %sign3A_424 : i32
      %ne3A_426 = arith.cmpi ne, %sign3A_418, %sign3A_425 : i32
      %rem3A_427 = arith.remsi %min3A_403, %jit3A_410 : i32
      %ne3A_428 = arith.constant 0 : i32
      %ne3A_429 = arith.cmpi ne, %rem3A_427, %ne3A_428 : i32
      %and3A_430 = arith.andi %ne3A_426, %ne3A_429 : i1
      %sub3A_431 = arith.constant 1 : i32
      %sub3A_432 = arith.subi %div3A_411, %sub3A_431 : i32
      %select_n3A_433 = arith.select %and3A_430, %sub3A_432, %div3A_411 : i32
      %add3A_434 = arith.addi %mul3A_409, %select_n3A_433 : i32
      %mul3A_435 = arith.constant 1024 : i32
      %mul3A_436 = arith.muli %add3A_434, %mul3A_435 : i32
      %dma_start3A_437 = arith.constant 0 : i32
      %dma_start3A_438 = arith.constant 0 : i32
      %dma_start3A_439 = arith.constant 0 : i32
      %dma_start3A_440 = tpu.memref_slice %arg11[%dma_start3A_437, %dma_start3A_438, %dma_start3A_439] : memref<2x2x20480xf32, #tpu.memory_space<vmem>> -> memref<1x1x20480xf32, #tpu.memory_space<vmem>>
      %dma_start3A_441 = tpu.memref_squeeze %dma_start3A_440 : memref<1x1x20480xf32, #tpu.memory_space<vmem>> -> memref<20480xf32, #tpu.memory_space<vmem>>
      %dma_start3A_442 = tpu.memref_slice %arg6[%mul3A_436] : memref<7206912xf32, #tpu.memory_space<hbm>> -> memref<20480xf32, #tpu.memory_space<hbm>>
      %dma_start3A_443 = tpu.memref_slice %arg6[%mul3A_436] : memref<7206912xf32, #tpu.memory_space<hbm>> -> memref<20480xf32, #tpu.memory_space<hbm>>
      %dma_start3A_444 = arith.constant 0 : i32
      %dma_start3A_445 = tpu.memref_slice %arg11[%dma_start3A_437, %dma_start3A_438, %dma_start3A_444] : memref<2x2x20480xf32, #tpu.memory_space<vmem>> -> memref<1x1x20480xf32, #tpu.memory_space<vmem>>
      %dma_start3A_446 = tpu.memref_squeeze %dma_start3A_445 : memref<1x1x20480xf32, #tpu.memory_space<vmem>> -> memref<20480xf32, #tpu.memory_space<vmem>>
      tpu.enqueue_dma source(%dma_start3A_446 : memref<20480xf32, #tpu.memory_space<vmem>>) target(%dma_start3A_443 : memref<20480xf32, #tpu.memory_space<hbm>>) target_semaphore(%arg14 : memref<!tpu.dma_semaphore, #tpu.memory_space<semaphore_mem>>)
      %mul3A_447 = arith.constant 2 : i32
      %mul3A_448 = arith.muli %select_n3A_383, %mul3A_447 : i32
      %add3A_449 = arith.constant 1 : i32
      %add3A_450 = arith.addi %mul3A_448, %add3A_449 : i32
      %mul3A_451 = arith.constant 391 : i32
      %mul3A_452 = arith.muli %add3A_450, %mul3A_451 : i32
      %jit3A_453 = arith.constant 128 : i32
      %div3A_454 = arith.divsi %min3A_403, %jit3A_453 : i32
      %sign3A_455 = arith.constant 0 : i32
      %sign3A_456 = arith.cmpi sgt, %min3A_403, %sign3A_455 : i32
      %sign3A_457 = arith.extui %sign3A_456 : i1 to i32
      %sign3A_458 = arith.constant 0 : i32
      %sign3A_459 = arith.cmpi slt, %min3A_403, %sign3A_458 : i32
      %sign3A_460 = arith.extui %sign3A_459 : i1 to i32
      %sign3A_461 = arith.subi %sign3A_457, %sign3A_460 : i32
      %sign3A_462 = arith.constant 0 : i32
      %sign3A_463 = arith.cmpi sgt, %jit3A_453, %sign3A_462 : i32
      %sign3A_464 = arith.extui %sign3A_463 : i1 to i32
      %sign3A_465 = arith.constant 0 : i32
      %sign3A_466 = arith.cmpi slt, %jit3A_453, %sign3A_465 : i32
      %sign3A_467 = arith.extui %sign3A_466 : i1 to i32
      %sign3A_468 = arith.subi %sign3A_464, %sign3A_467 : i32
      %ne3A_469 = arith.cmpi ne, %sign3A_461, %sign3A_468 : i32
      %rem3A_470 = arith.remsi %min3A_403, %jit3A_453 : i32
      %ne3A_471 = arith.constant 0 : i32
      %ne3A_472 = arith.cmpi ne, %rem3A_470, %ne3A_471 : i32
      %and3A_473 = arith.andi %ne3A_469, %ne3A_472 : i1
      %sub3A_474 = arith.constant 1 : i32
      %sub3A_475 = arith.subi %div3A_454, %sub3A_474 : i32
      %select_n3A_476 = arith.select %and3A_473, %sub3A_475, %div3A_454 : i32
      %add3A_477 = arith.addi %mul3A_452, %select_n3A_476 : i32
      %mul3A_478 = arith.constant 1024 : i32
      %mul3A_479 = arith.muli %add3A_477, %mul3A_478 : i32
      %dma_start3A_480 = arith.constant 0 : i32
      %dma_start3A_481 = arith.constant 1 : i32
      %dma_start3A_482 = arith.constant 0 : i32
      %dma_start3A_483 = tpu.memref_slice %arg11[%dma_start3A_480, %dma_start3A_481, %dma_start3A_482] : memref<2x2x20480xf32, #tpu.memory_space<vmem>> -> memref<1x1x20480xf32, #tpu.memory_space<vmem>>
      %dma_start3A_484 = tpu.memref_squeeze %dma_start3A_483 : memref<1x1x20480xf32, #tpu.memory_space<vmem>> -> memref<20480xf32, #tpu.memory_space<vmem>>
      %dma_start3A_485 = tpu.memref_slice %arg6[%mul3A_479] : memref<7206912xf32, #tpu.memory_space<hbm>> -> memref<20480xf32, #tpu.memory_space<hbm>>
      %dma_start3A_486 = tpu.memref_slice %arg6[%mul3A_479] : memref<7206912xf32, #tpu.memory_space<hbm>> -> memref<20480xf32, #tpu.memory_space<hbm>>
      %dma_start3A_487 = arith.constant 0 : i32
      %dma_start3A_488 = tpu.memref_slice %arg11[%dma_start3A_480, %dma_start3A_481, %dma_start3A_487] : memref<2x2x20480xf32, #tpu.memory_space<vmem>> -> memref<1x1x20480xf32, #tpu.memory_space<vmem>>
      %dma_start3A_489 = tpu.memref_squeeze %dma_start3A_488 : memref<1x1x20480xf32, #tpu.memory_space<vmem>> -> memref<20480xf32, #tpu.memory_space<vmem>>
      tpu.enqueue_dma source(%dma_start3A_489 : memref<20480xf32, #tpu.memory_space<vmem>>) target(%dma_start3A_486 : memref<20480xf32, #tpu.memory_space<hbm>>) target_semaphore(%arg14 : memref<!tpu.dma_semaphore, #tpu.memory_space<semaphore_mem>>)
      %add3A_490 = arith.constant 2 : i32
      %add3A_491 = arith.addi %add3A_339, %add3A_490 : i32
      %lt3A_492 = arith.constant 6 : i32
      %lt3A_493 = arith.cmpi slt, %add3A_491, %lt3A_492 : i32
      %convert_element_type3A_494 = arith.extui %lt3A_493 : i1 to i32
      %cond3A_495 = arith.constant 0 : i32
      %cond3A_496 = arith.cmpi ne, %convert_element_type3A_494, %cond3A_495 : i32
      scf.if %cond3A_496 {
        %add3A_662 = arith.constant 2 : i32
        %add3A_663 = arith.addi %add3A_339, %add3A_662 : i32
        %mul3A_664 = arith.constant 32 : i32
        %mul3A_665 = arith.muli %add3A_663, %mul3A_664 : i32
        %add3A_666 = arith.addi %add3A, %mul3A_665 : i32
        %min3A_667 = arith.constant 179 : i32
        %min3A_668 = arith.minsi %add3A_666, %min3A_667 : i32
        %jit3A_669 = arith.constant 20 : i32
        %div3A_670 = arith.divsi %min3A_668, %jit3A_669 : i32
        %sign3A_671 = arith.constant 0 : i32
        %sign3A_672 = arith.cmpi sgt, %min3A_668, %sign3A_671 : i32
        %sign3A_673 = arith.extui %sign3A_672 : i1 to i32
        %sign3A_674 = arith.constant 0 : i32
        %sign3A_675 = arith.cmpi slt, %min3A_668, %sign3A_674 : i32
        %sign3A_676 = arith.extui %sign3A_675 : i1 to i32
        %sign3A_677 = arith.subi %sign3A_673, %sign3A_676 : i32
        %sign3A_678 = arith.constant 0 : i32
        %sign3A_679 = arith.cmpi sgt, %jit3A_669, %sign3A_678 : i32
        %sign3A_680 = arith.extui %sign3A_679 : i1 to i32
        %sign3A_681 = arith.constant 0 : i32
        %sign3A_682 = arith.cmpi slt, %jit3A_669, %sign3A_681 : i32
        %sign3A_683 = arith.extui %sign3A_682 : i1 to i32
        %sign3A_684 = arith.subi %sign3A_680, %sign3A_683 : i32
        %ne3A_685 = arith.cmpi ne, %sign3A_677, %sign3A_684 : i32
        %rem3A_686 = arith.remsi %min3A_668, %jit3A_669 : i32
        %ne3A_687 = arith.constant 0 : i32
        %ne3A_688 = arith.cmpi ne, %rem3A_686, %ne3A_687 : i32
        %and3A_689 = arith.andi %ne3A_685, %ne3A_688 : i1
        %sub3A_690 = arith.constant 1 : i32
        %sub3A_691 = arith.subi %div3A_670, %sub3A_690 : i32
        %select_n3A_692 = arith.select %and3A_689, %sub3A_691, %div3A_670 : i32
        %jit3A_693 = arith.constant 20 : i32
        %eq3A_694 = arith.constant 0 : i32
        %eq3A_695 = arith.cmpi eq, %jit3A_693, %eq3A_694 : i32
        %jit3A_696 = arith.constant 1 : i32
        %select_n3A_697 = arith.select %eq3A_695, %jit3A_696, %jit3A_693 : i32
        %rem3A_698 = arith.remsi %min3A_668, %select_n3A_697 : i32
        %ne3A_699 = arith.constant 0 : i32
        %ne3A_700 = arith.cmpi ne, %rem3A_698, %ne3A_699 : i32
        %lt3A_701 = arith.constant 0 : i32
        %lt3A_702 = arith.cmpi slt, %rem3A_698, %lt3A_701 : i32
        %lt3A_703 = arith.constant 0 : i32
        %lt3A_704 = arith.cmpi slt, %select_n3A_697, %lt3A_703 : i32
        %ne3A_705 = arith.xori %lt3A_702, %lt3A_704 : i1
        %and3A_706 = arith.andi %ne3A_705, %ne3A_700 : i1
        %add3A_707 = arith.addi %rem3A_698, %select_n3A_697 : i32
        %select_n3A_708 = arith.select %and3A_706, %add3A_707, %rem3A_698 : i32
        %mul3A_709 = arith.constant 2560 : i32
        %mul3A_710 = arith.muli %select_n3A_708, %mul3A_709 : i32
        %min3A_711 = arith.constant 47488 : i32
        %min3A_712 = arith.minsi %mul3A_710, %min3A_711 : i32
        %mul3A_713 = arith.constant 50048 : i32
        %mul3A_714 = arith.muli %select_n3A_692, %mul3A_713 : i32
        %add3A_715 = arith.addi %mul3A_714, %min3A_712 : i32
        %dma_start3A_716 = arith.constant 0 : i32
        %dma_start3A_717 = arith.constant 0 : i32
        %dma_start3A_718 = tpu.memref_slice %arg10[%dma_start3A_716, %dma_start3A_717] : memref<2x2560xi32, #tpu.memory_space<vmem>> -> memref<1x2560xi32, #tpu.memory_space<vmem>>
        %dma_start3A_719 = tpu.memref_squeeze %dma_start3A_718 : memref<1x2560xi32, #tpu.memory_space<vmem>> -> memref<2560xi32, #tpu.memory_space<vmem>>
        %dma_start3A_720 = tpu.memref_slice %arg3[%add3A_715] : memref<450432xi32, #tpu.memory_space<hbm>> -> memref<2560xi32, #tpu.memory_space<hbm>>
        %dma_start3A_721 = arith.constant 0 : i32
        %dma_start3A_722 = tpu.memref_slice %arg10[%dma_start3A_716, %dma_start3A_721] : memref<2x2560xi32, #tpu.memory_space<vmem>> -> memref<1x2560xi32, #tpu.memory_space<vmem>>
        %dma_start3A_723 = tpu.memref_squeeze %dma_start3A_722 : memref<1x2560xi32, #tpu.memory_space<vmem>> -> memref<2560xi32, #tpu.memory_space<vmem>>
        %dma_start3A_724 = tpu.memref_slice %arg3[%add3A_715] : memref<450432xi32, #tpu.memory_space<hbm>> -> memref<2560xi32, #tpu.memory_space<hbm>>
        tpu.enqueue_dma source(%dma_start3A_724 : memref<2560xi32, #tpu.memory_space<hbm>>) target(%dma_start3A_723 : memref<2560xi32, #tpu.memory_space<vmem>>) target_semaphore(%arg12 : memref<!tpu.dma_semaphore, #tpu.memory_space<semaphore_mem>>)
      } else {
      }
      %mul3A_497 = arith.constant 2 : i32
      %mul3A_498 = arith.muli %scan3A_335, %mul3A_497 : i32
      %add3A_499 = arith.constant 1 : i32
      %add3A_500 = arith.addi %mul3A_498, %add3A_499 : i32
      %dma_wait3A_501 = arith.constant 1 : i32
      %dma_wait3A_502 = arith.constant 0 : i32
      %dma_wait3A_503 = tpu.memref_slice %arg10[%dma_wait3A_501, %dma_wait3A_502] : memref<2x2560xi32, #tpu.memory_space<vmem>> -> memref<1x2560xi32, #tpu.memory_space<vmem>>
      %dma_wait3A_504 = tpu.memref_squeeze %dma_wait3A_503 : memref<1x2560xi32, #tpu.memory_space<vmem>> -> memref<2560xi32, #tpu.memory_space<vmem>>
      %dma_wait3A_505 = arith.constant 0 : i32
      %dma_wait3A_506 = tpu.memref_slice %arg3[%dma_wait3A_505] : memref<450432xi32, #tpu.memory_space<hbm>> -> memref<2560xi32, #tpu.memory_space<hbm>>
      %dma_wait3A_507 = arith.constant 0 : i32
      %dma_wait3A_508 = tpu.memref_slice %arg10[%dma_wait3A_501, %dma_wait3A_507] : memref<2x2560xi32, #tpu.memory_space<vmem>> -> memref<1x2560xi32, #tpu.memory_space<vmem>>
      %dma_wait3A_509 = tpu.memref_squeeze %dma_wait3A_508 : memref<1x2560xi32, #tpu.memory_space<vmem>> -> memref<2560xi32, #tpu.memory_space<vmem>>
      %dma_wait3A_510 = arith.constant 0 : i32
      %dma_wait3A_511 = tpu.memref_slice %arg3[%dma_wait3A_510] : memref<450432xi32, #tpu.memory_space<hbm>> -> memref<2560xi32, #tpu.memory_space<hbm>>
      tpu.wait_dma2 semaphore(%arg13 : memref<!tpu.dma_semaphore, #tpu.memory_space<semaphore_mem>>) src(%dma_wait3A_511 : memref<2560xi32, #tpu.memory_space<hbm>>) dst(%dma_wait3A_509 : memref<2560xi32, #tpu.memory_space<vmem>>)
      %ge3A_512 = arith.constant 2 : i32
      %ge3A_513 = arith.cmpi sge, %add3A_500, %ge3A_512 : i32
      %convert_element_type3A_514 = arith.extui %ge3A_513 : i1 to i32
      %cond3A_515 = arith.constant 0 : i32
      %cond3A_516 = arith.cmpi ne, %convert_element_type3A_514, %cond3A_515 : i32
      scf.if %cond3A_516 {
        %dma_wait3A_662 = arith.constant 1 : i32
        %dma_wait3A_663 = arith.constant 0 : i32
        %dma_wait3A_664 = arith.constant 0 : i32
        %dma_wait3A_665 = tpu.memref_slice %arg11[%dma_wait3A_662, %dma_wait3A_663, %dma_wait3A_664] : memref<2x2x20480xf32, #tpu.memory_space<vmem>> -> memref<1x1x20480xf32, #tpu.memory_space<vmem>>
        %dma_wait3A_666 = tpu.memref_squeeze %dma_wait3A_665 : memref<1x1x20480xf32, #tpu.memory_space<vmem>> -> memref<20480xf32, #tpu.memory_space<vmem>>
        %dma_wait3A_667 = arith.constant 0 : i32
        %dma_wait3A_668 = tpu.memref_slice %arg6[%dma_wait3A_667] : memref<7206912xf32, #tpu.memory_space<hbm>> -> memref<20480xf32, #tpu.memory_space<hbm>>
        %dma_wait3A_669 = arith.constant 0 : i32
        %dma_wait3A_670 = tpu.memref_slice %arg6[%dma_wait3A_669] : memref<7206912xf32, #tpu.memory_space<hbm>> -> memref<20480xf32, #tpu.memory_space<hbm>>
        %dma_wait3A_671 = arith.constant 0 : i32
        %dma_wait3A_672 = tpu.memref_slice %arg11[%dma_wait3A_662, %dma_wait3A_663, %dma_wait3A_671] : memref<2x2x20480xf32, #tpu.memory_space<vmem>> -> memref<1x1x20480xf32, #tpu.memory_space<vmem>>
        %dma_wait3A_673 = tpu.memref_squeeze %dma_wait3A_672 : memref<1x1x20480xf32, #tpu.memory_space<vmem>> -> memref<20480xf32, #tpu.memory_space<vmem>>
        tpu.wait_dma2 semaphore(%arg15 : memref<!tpu.dma_semaphore, #tpu.memory_space<semaphore_mem>>) src(%dma_wait3A_673 : memref<20480xf32, #tpu.memory_space<vmem>>) dst(%dma_wait3A_670 : memref<20480xf32, #tpu.memory_space<hbm>>)
        %dma_wait3A_674 = arith.constant 1 : i32
        %dma_wait3A_675 = arith.constant 1 : i32
        %dma_wait3A_676 = arith.constant 0 : i32
        %dma_wait3A_677 = tpu.memref_slice %arg11[%dma_wait3A_674, %dma_wait3A_675, %dma_wait3A_676] : memref<2x2x20480xf32, #tpu.memory_space<vmem>> -> memref<1x1x20480xf32, #tpu.memory_space<vmem>>
        %dma_wait3A_678 = tpu.memref_squeeze %dma_wait3A_677 : memref<1x1x20480xf32, #tpu.memory_space<vmem>> -> memref<20480xf32, #tpu.memory_space<vmem>>
        %dma_wait3A_679 = arith.constant 0 : i32
        %dma_wait3A_680 = tpu.memref_slice %arg6[%dma_wait3A_679] : memref<7206912xf32, #tpu.memory_space<hbm>> -> memref<20480xf32, #tpu.memory_space<hbm>>
        %dma_wait3A_681 = arith.constant 0 : i32
        %dma_wait3A_682 = tpu.memref_slice %arg6[%dma_wait3A_681] : memref<7206912xf32, #tpu.memory_space<hbm>> -> memref<20480xf32, #tpu.memory_space<hbm>>
        %dma_wait3A_683 = arith.constant 0 : i32
        %dma_wait3A_684 = tpu.memref_slice %arg11[%dma_wait3A_674, %dma_wait3A_675, %dma_wait3A_683] : memref<2x2x20480xf32, #tpu.memory_space<vmem>> -> memref<1x1x20480xf32, #tpu.memory_space<vmem>>
        %dma_wait3A_685 = tpu.memref_squeeze %dma_wait3A_684 : memref<1x1x20480xf32, #tpu.memory_space<vmem>> -> memref<20480xf32, #tpu.memory_space<vmem>>
        tpu.wait_dma2 semaphore(%arg15 : memref<!tpu.dma_semaphore, #tpu.memory_space<semaphore_mem>>) src(%dma_wait3A_685 : memref<20480xf32, #tpu.memory_space<vmem>>) dst(%dma_wait3A_682 : memref<20480xf32, #tpu.memory_space<hbm>>)
      } else {
      }
      %parallel_loop3A_517 = arith.constant 0 : i32
      %parallel_loop3A_518 = arith.constant 160 : i32
      %parallel_loop3A_519 = arith.constant 1 : i32
      scf.for %parallel_loop3A_662 = %parallel_loop3A_517 to %parallel_loop3A_518 step %parallel_loop3A_519  : i32 {
        %parallel_loop3A_663 = arith.constant 16 : i32
        %parallel_loop3A_664 = arith.muli %parallel_loop3A_662, %parallel_loop3A_663 : i32
        %parallel_loop3A_665 = arith.constant 1 : i32
        %parallel_loop3A_666 = arith.index_cast %parallel_loop3A_665 : i32 to index
        %parallel_loop3A_667 = arith.index_cast %parallel_loop3A_664 : i32 to index
        %parallel_loop3A_668 = tpu.vector_load %arg10[%parallel_loop3A_666, %parallel_loop3A_667] {strides = array<i32>} : memref<2x2560xi32, #tpu.memory_space<vmem>>, vector<16xi32>,
        %parallel_loop3A_669 = arith.constant 16 : i32
        %parallel_loop3A_670 = vector.broadcast %parallel_loop3A_669 : i32 to vector<16xi32>
        %parallel_loop3A_671 = arith.muli %parallel_loop3A_668, %parallel_loop3A_670 : vector<16xi32>
        %parallel_loop3A_672 = arith.constant 8 : i32
        %parallel_loop3A_673 = arith.divsi %parallel_loop3A_662, %parallel_loop3A_672 : i32
        %parallel_loop3A_674 = arith.constant 0 : i32
        %parallel_loop3A_675 = arith.cmpi sgt, %parallel_loop3A_662, %parallel_loop3A_674 : i32
        %parallel_loop3A_676 = arith.extui %parallel_loop3A_675 : i1 to i32
        %parallel_loop3A_677 = arith.constant 0 : i32
        %parallel_loop3A_678 = arith.cmpi slt, %parallel_loop3A_662, %parallel_loop3A_677 : i32
        %parallel_loop3A_679 = arith.extui %parallel_loop3A_678 : i1 to i32
        %parallel_loop3A_680 = arith.subi %parallel_loop3A_676, %parallel_loop3A_679 : i32
        %parallel_loop3A_681 = arith.constant 0 : i32
        %parallel_loop3A_682 = arith.cmpi sgt, %parallel_loop3A_672, %parallel_loop3A_681 : i32
        %parallel_loop3A_683 = arith.extui %parallel_loop3A_682 : i1 to i32
        %parallel_loop3A_684 = arith.constant 0 : i32
        %parallel_loop3A_685 = arith.cmpi slt, %parallel_loop3A_672, %parallel_loop3A_684 : i32
        %parallel_loop3A_686 = arith.extui %parallel_loop3A_685 : i1 to i32
        %parallel_loop3A_687 = arith.subi %parallel_loop3A_683, %parallel_loop3A_686 : i32
        %parallel_loop3A_688 = arith.cmpi ne, %parallel_loop3A_680, %parallel_loop3A_687 : i32
        %parallel_loop3A_689 = arith.remsi %parallel_loop3A_662, %parallel_loop3A_672 : i32
        %parallel_loop3A_690 = arith.constant 0 : i32
        %parallel_loop3A_691 = arith.cmpi ne, %parallel_loop3A_689, %parallel_loop3A_690 : i32
        %parallel_loop3A_692 = arith.andi %parallel_loop3A_688, %parallel_loop3A_691 : i1
        %parallel_loop3A_693 = arith.constant 1 : i32
        %parallel_loop3A_694 = arith.subi %parallel_loop3A_673, %parallel_loop3A_693 : i32
        %parallel_loop3A_695 = arith.select %parallel_loop3A_692, %parallel_loop3A_694, %parallel_loop3A_673 : i32
        %parallel_loop3A_696 = arith.constant 1024 : i32
        %parallel_loop3A_697 = arith.muli %parallel_loop3A_695, %parallel_loop3A_696 : i32
        %parallel_loop3A_698 = arith.constant 8 : i32
        %parallel_loop3A_699 = arith.constant 0 : i32
        %parallel_loop3A_700 = arith.cmpi eq, %parallel_loop3A_698, %parallel_loop3A_699 : i32
        %parallel_loop3A_701 = arith.constant 1 : i32
        %parallel_loop3A_702 = arith.select %parallel_loop3A_700, %parallel_loop3A_701, %parallel_loop3A_698 : i32
        %parallel_loop3A_703 = arith.remsi %parallel_loop3A_662, %parallel_loop3A_702 : i32
        %parallel_loop3A_704 = arith.constant 0 : i32
        %parallel_loop3A_705 = arith.cmpi ne, %parallel_loop3A_703, %parallel_loop3A_704 : i32
        %parallel_loop3A_706 = arith.constant 0 : i32
        %parallel_loop3A_707 = arith.cmpi slt, %parallel_loop3A_703, %parallel_loop3A_706 : i32
        %parallel_loop3A_708 = arith.constant 0 : i32
        %parallel_loop3A_709 = arith.cmpi slt, %parallel_loop3A_702, %parallel_loop3A_708 : i32
        %parallel_loop3A_710 = arith.xori %parallel_loop3A_707, %parallel_loop3A_709 : i1
        %parallel_loop3A_711 = arith.andi %parallel_loop3A_710, %parallel_loop3A_705 : i1
        %parallel_loop3A_712 = arith.addi %parallel_loop3A_703, %parallel_loop3A_702 : i32
        %parallel_loop3A_713 = arith.select %parallel_loop3A_711, %parallel_loop3A_712, %parallel_loop3A_703 : i32
        %parallel_loop3A_714 = arith.constant 16 : i32
        %parallel_loop3A_715 = arith.muli %parallel_loop3A_713, %parallel_loop3A_714 : i32
        %parallel_loop3A_716 = arith.addi %parallel_loop3A_697, %parallel_loop3A_715 : i32
        %parallel_loop3A_717 = arith.constant 0 : i32
        %parallel_loop3A_718 = vector.broadcast %parallel_loop3A_717 : i32 to vector<16xi32>
        %parallel_loop3A_719 = arith.addi %parallel_loop3A_671, %parallel_loop3A_718 : vector<16xi32>
        %parallel_loop3A_720 = tpu.vector_load_idx %arg8[%parallel_loop3A_719] : memref<18432xf32, #tpu.memory_space<vmem>>[vector<16xi32>], vector<16xf32>,
        %parallel_loop3A_721 = arith.constant 1 : i32
        %parallel_loop3A_722 = vector.broadcast %parallel_loop3A_721 : i32 to vector<16xi32>
        %parallel_loop3A_723 = arith.addi %parallel_loop3A_671, %parallel_loop3A_722 : vector<16xi32>
        %parallel_loop3A_724 = tpu.vector_load_idx %arg8[%parallel_loop3A_723] : memref<18432xf32, #tpu.memory_space<vmem>>[vector<16xi32>], vector<16xf32>,
        %parallel_loop3A_725 = arith.constant 2 : i32
        %parallel_loop3A_726 = vector.broadcast %parallel_loop3A_725 : i32 to vector<16xi32>
        %parallel_loop3A_727 = arith.addi %parallel_loop3A_671, %parallel_loop3A_726 : vector<16xi32>
        %parallel_loop3A_728 = tpu.vector_load_idx %arg8[%parallel_loop3A_727] : memref<18432xf32, #tpu.memory_space<vmem>>[vector<16xi32>], vector<16xf32>,
        %parallel_loop3A_729 = arith.constant 3 : i32
        %parallel_loop3A_730 = vector.broadcast %parallel_loop3A_729 : i32 to vector<16xi32>
        %parallel_loop3A_731 = arith.addi %parallel_loop3A_671, %parallel_loop3A_730 : vector<16xi32>
        %parallel_loop3A_732 = tpu.vector_load_idx %arg8[%parallel_loop3A_731] : memref<18432xf32, #tpu.memory_space<vmem>>[vector<16xi32>], vector<16xf32>,
        %parallel_loop3A_733 = arith.constant 0 : i32
        %parallel_loop3A_734 = arith.addi %parallel_loop3A_716, %parallel_loop3A_733 : i32
        %parallel_loop3A_735 = arith.constant 1 : i32
        %parallel_loop3A_736 = arith.constant 0 : i32
        %parallel_loop3A_737 = arith.index_cast %parallel_loop3A_735 : i32 to index
        %parallel_loop3A_738 = arith.index_cast %parallel_loop3A_736 : i32 to index
        %parallel_loop3A_739 = arith.index_cast %parallel_loop3A_734 : i32 to index
        %parallel_loop3A_740 = tpu.vector_load %arg11[%parallel_loop3A_737, %parallel_loop3A_738, %parallel_loop3A_739] {strides = array<i32>} : memref<2x2x20480xf32, #tpu.memory_space<vmem>>, vector<16xf32>,
        tpu.vector_store %arg11[%parallel_loop3A_737, %parallel_loop3A_738, %parallel_loop3A_739], %parallel_loop3A_720 {strides = array<i32>} : memref<2x2x20480xf32, #tpu.memory_space<vmem>>, vector<16xf32>,
        %parallel_loop3A_741 = arith.constant 4 : i32
        %parallel_loop3A_742 = vector.broadcast %parallel_loop3A_741 : i32 to vector<16xi32>
        %parallel_loop3A_743 = arith.addi %parallel_loop3A_671, %parallel_loop3A_742 : vector<16xi32>
        %parallel_loop3A_744 = tpu.vector_load_idx %arg8[%parallel_loop3A_743] : memref<18432xf32, #tpu.memory_space<vmem>>[vector<16xi32>], vector<16xf32>,
        %parallel_loop3A_745 = arith.constant 128 : i32
        %parallel_loop3A_746 = arith.addi %parallel_loop3A_716, %parallel_loop3A_745 : i32
        %parallel_loop3A_747 = arith.constant 1 : i32
        %parallel_loop3A_748 = arith.constant 0 : i32
        %parallel_loop3A_749 = arith.index_cast %parallel_loop3A_747 : i32 to index
        %parallel_loop3A_750 = arith.index_cast %parallel_loop3A_748 : i32 to index
        %parallel_loop3A_751 = arith.index_cast %parallel_loop3A_746 : i32 to index
        %parallel_loop3A_752 = tpu.vector_load %arg11[%parallel_loop3A_749, %parallel_loop3A_750, %parallel_loop3A_751] {strides = array<i32>} : memref<2x2x20480xf32, #tpu.memory_space<vmem>>, vector<16xf32>,
        tpu.vector_store %arg11[%parallel_loop3A_749, %parallel_loop3A_750, %parallel_loop3A_751], %parallel_loop3A_724 {strides = array<i32>} : memref<2x2x20480xf32, #tpu.memory_space<vmem>>, vector<16xf32>,
        %parallel_loop3A_753 = arith.constant 5 : i32
        %parallel_loop3A_754 = vector.broadcast %parallel_loop3A_753 : i32 to vector<16xi32>
        %parallel_loop3A_755 = arith.addi %parallel_loop3A_671, %parallel_loop3A_754 : vector<16xi32>
        %parallel_loop3A_756 = tpu.vector_load_idx %arg8[%parallel_loop3A_755] : memref<18432xf32, #tpu.memory_space<vmem>>[vector<16xi32>], vector<16xf32>,
        %parallel_loop3A_757 = arith.constant 256 : i32
        %parallel_loop3A_758 = arith.addi %parallel_loop3A_716, %parallel_loop3A_757 : i32
        %parallel_loop3A_759 = arith.constant 1 : i32
        %parallel_loop3A_760 = arith.constant 0 : i32
        %parallel_loop3A_761 = arith.index_cast %parallel_loop3A_759 : i32 to index
        %parallel_loop3A_762 = arith.index_cast %parallel_loop3A_760 : i32 to index
        %parallel_loop3A_763 = arith.index_cast %parallel_loop3A_758 : i32 to index
        %parallel_loop3A_764 = tpu.vector_load %arg11[%parallel_loop3A_761, %parallel_loop3A_762, %parallel_loop3A_763] {strides = array<i32>} : memref<2x2x20480xf32, #tpu.memory_space<vmem>>, vector<16xf32>,
        tpu.vector_store %arg11[%parallel_loop3A_761, %parallel_loop3A_762, %parallel_loop3A_763], %parallel_loop3A_728 {strides = array<i32>} : memref<2x2x20480xf32, #tpu.memory_space<vmem>>, vector<16xf32>,
        %parallel_loop3A_765 = arith.constant 6 : i32
        %parallel_loop3A_766 = vector.broadcast %parallel_loop3A_765 : i32 to vector<16xi32>
        %parallel_loop3A_767 = arith.addi %parallel_loop3A_671, %parallel_loop3A_766 : vector<16xi32>
        %parallel_loop3A_768 = tpu.vector_load_idx %arg8[%parallel_loop3A_767] : memref<18432xf32, #tpu.memory_space<vmem>>[vector<16xi32>], vector<16xf32>,
        %parallel_loop3A_769 = arith.constant 384 : i32
        %parallel_loop3A_770 = arith.addi %parallel_loop3A_716, %parallel_loop3A_769 : i32
        %parallel_loop3A_771 = arith.constant 1 : i32
        %parallel_loop3A_772 = arith.constant 0 : i32
        %parallel_loop3A_773 = arith.index_cast %parallel_loop3A_771 : i32 to index
        %parallel_loop3A_774 = arith.index_cast %parallel_loop3A_772 : i32 to index
        %parallel_loop3A_775 = arith.index_cast %parallel_loop3A_770 : i32 to index
        %parallel_loop3A_776 = tpu.vector_load %arg11[%parallel_loop3A_773, %parallel_loop3A_774, %parallel_loop3A_775] {strides = array<i32>} : memref<2x2x20480xf32, #tpu.memory_space<vmem>>, vector<16xf32>,
        tpu.vector_store %arg11[%parallel_loop3A_773, %parallel_loop3A_774, %parallel_loop3A_775], %parallel_loop3A_732 {strides = array<i32>} : memref<2x2x20480xf32, #tpu.memory_space<vmem>>, vector<16xf32>,
        %parallel_loop3A_777 = arith.constant 7 : i32
        %parallel_loop3A_778 = vector.broadcast %parallel_loop3A_777 : i32 to vector<16xi32>
        %parallel_loop3A_779 = arith.addi %parallel_loop3A_671, %parallel_loop3A_778 : vector<16xi32>
        %parallel_loop3A_780 = tpu.vector_load_idx %arg8[%parallel_loop3A_779] : memref<18432xf32, #tpu.memory_space<vmem>>[vector<16xi32>], vector<16xf32>,
        %parallel_loop3A_781 = arith.constant 512 : i32
        %parallel_loop3A_782 = arith.addi %parallel_loop3A_716, %parallel_loop3A_781 : i32
        %parallel_loop3A_783 = arith.constant 1 : i32
        %parallel_loop3A_784 = arith.constant 0 : i32
        %parallel_loop3A_785 = arith.index_cast %parallel_loop3A_783 : i32 to index
        %parallel_loop3A_786 = arith.index_cast %parallel_loop3A_784 : i32 to index
        %parallel_loop3A_787 = arith.index_cast %parallel_loop3A_782 : i32 to index
        %parallel_loop3A_788 = tpu.vector_load %arg11[%parallel_loop3A_785, %parallel_loop3A_786, %parallel_loop3A_787] {strides = array<i32>} : memref<2x2x20480xf32, #tpu.memory_space<vmem>>, vector<16xf32>,
        tpu.vector_store %arg11[%parallel_loop3A_785, %parallel_loop3A_786, %parallel_loop3A_787], %parallel_loop3A_744 {strides = array<i32>} : memref<2x2x20480xf32, #tpu.memory_space<vmem>>, vector<16xf32>,
        %parallel_loop3A_789 = arith.constant 8 : i32
        %parallel_loop3A_790 = vector.broadcast %parallel_loop3A_789 : i32 to vector<16xi32>
        %parallel_loop3A_791 = arith.addi %parallel_loop3A_671, %parallel_loop3A_790 : vector<16xi32>
        %parallel_loop3A_792 = tpu.vector_load_idx %arg8[%parallel_loop3A_791] : memref<18432xf32, #tpu.memory_space<vmem>>[vector<16xi32>], vector<16xf32>,
        %parallel_loop3A_793 = arith.constant 640 : i32
        %parallel_loop3A_794 = arith.addi %parallel_loop3A_716, %parallel_loop3A_793 : i32
        %parallel_loop3A_795 = arith.constant 1 : i32
        %parallel_loop3A_796 = arith.constant 0 : i32
        %parallel_loop3A_797 = arith.index_cast %parallel_loop3A_795 : i32 to index
        %parallel_loop3A_798 = arith.index_cast %parallel_loop3A_796 : i32 to index
        %parallel_loop3A_799 = arith.index_cast %parallel_loop3A_794 : i32 to index
        %parallel_loop3A_800 = tpu.vector_load %arg11[%parallel_loop3A_797, %parallel_loop3A_798, %parallel_loop3A_799] {strides = array<i32>} : memref<2x2x20480xf32, #tpu.memory_space<vmem>>, vector<16xf32>,
        tpu.vector_store %arg11[%parallel_loop3A_797, %parallel_loop3A_798, %parallel_loop3A_799], %parallel_loop3A_756 {strides = array<i32>} : memref<2x2x20480xf32, #tpu.memory_space<vmem>>, vector<16xf32>,
        %parallel_loop3A_801 = arith.constant 9 : i32
        %parallel_loop3A_802 = vector.broadcast %parallel_loop3A_801 : i32 to vector<16xi32>
        %parallel_loop3A_803 = arith.addi %parallel_loop3A_671, %parallel_loop3A_802 : vector<16xi32>
        %parallel_loop3A_804 = tpu.vector_load_idx %arg8[%parallel_loop3A_803] : memref<18432xf32, #tpu.memory_space<vmem>>[vector<16xi32>], vector<16xf32>,
        %parallel_loop3A_805 = arith.constant 768 : i32
        %parallel_loop3A_806 = arith.addi %parallel_loop3A_716, %parallel_loop3A_805 : i32
        %parallel_loop3A_807 = arith.constant 1 : i32
        %parallel_loop3A_808 = arith.constant 0 : i32
        %parallel_loop3A_809 = arith.index_cast %parallel_loop3A_807 : i32 to index
        %parallel_loop3A_810 = arith.index_cast %parallel_loop3A_808 : i32 to index
        %parallel_loop3A_811 = arith.index_cast %parallel_loop3A_806 : i32 to index
        %parallel_loop3A_812 = tpu.vector_load %arg11[%parallel_loop3A_809, %parallel_loop3A_810, %parallel_loop3A_811] {strides = array<i32>} : memref<2x2x20480xf32, #tpu.memory_space<vmem>>, vector<16xf32>,
        tpu.vector_store %arg11[%parallel_loop3A_809, %parallel_loop3A_810, %parallel_loop3A_811], %parallel_loop3A_768 {strides = array<i32>} : memref<2x2x20480xf32, #tpu.memory_space<vmem>>, vector<16xf32>,
        %parallel_loop3A_813 = arith.constant 10 : i32
        %parallel_loop3A_814 = vector.broadcast %parallel_loop3A_813 : i32 to vector<16xi32>
        %parallel_loop3A_815 = arith.addi %parallel_loop3A_671, %parallel_loop3A_814 : vector<16xi32>
        %parallel_loop3A_816 = tpu.vector_load_idx %arg8[%parallel_loop3A_815] : memref<18432xf32, #tpu.memory_space<vmem>>[vector<16xi32>], vector<16xf32>,
        %parallel_loop3A_817 = arith.constant 896 : i32
        %parallel_loop3A_818 = arith.addi %parallel_loop3A_716, %parallel_loop3A_817 : i32
        %parallel_loop3A_819 = arith.constant 1 : i32
        %parallel_loop3A_820 = arith.constant 0 : i32
        %parallel_loop3A_821 = arith.index_cast %parallel_loop3A_819 : i32 to index
        %parallel_loop3A_822 = arith.index_cast %parallel_loop3A_820 : i32 to index
        %parallel_loop3A_823 = arith.index_cast %parallel_loop3A_818 : i32 to index
        %parallel_loop3A_824 = tpu.vector_load %arg11[%parallel_loop3A_821, %parallel_loop3A_822, %parallel_loop3A_823] {strides = array<i32>} : memref<2x2x20480xf32, #tpu.memory_space<vmem>>, vector<16xf32>,
        tpu.vector_store %arg11[%parallel_loop3A_821, %parallel_loop3A_822, %parallel_loop3A_823], %parallel_loop3A_780 {strides = array<i32>} : memref<2x2x20480xf32, #tpu.memory_space<vmem>>, vector<16xf32>,
        %parallel_loop3A_825 = arith.constant 11 : i32
        %parallel_loop3A_826 = vector.broadcast %parallel_loop3A_825 : i32 to vector<16xi32>
        %parallel_loop3A_827 = arith.addi %parallel_loop3A_671, %parallel_loop3A_826 : vector<16xi32>
        %parallel_loop3A_828 = tpu.vector_load_idx %arg8[%parallel_loop3A_827] : memref<18432xf32, #tpu.memory_space<vmem>>[vector<16xi32>], vector<16xf32>,
        %parallel_loop3A_829 = arith.constant 0 : i32
        %parallel_loop3A_830 = arith.addi %parallel_loop3A_716, %parallel_loop3A_829 : i32
        %parallel_loop3A_831 = arith.constant 1 : i32
        %parallel_loop3A_832 = arith.constant 1 : i32
        %parallel_loop3A_833 = arith.index_cast %parallel_loop3A_831 : i32 to index
        %parallel_loop3A_834 = arith.index_cast %parallel_loop3A_832 : i32 to index
        %parallel_loop3A_835 = arith.index_cast %parallel_loop3A_830 : i32 to index
        %parallel_loop3A_836 = tpu.vector_load %arg11[%parallel_loop3A_833, %parallel_loop3A_834, %parallel_loop3A_835] {strides = array<i32>} : memref<2x2x20480xf32, #tpu.memory_space<vmem>>, vector<16xf32>,
        tpu.vector_store %arg11[%parallel_loop3A_833, %parallel_loop3A_834, %parallel_loop3A_835], %parallel_loop3A_792 {strides = array<i32>} : memref<2x2x20480xf32, #tpu.memory_space<vmem>>, vector<16xf32>,
        %parallel_loop3A_837 = arith.constant 12 : i32
        %parallel_loop3A_838 = vector.broadcast %parallel_loop3A_837 : i32 to vector<16xi32>
        %parallel_loop3A_839 = arith.addi %parallel_loop3A_671, %parallel_loop3A_838 : vector<16xi32>
        %parallel_loop3A_840 = tpu.vector_load_idx %arg8[%parallel_loop3A_839] : memref<18432xf32, #tpu.memory_space<vmem>>[vector<16xi32>], vector<16xf32>,
        %parallel_loop3A_841 = arith.constant 128 : i32
        %parallel_loop3A_842 = arith.addi %parallel_loop3A_716, %parallel_loop3A_841 : i32
        %parallel_loop3A_843 = arith.constant 1 : i32
        %parallel_loop3A_844 = arith.constant 1 : i32
        %parallel_loop3A_845 = arith.index_cast %parallel_loop3A_843 : i32 to index
        %parallel_loop3A_846 = arith.index_cast %parallel_loop3A_844 : i32 to index
        %parallel_loop3A_847 = arith.index_cast %parallel_loop3A_842 : i32 to index
        %parallel_loop3A_848 = tpu.vector_load %arg11[%parallel_loop3A_845, %parallel_loop3A_846, %parallel_loop3A_847] {strides = array<i32>} : memref<2x2x20480xf32, #tpu.memory_space<vmem>>, vector<16xf32>,
        tpu.vector_store %arg11[%parallel_loop3A_845, %parallel_loop3A_846, %parallel_loop3A_847], %parallel_loop3A_804 {strides = array<i32>} : memref<2x2x20480xf32, #tpu.memory_space<vmem>>, vector<16xf32>,
        %parallel_loop3A_849 = arith.constant 13 : i32
        %parallel_loop3A_850 = vector.broadcast %parallel_loop3A_849 : i32 to vector<16xi32>
        %parallel_loop3A_851 = arith.addi %parallel_loop3A_671, %parallel_loop3A_850 : vector<16xi32>
        %parallel_loop3A_852 = tpu.vector_load_idx %arg8[%parallel_loop3A_851] : memref<18432xf32, #tpu.memory_space<vmem>>[vector<16xi32>], vector<16xf32>,
        %parallel_loop3A_853 = arith.constant 256 : i32
        %parallel_loop3A_854 = arith.addi %parallel_loop3A_716, %parallel_loop3A_853 : i32
        %parallel_loop3A_855 = arith.constant 1 : i32
        %parallel_loop3A_856 = arith.constant 1 : i32
        %parallel_loop3A_857 = arith.index_cast %parallel_loop3A_855 : i32 to index
        %parallel_loop3A_858 = arith.index_cast %parallel_loop3A_856 : i32 to index
        %parallel_loop3A_859 = arith.index_cast %parallel_loop3A_854 : i32 to index
        %parallel_loop3A_860 = tpu.vector_load %arg11[%parallel_loop3A_857, %parallel_loop3A_858, %parallel_loop3A_859] {strides = array<i32>} : memref<2x2x20480xf32, #tpu.memory_space<vmem>>, vector<16xf32>,
        tpu.vector_store %arg11[%parallel_loop3A_857, %parallel_loop3A_858, %parallel_loop3A_859], %parallel_loop3A_816 {strides = array<i32>} : memref<2x2x20480xf32, #tpu.memory_space<vmem>>, vector<16xf32>,
        %parallel_loop3A_861 = arith.constant 14 : i32
        %parallel_loop3A_862 = vector.broadcast %parallel_loop3A_861 : i32 to vector<16xi32>
        %parallel_loop3A_863 = arith.addi %parallel_loop3A_671, %parallel_loop3A_862 : vector<16xi32>
        %parallel_loop3A_864 = tpu.vector_load_idx %arg8[%parallel_loop3A_863] : memref<18432xf32, #tpu.memory_space<vmem>>[vector<16xi32>], vector<16xf32>,
        %parallel_loop3A_865 = arith.constant 384 : i32
        %parallel_loop3A_866 = arith.addi %parallel_loop3A_716, %parallel_loop3A_865 : i32
        %parallel_loop3A_867 = arith.constant 1 : i32
        %parallel_loop3A_868 = arith.constant 1 : i32
        %parallel_loop3A_869 = arith.index_cast %parallel_loop3A_867 : i32 to index
        %parallel_loop3A_870 = arith.index_cast %parallel_loop3A_868 : i32 to index
        %parallel_loop3A_871 = arith.index_cast %parallel_loop3A_866 : i32 to index
        %parallel_loop3A_872 = tpu.vector_load %arg11[%parallel_loop3A_869, %parallel_loop3A_870, %parallel_loop3A_871] {strides = array<i32>} : memref<2x2x20480xf32, #tpu.memory_space<vmem>>, vector<16xf32>,
        tpu.vector_store %arg11[%parallel_loop3A_869, %parallel_loop3A_870, %parallel_loop3A_871], %parallel_loop3A_828 {strides = array<i32>} : memref<2x2x20480xf32, #tpu.memory_space<vmem>>, vector<16xf32>,
        %parallel_loop3A_873 = arith.constant 15 : i32
        %parallel_loop3A_874 = vector.broadcast %parallel_loop3A_873 : i32 to vector<16xi32>
        %parallel_loop3A_875 = arith.addi %parallel_loop3A_671, %parallel_loop3A_874 : vector<16xi32>
        %parallel_loop3A_876 = tpu.vector_load_idx %arg8[%parallel_loop3A_875] : memref<18432xf32, #tpu.memory_space<vmem>>[vector<16xi32>], vector<16xf32>,
        %parallel_loop3A_877 = arith.constant 512 : i32
        %parallel_loop3A_878 = arith.addi %parallel_loop3A_716, %parallel_loop3A_877 : i32
        %parallel_loop3A_879 = arith.constant 1 : i32
        %parallel_loop3A_880 = arith.constant 1 : i32
        %parallel_loop3A_881 = arith.index_cast %parallel_loop3A_879 : i32 to index
        %parallel_loop3A_882 = arith.index_cast %parallel_loop3A_880 : i32 to index
        %parallel_loop3A_883 = arith.index_cast %parallel_loop3A_878 : i32 to index
        %parallel_loop3A_884 = tpu.vector_load %arg11[%parallel_loop3A_881, %parallel_loop3A_882, %parallel_loop3A_883] {strides = array<i32>} : memref<2x2x20480xf32, #tpu.memory_space<vmem>>, vector<16xf32>,
        tpu.vector_store %arg11[%parallel_loop3A_881, %parallel_loop3A_882, %parallel_loop3A_883], %parallel_loop3A_840 {strides = array<i32>} : memref<2x2x20480xf32, #tpu.memory_space<vmem>>, vector<16xf32>,
        %parallel_loop3A_885 = arith.constant 640 : i32
        %parallel_loop3A_886 = arith.addi %parallel_loop3A_716, %parallel_loop3A_885 : i32
        %parallel_loop3A_887 = arith.constant 1 : i32
        %parallel_loop3A_888 = arith.constant 1 : i32
        %parallel_loop3A_889 = arith.index_cast %parallel_loop3A_887 : i32 to index
        %parallel_loop3A_890 = arith.index_cast %parallel_loop3A_888 : i32 to index
        %parallel_loop3A_891 = arith.index_cast %parallel_loop3A_886 : i32 to index
        %parallel_loop3A_892 = tpu.vector_load %arg11[%parallel_loop3A_889, %parallel_loop3A_890, %parallel_loop3A_891] {strides = array<i32>} : memref<2x2x20480xf32, #tpu.memory_space<vmem>>, vector<16xf32>,
        tpu.vector_store %arg11[%parallel_loop3A_889, %parallel_loop3A_890, %parallel_loop3A_891], %parallel_loop3A_852 {strides = array<i32>} : memref<2x2x20480xf32, #tpu.memory_space<vmem>>, vector<16xf32>,
        %parallel_loop3A_893 = arith.constant 768 : i32
        %parallel_loop3A_894 = arith.addi %parallel_loop3A_716, %parallel_loop3A_893 : i32
        %parallel_loop3A_895 = arith.constant 1 : i32
        %parallel_loop3A_896 = arith.constant 1 : i32
        %parallel_loop3A_897 = arith.index_cast %parallel_loop3A_895 : i32 to index
        %parallel_loop3A_898 = arith.index_cast %parallel_loop3A_896 : i32 to index
        %parallel_loop3A_899 = arith.index_cast %parallel_loop3A_894 : i32 to index
        %parallel_loop3A_900 = tpu.vector_load %arg11[%parallel_loop3A_897, %parallel_loop3A_898, %parallel_loop3A_899] {strides = array<i32>} : memref<2x2x20480xf32, #tpu.memory_space<vmem>>, vector<16xf32>,
        tpu.vector_store %arg11[%parallel_loop3A_897, %parallel_loop3A_898, %parallel_loop3A_899], %parallel_loop3A_864 {strides = array<i32>} : memref<2x2x20480xf32, #tpu.memory_space<vmem>>, vector<16xf32>,
        %parallel_loop3A_901 = arith.constant 896 : i32
        %parallel_loop3A_902 = arith.addi %parallel_loop3A_716, %parallel_loop3A_901 : i32
        %parallel_loop3A_903 = arith.constant 1 : i32
        %parallel_loop3A_904 = arith.constant 1 : i32
        %parallel_loop3A_905 = arith.index_cast %parallel_loop3A_903 : i32 to index
        %parallel_loop3A_906 = arith.index_cast %parallel_loop3A_904 : i32 to index
        %parallel_loop3A_907 = arith.index_cast %parallel_loop3A_902 : i32 to index
        %parallel_loop3A_908 = tpu.vector_load %arg11[%parallel_loop3A_905, %parallel_loop3A_906, %parallel_loop3A_907] {strides = array<i32>} : memref<2x2x20480xf32, #tpu.memory_space<vmem>>, vector<16xf32>,
        tpu.vector_store %arg11[%parallel_loop3A_905, %parallel_loop3A_906, %parallel_loop3A_907], %parallel_loop3A_876 {strides = array<i32>} : memref<2x2x20480xf32, #tpu.memory_space<vmem>>, vector<16xf32>,
      } {sc.loop_unroll_factor = 3 : i64, sc.parallel_access}
      %mul3A_520 = arith.constant 32 : i32
      %mul3A_521 = arith.muli %add3A_500, %mul3A_520 : i32
      %add3A_522 = arith.addi %add3A, %mul3A_521 : i32
      %min3A_523 = arith.constant 179 : i32
      %min3A_524 = arith.minsi %add3A_522, %min3A_523 : i32
      %jit3A_525 = arith.constant 20 : i32
      %div3A_526 = arith.divsi %min3A_524, %jit3A_525 : i32
      %sign3A_527 = arith.constant 0 : i32
      %sign3A_528 = arith.cmpi sgt, %min3A_524, %sign3A_527 : i32
      %sign3A_529 = arith.extui %sign3A_528 : i1 to i32
      %sign3A_530 = arith.constant 0 : i32
      %sign3A_531 = arith.cmpi slt, %min3A_524, %sign3A_530 : i32
      %sign3A_532 = arith.extui %sign3A_531 : i1 to i32
      %sign3A_533 = arith.subi %sign3A_529, %sign3A_532 : i32
      %sign3A_534 = arith.constant 0 : i32
      %sign3A_535 = arith.cmpi sgt, %jit3A_525, %sign3A_534 : i32
      %sign3A_536 = arith.extui %sign3A_535 : i1 to i32
      %sign3A_537 = arith.constant 0 : i32
      %sign3A_538 = arith.cmpi slt, %jit3A_525, %sign3A_537 : i32
      %sign3A_539 = arith.extui %sign3A_538 : i1 to i32
      %sign3A_540 = arith.subi %sign3A_536, %sign3A_539 : i32
      %ne3A_541 = arith.cmpi ne, %sign3A_533, %sign3A_540 : i32
      %rem3A_542 = arith.remsi %min3A_524, %jit3A_525 : i32
      %ne3A_543 = arith.constant 0 : i32
      %ne3A_544 = arith.cmpi ne, %rem3A_542, %ne3A_543 : i32
      %and3A_545 = arith.andi %ne3A_541, %ne3A_544 : i1
      %sub3A_546 = arith.constant 1 : i32
      %sub3A_547 = arith.subi %div3A_526, %sub3A_546 : i32
      %select_n3A_548 = arith.select %and3A_545, %sub3A_547, %div3A_526 : i32
      %jit3A_549 = arith.constant 20 : i32
      %eq3A_550 = arith.constant 0 : i32
      %eq3A_551 = arith.cmpi eq, %jit3A_549, %eq3A_550 : i32
      %jit3A_552 = arith.constant 1 : i32
      %select_n3A_553 = arith.select %eq3A_551, %jit3A_552, %jit3A_549 : i32
      %rem3A_554 = arith.remsi %min3A_524, %select_n3A_553 : i32
      %ne3A_555 = arith.constant 0 : i32
      %ne3A_556 = arith.cmpi ne, %rem3A_554, %ne3A_555 : i32
      %lt3A_557 = arith.constant 0 : i32
      %lt3A_558 = arith.cmpi slt, %rem3A_554, %lt3A_557 : i32
      %lt3A_559 = arith.constant 0 : i32
      %lt3A_560 = arith.cmpi slt, %select_n3A_553, %lt3A_559 : i32
      %ne3A_561 = arith.xori %lt3A_558, %lt3A_560 : i1
      %and3A_562 = arith.andi %ne3A_561, %ne3A_556 : i1
      %add3A_563 = arith.addi %rem3A_554, %select_n3A_553 : i32
      %select_n3A_564 = arith.select %and3A_562, %add3A_563, %rem3A_554 : i32
      %mul3A_565 = arith.constant 2560 : i32
      %mul3A_566 = arith.muli %select_n3A_564, %mul3A_565 : i32
      %min3A_567 = arith.constant 47488 : i32
      %min3A_568 = arith.minsi %mul3A_566, %min3A_567 : i32
      %mul3A_569 = arith.constant 2 : i32
      %mul3A_570 = arith.muli %select_n3A_548, %mul3A_569 : i32
      %add3A_571 = arith.constant 0 : i32
      %add3A_572 = arith.addi %mul3A_570, %add3A_571 : i32
      %mul3A_573 = arith.constant 391 : i32
      %mul3A_574 = arith.muli %add3A_572, %mul3A_573 : i32
      %jit3A_575 = arith.constant 128 : i32
      %div3A_576 = arith.divsi %min3A_568, %jit3A_575 : i32
      %sign3A_577 = arith.constant 0 : i32
      %sign3A_578 = arith.cmpi sgt, %min3A_568, %sign3A_577 : i32
      %sign3A_579 = arith.extui %sign3A_578 : i1 to i32
      %sign3A_580 = arith.constant 0 : i32
      %sign3A_581 = arith.cmpi slt, %min3A_568, %sign3A_580 : i32
      %sign3A_582 = arith.extui %sign3A_581 : i1 to i32
      %sign3A_583 = arith.subi %sign3A_579, %sign3A_582 : i32
      %sign3A_584 = arith.constant 0 : i32
      %sign3A_585 = arith.cmpi sgt, %jit3A_575, %sign3A_584 : i32
      %sign3A_586 = arith.extui %sign3A_585 : i1 to i32
      %sign3A_587 = arith.constant 0 : i32
      %sign3A_588 = arith.cmpi slt, %jit3A_575, %sign3A_587 : i32
      %sign3A_589 = arith.extui %sign3A_588 : i1 to i32
      %sign3A_590 = arith.subi %sign3A_586, %sign3A_589 : i32
      %ne3A_591 = arith.cmpi ne, %sign3A_583, %sign3A_590 : i32
      %rem3A_592 = arith.remsi %min3A_568, %jit3A_575 : i32
      %ne3A_593 = arith.constant 0 : i32
      %ne3A_594 = arith.cmpi ne, %rem3A_592, %ne3A_593 : i32
      %and3A_595 = arith.andi %ne3A_591, %ne3A_594 : i1
      %sub3A_596 = arith.constant 1 : i32
      %sub3A_597 = arith.subi %div3A_576, %sub3A_596 : i32
      %select_n3A_598 = arith.select %and3A_595, %sub3A_597, %div3A_576 : i32
      %add3A_599 = arith.addi %mul3A_574, %select_n3A_598 : i32
      %mul3A_600 = arith.constant 1024 : i32
      %mul3A_601 = arith.muli %add3A_599, %mul3A_600 : i32
      %dma_start3A_602 = arith.constant 1 : i32
      %dma_start3A_603 = arith.constant 0 : i32
      %dma_start3A_604 = arith.constant 0 : i32
      %dma_start3A_605 = tpu.memref_slice %arg11[%dma_start3A_602, %dma_start3A_603, %dma_start3A_604] : memref<2x2x20480xf32, #tpu.memory_space<vmem>> -> memref<1x1x20480xf32, #tpu.memory_space<vmem>>
      %dma_start3A_606 = tpu.memref_squeeze %dma_start3A_605 : memref<1x1x20480xf32, #tpu.memory_space<vmem>> -> memref<20480xf32, #tpu.memory_space<vmem>>
      %dma_start3A_607 = tpu.memref_slice %arg6[%mul3A_601] : memref<7206912xf32, #tpu.memory_space<hbm>> -> memref<20480xf32, #tpu.memory_space<hbm>>
      %dma_start3A_608 = tpu.memref_slice %arg6[%mul3A_601] : memref<7206912xf32, #tpu.memory_space<hbm>> -> memref<20480xf32, #tpu.memory_space<hbm>>
      %dma_start3A_609 = arith.constant 0 : i32
      %dma_start3A_610 = tpu.memref_slice %arg11[%dma_start3A_602, %dma_start3A_603, %dma_start3A_609] : memref<2x2x20480xf32, #tpu.memory_space<vmem>> -> memref<1x1x20480xf32, #tpu.memory_space<vmem>>
      %dma_start3A_611 = tpu.memref_squeeze %dma_start3A_610 : memref<1x1x20480xf32, #tpu.memory_space<vmem>> -> memref<20480xf32, #tpu.memory_space<vmem>>
      tpu.enqueue_dma source(%dma_start3A_611 : memref<20480xf32, #tpu.memory_space<vmem>>) target(%dma_start3A_608 : memref<20480xf32, #tpu.memory_space<hbm>>) target_semaphore(%arg15 : memref<!tpu.dma_semaphore, #tpu.memory_space<semaphore_mem>>)
      %mul3A_612 = arith.constant 2 : i32
      %mul3A_613 = arith.muli %select_n3A_548, %mul3A_612 : i32
      %add3A_614 = arith.constant 1 : i32
      %add3A_615 = arith.addi %mul3A_613, %add3A_614 : i32
      %mul3A_616 = arith.constant 391 : i32
      %mul3A_617 = arith.muli %add3A_615, %mul3A_616 : i32
      %jit3A_618 = arith.constant 128 : i32
      %div3A_619 = arith.divsi %min3A_568, %jit3A_618 : i32
      %sign3A_620 = arith.constant 0 : i32
      %sign3A_621 = arith.cmpi sgt, %min3A_568, %sign3A_620 : i32
      %sign3A_622 = arith.extui %sign3A_621 : i1 to i32
      %sign3A_623 = arith.constant 0 : i32
      %sign3A_624 = arith.cmpi slt, %min3A_568, %sign3A_623 : i32
      %sign3A_625 = arith.extui %sign3A_624 : i1 to i32
      %sign3A_626 = arith.subi %sign3A_622, %sign3A_625 : i32
      %sign3A_627 = arith.constant 0 : i32
      %sign3A_628 = arith.cmpi sgt, %jit3A_618, %sign3A_627 : i32
      %sign3A_629 = arith.extui %sign3A_628 : i1 to i32
      %sign3A_630 = arith.constant 0 : i32
      %sign3A_631 = arith.cmpi slt, %jit3A_618, %sign3A_630 : i32
      %sign3A_632 = arith.extui %sign3A_631 : i1 to i32
      %sign3A_633 = arith.subi %sign3A_629, %sign3A_632 : i32
      %ne3A_634 = arith.cmpi ne, %sign3A_626, %sign3A_633 : i32
      %rem3A_635 = arith.remsi %min3A_568, %jit3A_618 : i32
      %ne3A_636 = arith.constant 0 : i32
      %ne3A_637 = arith.cmpi ne, %rem3A_635, %ne3A_636 : i32
      %and3A_638 = arith.andi %ne3A_634, %ne3A_637 : i1
      %sub3A_639 = arith.constant 1 : i32
      %sub3A_640 = arith.subi %div3A_619, %sub3A_639 : i32
      %select_n3A_641 = arith.select %and3A_638, %sub3A_640, %div3A_619 : i32
      %add3A_642 = arith.addi %mul3A_617, %select_n3A_641 : i32
      %mul3A_643 = arith.constant 1024 : i32
      %mul3A_644 = arith.muli %add3A_642, %mul3A_643 : i32
      %dma_start3A_645 = arith.constant 1 : i32
      %dma_start3A_646 = arith.constant 1 : i32
      %dma_start3A_647 = arith.constant 0 : i32
      %dma_start3A_648 = tpu.memref_slice %arg11[%dma_start3A_645, %dma_start3A_646, %dma_start3A_647] : memref<2x2x20480xf32, #tpu.memory_space<vmem>> -> memref<1x1x20480xf32, #tpu.memory_space<vmem>>
      %dma_start3A_649 = tpu.memref_squeeze %dma_start3A_648 : memref<1x1x20480xf32, #tpu.memory_space<vmem>> -> memref<20480xf32, #tpu.memory_space<vmem>>
      %dma_start3A_650 = tpu.memref_slice %arg6[%mul3A_644] : memref<7206912xf32, #tpu.memory_space<hbm>> -> memref<20480xf32, #tpu.memory_space<hbm>>
      %dma_start3A_651 = tpu.memref_slice %arg6[%mul3A_644] : memref<7206912xf32, #tpu.memory_space<hbm>> -> memref<20480xf32, #tpu.memory_space<hbm>>
      %dma_start3A_652 = arith.constant 0 : i32
      %dma_start3A_653 = tpu.memref_slice %arg11[%dma_start3A_645, %dma_start3A_646, %dma_start3A_652] : memref<2x2x20480xf32, #tpu.memory_space<vmem>> -> memref<1x1x20480xf32, #tpu.memory_space<vmem>>
      %dma_start3A_654 = tpu.memref_squeeze %dma_start3A_653 : memref<1x1x20480xf32, #tpu.memory_space<vmem>> -> memref<20480xf32, #tpu.memory_space<vmem>>
      tpu.enqueue_dma source(%dma_start3A_654 : memref<20480xf32, #tpu.memory_space<vmem>>) target(%dma_start3A_651 : memref<20480xf32, #tpu.memory_space<hbm>>) target_semaphore(%arg15 : memref<!tpu.dma_semaphore, #tpu.memory_space<semaphore_mem>>)
      %add3A_655 = arith.constant 2 : i32
      %add3A_656 = arith.addi %add3A_500, %add3A_655 : i32
      %lt3A_657 = arith.constant 6 : i32
      %lt3A_658 = arith.cmpi slt, %add3A_656, %lt3A_657 : i32
      %convert_element_type3A_659 = arith.extui %lt3A_658 : i1 to i32
      %cond3A_660 = arith.constant 0 : i32
      %cond3A_661 = arith.cmpi ne, %convert_element_type3A_659, %cond3A_660 : i32
      scf.if %cond3A_661 {
        %add3A_662 = arith.constant 2 : i32
        %add3A_663 = arith.addi %add3A_500, %add3A_662 : i32
        %mul3A_664 = arith.constant 32 : i32
        %mul3A_665 = arith.muli %add3A_663, %mul3A_664 : i32
        %add3A_666 = arith.addi %add3A, %mul3A_665 : i32
        %min3A_667 = arith.constant 179 : i32
        %min3A_668 = arith.minsi %add3A_666, %min3A_667 : i32
        %jit3A_669 = arith.constant 20 : i32
        %div3A_670 = arith.divsi %min3A_668, %jit3A_669 : i32
        %sign3A_671 = arith.constant 0 : i32
        %sign3A_672 = arith.cmpi sgt, %min3A_668, %sign3A_671 : i32
        %sign3A_673 = arith.extui %sign3A_672 : i1 to i32
        %sign3A_674 = arith.constant 0 : i32
        %sign3A_675 = arith.cmpi slt, %min3A_668, %sign3A_674 : i32
        %sign3A_676 = arith.extui %sign3A_675 : i1 to i32
        %sign3A_677 = arith.subi %sign3A_673, %sign3A_676 : i32
        %sign3A_678 = arith.constant 0 : i32
        %sign3A_679 = arith.cmpi sgt, %jit3A_669, %sign3A_678 : i32
        %sign3A_680 = arith.extui %sign3A_679 : i1 to i32
        %sign3A_681 = arith.constant 0 : i32
        %sign3A_682 = arith.cmpi slt, %jit3A_669, %sign3A_681 : i32
        %sign3A_683 = arith.extui %sign3A_682 : i1 to i32
        %sign3A_684 = arith.subi %sign3A_680, %sign3A_683 : i32
        %ne3A_685 = arith.cmpi ne, %sign3A_677, %sign3A_684 : i32
        %rem3A_686 = arith.remsi %min3A_668, %jit3A_669 : i32
        %ne3A_687 = arith.constant 0 : i32
        %ne3A_688 = arith.cmpi ne, %rem3A_686, %ne3A_687 : i32
        %and3A_689 = arith.andi %ne3A_685, %ne3A_688 : i1
        %sub3A_690 = arith.constant 1 : i32
        %sub3A_691 = arith.subi %div3A_670, %sub3A_690 : i32
        %select_n3A_692 = arith.select %and3A_689, %sub3A_691, %div3A_670 : i32
        %jit3A_693 = arith.constant 20 : i32
        %eq3A_694 = arith.constant 0 : i32
        %eq3A_695 = arith.cmpi eq, %jit3A_693, %eq3A_694 : i32
        %jit3A_696 = arith.constant 1 : i32
        %select_n3A_697 = arith.select %eq3A_695, %jit3A_696, %jit3A_693 : i32
        %rem3A_698 = arith.remsi %min3A_668, %select_n3A_697 : i32
        %ne3A_699 = arith.constant 0 : i32
        %ne3A_700 = arith.cmpi ne, %rem3A_698, %ne3A_699 : i32
        %lt3A_701 = arith.constant 0 : i32
        %lt3A_702 = arith.cmpi slt, %rem3A_698, %lt3A_701 : i32
        %lt3A_703 = arith.constant 0 : i32
        %lt3A_704 = arith.cmpi slt, %select_n3A_697, %lt3A_703 : i32
        %ne3A_705 = arith.xori %lt3A_702, %lt3A_704 : i1
        %and3A_706 = arith.andi %ne3A_705, %ne3A_700 : i1
        %add3A_707 = arith.addi %rem3A_698, %select_n3A_697 : i32
        %select_n3A_708 = arith.select %and3A_706, %add3A_707, %rem3A_698 : i32
        %mul3A_709 = arith.constant 2560 : i32
        %mul3A_710 = arith.muli %select_n3A_708, %mul3A_709 : i32
        %min3A_711 = arith.constant 47488 : i32
        %min3A_712 = arith.minsi %mul3A_710, %min3A_711 : i32
        %mul3A_713 = arith.constant 50048 : i32
        %mul3A_714 = arith.muli %select_n3A_692, %mul3A_713 : i32
        %add3A_715 = arith.addi %mul3A_714, %min3A_712 : i32
        %dma_start3A_716 = arith.constant 1 : i32
        %dma_start3A_717 = arith.constant 0 : i32
        %dma_start3A_718 = tpu.memref_slice %arg10[%dma_start3A_716, %dma_start3A_717] : memref<2x2560xi32, #tpu.memory_space<vmem>> -> memref<1x2560xi32, #tpu.memory_space<vmem>>
        %dma_start3A_719 = tpu.memref_squeeze %dma_start3A_718 : memref<1x2560xi32, #tpu.memory_space<vmem>> -> memref<2560xi32, #tpu.memory_space<vmem>>
        %dma_start3A_720 = tpu.memref_slice %arg3[%add3A_715] : memref<450432xi32, #tpu.memory_space<hbm>> -> memref<2560xi32, #tpu.memory_space<hbm>>
        %dma_start3A_721 = arith.constant 0 : i32
        %dma_start3A_722 = tpu.memref_slice %arg10[%dma_start3A_716, %dma_start3A_721] : memref<2x2560xi32, #tpu.memory_space<vmem>> -> memref<1x2560xi32, #tpu.memory_space<vmem>>
        %dma_start3A_723 = tpu.memref_squeeze %dma_start3A_722 : memref<1x2560xi32, #tpu.memory_space<vmem>> -> memref<2560xi32, #tpu.memory_space<vmem>>
        %dma_start3A_724 = tpu.memref_slice %arg3[%add3A_715] : memref<450432xi32, #tpu.memory_space<hbm>> -> memref<2560xi32, #tpu.memory_space<hbm>>
        tpu.enqueue_dma source(%dma_start3A_724 : memref<2560xi32, #tpu.memory_space<hbm>>) target(%dma_start3A_723 : memref<2560xi32, #tpu.memory_space<vmem>>) target_semaphore(%arg13 : memref<!tpu.dma_semaphore, #tpu.memory_space<semaphore_mem>>)
      } else {
      }
    }
    %scan3A_113 = arith.constant 3 : i32
    %dma_wait3A = arith.constant 0 : i32
    %dma_wait3A_114 = arith.constant 0 : i32
    %dma_wait3A_115 = arith.constant 0 : i32
    %dma_wait3A_116 = tpu.memref_slice %arg11[%dma_wait3A, %dma_wait3A_114, %dma_wait3A_115] : memref<2x2x20480xf32, #tpu.memory_space<vmem>> -> memref<1x1x20480xf32, #tpu.memory_space<vmem>>
    %dma_wait3A_117 = tpu.memref_squeeze %dma_wait3A_116 : memref<1x1x20480xf32, #tpu.memory_space<vmem>> -> memref<20480xf32, #tpu.memory_space<vmem>>
    %dma_wait3A_118 = arith.constant 0 : i32
    %dma_wait3A_119 = tpu.memref_slice %arg6[%dma_wait3A_118] : memref<7206912xf32, #tpu.memory_space<hbm>> -> memref<20480xf32, #tpu.memory_space<hbm>>
    %dma_wait3A_120 = arith.constant 0 : i32
    %dma_wait3A_121 = tpu.memref_slice %arg6[%dma_wait3A_120] : memref<7206912xf32, #tpu.memory_space<hbm>> -> memref<20480xf32, #tpu.memory_space<hbm>>
    %dma_wait3A_122 = arith.constant 0 : i32
    %dma_wait3A_123 = tpu.memref_slice %arg11[%dma_wait3A, %dma_wait3A_114, %dma_wait3A_122] : memref<2x2x20480xf32, #tpu.memory_space<vmem>> -> memref<1x1x20480xf32, #tpu.memory_space<vmem>>
    %dma_wait3A_124 = tpu.memref_squeeze %dma_wait3A_123 : memref<1x1x20480xf32, #tpu.memory_space<vmem>> -> memref<20480xf32, #tpu.memory_space<vmem>>
    tpu.wait_dma2 semaphore(%arg14 : memref<!tpu.dma_semaphore, #tpu.memory_space<semaphore_mem>>) src(%dma_wait3A_124 : memref<20480xf32, #tpu.memory_space<vmem>>) dst(%dma_wait3A_121 : memref<20480xf32, #tpu.memory_space<hbm>>)
    %dma_wait3A_125 = arith.constant 0 : i32
    %dma_wait3A_126 = arith.constant 1 : i32
    %dma_wait3A_127 = arith.constant 0 : i32
    %dma_wait3A_128 = tpu.memref_slice %arg11[%dma_wait3A_125, %dma_wait3A_126, %dma_wait3A_127] : memref<2x2x20480xf32, #tpu.memory_space<vmem>> -> memref<1x1x20480xf32, #tpu.memory_space<vmem>>
    %dma_wait3A_129 = tpu.memref_squeeze %dma_wait3A_128 : memref<1x1x20480xf32, #tpu.memory_space<vmem>> -> memref<20480xf32, #tpu.memory_space<vmem>>
    %dma_wait3A_130 = arith.constant 0 : i32
    %dma_wait3A_131 = tpu.memref_slice %arg6[%dma_wait3A_130] : memref<7206912xf32, #tpu.memory_space<hbm>> -> memref<20480xf32, #tpu.memory_space<hbm>>
    %dma_wait3A_132 = arith.constant 0 : i32
    %dma_wait3A_133 = tpu.memref_slice %arg6[%dma_wait3A_132] : memref<7206912xf32, #tpu.memory_space<hbm>> -> memref<20480xf32, #tpu.memory_space<hbm>>
    %dma_wait3A_134 = arith.constant 0 : i32
    %dma_wait3A_135 = tpu.memref_slice %arg11[%dma_wait3A_125, %dma_wait3A_126, %dma_wait3A_134] : memref<2x2x20480xf32, #tpu.memory_space<vmem>> -> memref<1x1x20480xf32, #tpu.memory_space<vmem>>
    %dma_wait3A_136 = tpu.memref_squeeze %dma_wait3A_135 : memref<1x1x20480xf32, #tpu.memory_space<vmem>> -> memref<20480xf32, #tpu.memory_space<vmem>>
    tpu.wait_dma2 semaphore(%arg14 : memref<!tpu.dma_semaphore, #tpu.memory_space<semaphore_mem>>) src(%dma_wait3A_136 : memref<20480xf32, #tpu.memory_space<vmem>>) dst(%dma_wait3A_133 : memref<20480xf32, #tpu.memory_space<hbm>>)
    %dma_wait3A_137 = arith.constant 1 : i32
    %dma_wait3A_138 = arith.constant 0 : i32
    %dma_wait3A_139 = arith.constant 0 : i32
    %dma_wait3A_140 = tpu.memref_slice %arg11[%dma_wait3A_137, %dma_wait3A_138, %dma_wait3A_139] : memref<2x2x20480xf32, #tpu.memory_space<vmem>> -> memref<1x1x20480xf32, #tpu.memory_space<vmem>>
    %dma_wait3A_141 = tpu.memref_squeeze %dma_wait3A_140 : memref<1x1x20480xf32, #tpu.memory_space<vmem>> -> memref<20480xf32, #tpu.memory_space<vmem>>
    %dma_wait3A_142 = arith.constant 0 : i32
    %dma_wait3A_143 = tpu.memref_slice %arg6[%dma_wait3A_142] : memref<7206912xf32, #tpu.memory_space<hbm>> -> memref<20480xf32, #tpu.memory_space<hbm>>
    %dma_wait3A_144 = arith.constant 0 : i32
    %dma_wait3A_145 = tpu.memref_slice %arg6[%dma_wait3A_144] : memref<7206912xf32, #tpu.memory_space<hbm>> -> memref<20480xf32, #tpu.memory_space<hbm>>
    %dma_wait3A_146 = arith.constant 0 : i32
    %dma_wait3A_147 = tpu.memref_slice %arg11[%dma_wait3A_137, %dma_wait3A_138, %dma_wait3A_146] : memref<2x2x20480xf32, #tpu.memory_space<vmem>> -> memref<1x1x20480xf32, #tpu.memory_space<vmem>>
    %dma_wait3A_148 = tpu.memref_squeeze %dma_wait3A_147 : memref<1x1x20480xf32, #tpu.memory_space<vmem>> -> memref<20480xf32, #tpu.memory_space<vmem>>
    tpu.wait_dma2 semaphore(%arg15 : memref<!tpu.dma_semaphore, #tpu.memory_space<semaphore_mem>>) src(%dma_wait3A_148 : memref<20480xf32, #tpu.memory_space<vmem>>) dst(%dma_wait3A_145 : memref<20480xf32, #tpu.memory_space<hbm>>)
    %dma_wait3A_149 = arith.constant 1 : i32
    %dma_wait3A_150 = arith.constant 1 : i32
    %dma_wait3A_151 = arith.constant 0 : i32
    %dma_wait3A_152 = tpu.memref_slice %arg11[%dma_wait3A_149, %dma_wait3A_150, %dma_wait3A_151] : memref<2x2x20480xf32, #tpu.memory_space<vmem>> -> memref<1x1x20480xf32, #tpu.memory_space<vmem>>
    %dma_wait3A_153 = tpu.memref_squeeze %dma_wait3A_152 : memref<1x1x20480xf32, #tpu.memory_space<vmem>> -> memref<20480xf32, #tpu.memory_space<vmem>>
    %dma_wait3A_154 = arith.constant 0 : i32
    %dma_wait3A_155 = tpu.memref_slice %arg6[%dma_wait3A_154] : memref<7206912xf32, #tpu.memory_space<hbm>> -> memref<20480xf32, #tpu.memory_space<hbm>>
    %dma_wait3A_156 = arith.constant 0 : i32
    %dma_wait3A_157 = tpu.memref_slice %arg6[%dma_wait3A_156] : memref<7206912xf32, #tpu.memory_space<hbm>> -> memref<20480xf32, #tpu.memory_space<hbm>>
    %dma_wait3A_158 = arith.constant 0 : i32
    %dma_wait3A_159 = tpu.memref_slice %arg11[%dma_wait3A_149, %dma_wait3A_150, %dma_wait3A_158] : memref<2x2x20480xf32, #tpu.memory_space<vmem>> -> memref<1x1x20480xf32, #tpu.memory_space<vmem>>
    %dma_wait3A_160 = tpu.memref_squeeze %dma_wait3A_159 : memref<1x1x20480xf32, #tpu.memory_space<vmem>> -> memref<20480xf32, #tpu.memory_space<vmem>>
    tpu.wait_dma2 semaphore(%arg15 : memref<!tpu.dma_semaphore, #tpu.memory_space<semaphore_mem>>) src(%dma_wait3A_160 : memref<20480xf32, #tpu.memory_space<vmem>>) dst(%dma_wait3A_157 : memref<20480xf32, #tpu.memory_space<hbm>>)
    %add3A_161 = arith.constant 0 : i32
    %add3A_162 = arith.addi %add3A, %add3A_161 : i32
    %min3A_163 = arith.constant 938 : i32
    %min3A_164 = arith.minsi %add3A_162, %min3A_163 : i32
    %jit3A_165 = arith.constant 313 : i32
    %div3A_166 = arith.divsi %min3A_164, %jit3A_165 : i32
    %sign3A_167 = arith.constant 0 : i32
    %sign3A_168 = arith.cmpi sgt, %min3A_164, %sign3A_167 : i32
    %sign3A_169 = arith.extui %sign3A_168 : i1 to i32
    %sign3A_170 = arith.constant 0 : i32
    %sign3A_171 = arith.cmpi slt, %min3A_164, %sign3A_170 : i32
    %sign3A_172 = arith.extui %sign3A_171 : i1 to i32
    %sign3A_173 = arith.subi %sign3A_169, %sign3A_172 : i32
    %sign3A_174 = arith.constant 0 : i32
    %sign3A_175 = arith.cmpi sgt, %jit3A_165, %sign3A_174 : i32
    %sign3A_176 = arith.extui %sign3A_175 : i1 to i32
    %sign3A_177 = arith.constant 0 : i32
    %sign3A_178 = arith.cmpi slt, %jit3A_165, %sign3A_177 : i32
    %sign3A_179 = arith.extui %sign3A_178 : i1 to i32
    %sign3A_180 = arith.subi %sign3A_176, %sign3A_179 : i32
    %ne3A_181 = arith.cmpi ne, %sign3A_173, %sign3A_180 : i32
    %rem3A_182 = arith.remsi %min3A_164, %jit3A_165 : i32
    %ne3A_183 = arith.constant 0 : i32
    %ne3A_184 = arith.cmpi ne, %rem3A_182, %ne3A_183 : i32
    %and3A_185 = arith.andi %ne3A_181, %ne3A_184 : i1
    %sub3A_186 = arith.constant 1 : i32
    %sub3A_187 = arith.subi %div3A_166, %sub3A_186 : i32
    %select_n3A_188 = arith.select %and3A_185, %sub3A_187, %div3A_166 : i32
    %jit3A_189 = arith.constant 313 : i32
    %eq3A_190 = arith.constant 0 : i32
    %eq3A_191 = arith.cmpi eq, %jit3A_189, %eq3A_190 : i32
    %jit3A_192 = arith.constant 1 : i32
    %select_n3A_193 = arith.select %eq3A_191, %jit3A_192, %jit3A_189 : i32
    %rem3A_194 = arith.remsi %min3A_164, %select_n3A_193 : i32
    %ne3A_195 = arith.constant 0 : i32
    %ne3A_196 = arith.cmpi ne, %rem3A_194, %ne3A_195 : i32
    %lt3A_197 = arith.constant 0 : i32
    %lt3A_198 = arith.cmpi slt, %rem3A_194, %lt3A_197 : i32
    %lt3A_199 = arith.constant 0 : i32
    %lt3A_200 = arith.cmpi slt, %select_n3A_193, %lt3A_199 : i32
    %ne3A_201 = arith.xori %lt3A_198, %lt3A_200 : i1
    %and3A_202 = arith.andi %ne3A_201, %ne3A_196 : i1
    %add3A_203 = arith.addi %rem3A_194, %select_n3A_193 : i32
    %select_n3A_204 = arith.select %and3A_202, %add3A_203, %rem3A_194 : i32
    %mul3A_205 = arith.constant 2560 : i32
    %mul3A_206 = arith.muli %select_n3A_204, %mul3A_205 : i32
    %min3A_207 = arith.constant 797440 : i32
    %min3A_208 = arith.minsi %mul3A_206, %min3A_207 : i32
    %mul3A_209 = arith.constant 800000 : i32
    %mul3A_210 = arith.muli %select_n3A_188, %mul3A_209 : i32
    %add3A_211 = arith.addi %mul3A_210, %min3A_208 : i32
    %dma_start3A_212 = arith.constant 0 : i32
    %dma_start3A_213 = arith.constant 0 : i32
    %dma_start3A_214 = tpu.memref_slice %arg10[%dma_start3A_212, %dma_start3A_213] : memref<2x2560xi32, #tpu.memory_space<vmem>> -> memref<1x2560xi32, #tpu.memory_space<vmem>>
    %dma_start3A_215 = tpu.memref_squeeze %dma_start3A_214 : memref<1x2560xi32, #tpu.memory_space<vmem>> -> memref<2560xi32, #tpu.memory_space<vmem>>
    %dma_start3A_216 = tpu.memref_slice %arg5[%add3A_211] : memref<2400000xi32, #tpu.memory_space<hbm>> -> memref<2560xi32, #tpu.memory_space<hbm>>
    %dma_start3A_217 = arith.constant 0 : i32
    %dma_start3A_218 = tpu.memref_slice %arg10[%dma_start3A_212, %dma_start3A_217] : memref<2x2560xi32, #tpu.memory_space<vmem>> -> memref<1x2560xi32, #tpu.memory_space<vmem>>
    %dma_start3A_219 = tpu.memref_squeeze %dma_start3A_218 : memref<1x2560xi32, #tpu.memory_space<vmem>> -> memref<2560xi32, #tpu.memory_space<vmem>>
    %dma_start3A_220 = tpu.memref_slice %arg5[%add3A_211] : memref<2400000xi32, #tpu.memory_space<hbm>> -> memref<2560xi32, #tpu.memory_space<hbm>>
    tpu.enqueue_dma source(%dma_start3A_220 : memref<2560xi32, #tpu.memory_space<hbm>>) target(%dma_start3A_219 : memref<2560xi32, #tpu.memory_space<vmem>>) target_semaphore(%arg12 : memref<!tpu.dma_semaphore, #tpu.memory_space<semaphore_mem>>)
    %add3A_221 = arith.constant 32 : i32
    %add3A_222 = arith.addi %add3A, %add3A_221 : i32
    %min3A_223 = arith.constant 938 : i32
    %min3A_224 = arith.minsi %add3A_222, %min3A_223 : i32
    %jit3A_225 = arith.constant 313 : i32
    %div3A_226 = arith.divsi %min3A_224, %jit3A_225 : i32
    %sign3A_227 = arith.constant 0 : i32
    %sign3A_228 = arith.cmpi sgt, %min3A_224, %sign3A_227 : i32
    %sign3A_229 = arith.extui %sign3A_228 : i1 to i32
    %sign3A_230 = arith.constant 0 : i32
    %sign3A_231 = arith.cmpi slt, %min3A_224, %sign3A_230 : i32
    %sign3A_232 = arith.extui %sign3A_231 : i1 to i32
    %sign3A_233 = arith.subi %sign3A_229, %sign3A_232 : i32
    %sign3A_234 = arith.constant 0 : i32
    %sign3A_235 = arith.cmpi sgt, %jit3A_225, %sign3A_234 : i32
    %sign3A_236 = arith.extui %sign3A_235 : i1 to i32
    %sign3A_237 = arith.constant 0 : i32
    %sign3A_238 = arith.cmpi slt, %jit3A_225, %sign3A_237 : i32
    %sign3A_239 = arith.extui %sign3A_238 : i1 to i32
    %sign3A_240 = arith.subi %sign3A_236, %sign3A_239 : i32
    %ne3A_241 = arith.cmpi ne, %sign3A_233, %sign3A_240 : i32
    %rem3A_242 = arith.remsi %min3A_224, %jit3A_225 : i32
    %ne3A_243 = arith.constant 0 : i32
    %ne3A_244 = arith.cmpi ne, %rem3A_242, %ne3A_243 : i32
    %and3A_245 = arith.andi %ne3A_241, %ne3A_244 : i1
    %sub3A_246 = arith.constant 1 : i32
    %sub3A_247 = arith.subi %div3A_226, %sub3A_246 : i32
    %select_n3A_248 = arith.select %and3A_245, %sub3A_247, %div3A_226 : i32
    %jit3A_249 = arith.constant 313 : i32
    %eq3A_250 = arith.constant 0 : i32
    %eq3A_251 = arith.cmpi eq, %jit3A_249, %eq3A_250 : i32
    %jit3A_252 = arith.constant 1 : i32
    %select_n3A_253 = arith.select %eq3A_251, %jit3A_252, %jit3A_249 : i32
    %rem3A_254 = arith.remsi %min3A_224, %select_n3A_253 : i32
    %ne3A_255 = arith.constant 0 : i32
    %ne3A_256 = arith.cmpi ne, %rem3A_254, %ne3A_255 : i32
    %lt3A_257 = arith.constant 0 : i32
    %lt3A_258 = arith.cmpi slt, %rem3A_254, %lt3A_257 : i32
    %lt3A_259 = arith.constant 0 : i32
    %lt3A_260 = arith.cmpi slt, %select_n3A_253, %lt3A_259 : i32
    %ne3A_261 = arith.xori %lt3A_258, %lt3A_260 : i1
    %and3A_262 = arith.andi %ne3A_261, %ne3A_256 : i1
    %add3A_263 = arith.addi %rem3A_254, %select_n3A_253 : i32
    %select_n3A_264 = arith.select %and3A_262, %add3A_263, %rem3A_254 : i32
    %mul3A_265 = arith.constant 2560 : i32
    %mul3A_266 = arith.muli %select_n3A_264, %mul3A_265 : i32
    %min3A_267 = arith.constant 797440 : i32
    %min3A_268 = arith.minsi %mul3A_266, %min3A_267 : i32
    %mul3A_269 = arith.constant 800000 : i32
    %mul3A_270 = arith.muli %select_n3A_248, %mul3A_269 : i32
    %add3A_271 = arith.addi %mul3A_270, %min3A_268 : i32
    %dma_start3A_272 = arith.constant 1 : i32
    %dma_start3A_273 = arith.constant 0 : i32
    %dma_start3A_274 = tpu.memref_slice %arg10[%dma_start3A_272, %dma_start3A_273] : memref<2x2560xi32, #tpu.memory_space<vmem>> -> memref<1x2560xi32, #tpu.memory_space<vmem>>
    %dma_start3A_275 = tpu.memref_squeeze %dma_start3A_274 : memref<1x2560xi32, #tpu.memory_space<vmem>> -> memref<2560xi32, #tpu.memory_space<vmem>>
    %dma_start3A_276 = tpu.memref_slice %arg5[%add3A_271] : memref<2400000xi32, #tpu.memory_space<hbm>> -> memref<2560xi32, #tpu.memory_space<hbm>>
    %dma_start3A_277 = arith.constant 0 : i32
    %dma_start3A_278 = tpu.memref_slice %arg10[%dma_start3A_272, %dma_start3A_277] : memref<2x2560xi32, #tpu.memory_space<vmem>> -> memref<1x2560xi32, #tpu.memory_space<vmem>>
    %dma_start3A_279 = tpu.memref_squeeze %dma_start3A_278 : memref<1x2560xi32, #tpu.memory_space<vmem>> -> memref<2560xi32, #tpu.memory_space<vmem>>
    %dma_start3A_280 = tpu.memref_slice %arg5[%add3A_271] : memref<2400000xi32, #tpu.memory_space<hbm>> -> memref<2560xi32, #tpu.memory_space<hbm>>
    tpu.enqueue_dma source(%dma_start3A_280 : memref<2560xi32, #tpu.memory_space<hbm>>) target(%dma_start3A_279 : memref<2560xi32, #tpu.memory_space<vmem>>) target_semaphore(%arg13 : memref<!tpu.dma_semaphore, #tpu.memory_space<semaphore_mem>>)
    %scan3A_281 = arith.constant 0 : i32
    %scan3A_282 = arith.constant 0 : i32
    %scan3A_283 = arith.constant 15 : i32
    %scan3A_284 = arith.addi %scan3A_282, %scan3A_283 : i32
    %scan3A_285 = arith.constant 1 : i32
    scf.for %scan3A_335 = %scan3A_282 to %scan3A_284 step %scan3A_285  : i32 {
      %mul3A_336 = arith.constant 2 : i32
      %mul3A_337 = arith.muli %scan3A_335, %mul3A_336 : i32
      %add3A_338 = arith.constant 0 : i32
      %add3A_339 = arith.addi %mul3A_337, %add3A_338 : i32
      %dma_wait3A_340 = arith.constant 0 : i32
      %dma_wait3A_341 = arith.constant 0 : i32
      %dma_wait3A_342 = tpu.memref_slice %arg10[%dma_wait3A_340, %dma_wait3A_341] : memref<2x2560xi32, #tpu.memory_space<vmem>> -> memref<1x2560xi32, #tpu.memory_space<vmem>>
      %dma_wait3A_343 = tpu.memref_squeeze %dma_wait3A_342 : memref<1x2560xi32, #tpu.memory_space<vmem>> -> memref<2560xi32, #tpu.memory_space<vmem>>
      %dma_wait3A_344 = arith.constant 0 : i32
      %dma_wait3A_345 = tpu.memref_slice %arg5[%dma_wait3A_344] : memref<2400000xi32, #tpu.memory_space<hbm>> -> memref<2560xi32, #tpu.memory_space<hbm>>
      %dma_wait3A_346 = arith.constant 0 : i32
      %dma_wait3A_347 = tpu.memref_slice %arg10[%dma_wait3A_340, %dma_wait3A_346] : memref<2x2560xi32, #tpu.memory_space<vmem>> -> memref<1x2560xi32, #tpu.memory_space<vmem>>
      %dma_wait3A_348 = tpu.memref_squeeze %dma_wait3A_347 : memref<1x2560xi32, #tpu.memory_space<vmem>> -> memref<2560xi32, #tpu.memory_space<vmem>>
      %dma_wait3A_349 = arith.constant 0 : i32
      %dma_wait3A_350 = tpu.memref_slice %arg5[%dma_wait3A_349] : memref<2400000xi32, #tpu.memory_space<hbm>> -> memref<2560xi32, #tpu.memory_space<hbm>>
      tpu.wait_dma2 semaphore(%arg12 : memref<!tpu.dma_semaphore, #tpu.memory_space<semaphore_mem>>) src(%dma_wait3A_350 : memref<2560xi32, #tpu.memory_space<hbm>>) dst(%dma_wait3A_348 : memref<2560xi32, #tpu.memory_space<vmem>>)
      %ge3A = arith.constant 2 : i32
      %ge3A_351 = arith.cmpi sge, %add3A_339, %ge3A : i32
      %convert_element_type3A = arith.extui %ge3A_351 : i1 to i32
      %cond3A = arith.constant 0 : i32
      %cond3A_352 = arith.cmpi ne, %convert_element_type3A, %cond3A : i32
      scf.if %cond3A_352 {
        %dma_wait3A_662 = arith.constant 0 : i32
        %dma_wait3A_663 = arith.constant 0 : i32
        %dma_wait3A_664 = arith.constant 0 : i32
        %dma_wait3A_665 = tpu.memref_slice %arg11[%dma_wait3A_662, %dma_wait3A_663, %dma_wait3A_664] : memref<2x2x20480xf32, #tpu.memory_space<vmem>> -> memref<1x1x20480xf32, #tpu.memory_space<vmem>>
        %dma_wait3A_666 = tpu.memref_squeeze %dma_wait3A_665 : memref<1x1x20480xf32, #tpu.memory_space<vmem>> -> memref<20480xf32, #tpu.memory_space<vmem>>
        %dma_wait3A_667 = arith.constant 0 : i32
        %dma_wait3A_668 = tpu.memref_slice %arg7[%dma_wait3A_667] : memref<38400000xf32, #tpu.memory_space<hbm>> -> memref<20480xf32, #tpu.memory_space<hbm>>
        %dma_wait3A_669 = arith.constant 0 : i32
        %dma_wait3A_670 = tpu.memref_slice %arg7[%dma_wait3A_669] : memref<38400000xf32, #tpu.memory_space<hbm>> -> memref<20480xf32, #tpu.memory_space<hbm>>
        %dma_wait3A_671 = arith.constant 0 : i32
        %dma_wait3A_672 = tpu.memref_slice %arg11[%dma_wait3A_662, %dma_wait3A_663, %dma_wait3A_671] : memref<2x2x20480xf32, #tpu.memory_space<vmem>> -> memref<1x1x20480xf32, #tpu.memory_space<vmem>>
        %dma_wait3A_673 = tpu.memref_squeeze %dma_wait3A_672 : memref<1x1x20480xf32, #tpu.memory_space<vmem>> -> memref<20480xf32, #tpu.memory_space<vmem>>
        tpu.wait_dma2 semaphore(%arg14 : memref<!tpu.dma_semaphore, #tpu.memory_space<semaphore_mem>>) src(%dma_wait3A_673 : memref<20480xf32, #tpu.memory_space<vmem>>) dst(%dma_wait3A_670 : memref<20480xf32, #tpu.memory_space<hbm>>)
        %dma_wait3A_674 = arith.constant 0 : i32
        %dma_wait3A_675 = arith.constant 1 : i32
        %dma_wait3A_676 = arith.constant 0 : i32
        %dma_wait3A_677 = tpu.memref_slice %arg11[%dma_wait3A_674, %dma_wait3A_675, %dma_wait3A_676] : memref<2x2x20480xf32, #tpu.memory_space<vmem>> -> memref<1x1x20480xf32, #tpu.memory_space<vmem>>
        %dma_wait3A_678 = tpu.memref_squeeze %dma_wait3A_677 : memref<1x1x20480xf32, #tpu.memory_space<vmem>> -> memref<20480xf32, #tpu.memory_space<vmem>>
        %dma_wait3A_679 = arith.constant 0 : i32
        %dma_wait3A_680 = tpu.memref_slice %arg7[%dma_wait3A_679] : memref<38400000xf32, #tpu.memory_space<hbm>> -> memref<20480xf32, #tpu.memory_space<hbm>>
        %dma_wait3A_681 = arith.constant 0 : i32
        %dma_wait3A_682 = tpu.memref_slice %arg7[%dma_wait3A_681] : memref<38400000xf32, #tpu.memory_space<hbm>> -> memref<20480xf32, #tpu.memory_space<hbm>>
        %dma_wait3A_683 = arith.constant 0 : i32
        %dma_wait3A_684 = tpu.memref_slice %arg11[%dma_wait3A_674, %dma_wait3A_675, %dma_wait3A_683] : memref<2x2x20480xf32, #tpu.memory_space<vmem>> -> memref<1x1x20480xf32, #tpu.memory_space<vmem>>
        %dma_wait3A_685 = tpu.memref_squeeze %dma_wait3A_684 : memref<1x1x20480xf32, #tpu.memory_space<vmem>> -> memref<20480xf32, #tpu.memory_space<vmem>>
        tpu.wait_dma2 semaphore(%arg14 : memref<!tpu.dma_semaphore, #tpu.memory_space<semaphore_mem>>) src(%dma_wait3A_685 : memref<20480xf32, #tpu.memory_space<vmem>>) dst(%dma_wait3A_682 : memref<20480xf32, #tpu.memory_space<hbm>>)
      } else {
      }
      %parallel_loop3A = arith.constant 0 : i32
      %parallel_loop3A_353 = arith.constant 160 : i32
      %parallel_loop3A_354 = arith.constant 1 : i32
      scf.for %parallel_loop3A_662 = %parallel_loop3A to %parallel_loop3A_353 step %parallel_loop3A_354  : i32 {
        %parallel_loop3A_663 = arith.constant 16 : i32
        %parallel_loop3A_664 = arith.muli %parallel_loop3A_662, %parallel_loop3A_663 : i32
        %parallel_loop3A_665 = arith.constant 0 : i32
        %parallel_loop3A_666 = arith.index_cast %parallel_loop3A_665 : i32 to index
        %parallel_loop3A_667 = arith.index_cast %parallel_loop3A_664 : i32 to index
        %parallel_loop3A_668 = tpu.vector_load %arg10[%parallel_loop3A_666, %parallel_loop3A_667] {strides = array<i32>} : memref<2x2560xi32, #tpu.memory_space<vmem>>, vector<16xi32>,
        %parallel_loop3A_669 = arith.constant 16 : i32
        %parallel_loop3A_670 = vector.broadcast %parallel_loop3A_669 : i32 to vector<16xi32>
        %parallel_loop3A_671 = arith.muli %parallel_loop3A_668, %parallel_loop3A_670 : vector<16xi32>
        %parallel_loop3A_672 = arith.constant 8 : i32
        %parallel_loop3A_673 = arith.divsi %parallel_loop3A_662, %parallel_loop3A_672 : i32
        %parallel_loop3A_674 = arith.constant 0 : i32
        %parallel_loop3A_675 = arith.cmpi sgt, %parallel_loop3A_662, %parallel_loop3A_674 : i32
        %parallel_loop3A_676 = arith.extui %parallel_loop3A_675 : i1 to i32
        %parallel_loop3A_677 = arith.constant 0 : i32
        %parallel_loop3A_678 = arith.cmpi slt, %parallel_loop3A_662, %parallel_loop3A_677 : i32
        %parallel_loop3A_679 = arith.extui %parallel_loop3A_678 : i1 to i32
        %parallel_loop3A_680 = arith.subi %parallel_loop3A_676, %parallel_loop3A_679 : i32
        %parallel_loop3A_681 = arith.constant 0 : i32
        %parallel_loop3A_682 = arith.cmpi sgt, %parallel_loop3A_672, %parallel_loop3A_681 : i32
        %parallel_loop3A_683 = arith.extui %parallel_loop3A_682 : i1 to i32
        %parallel_loop3A_684 = arith.constant 0 : i32
        %parallel_loop3A_685 = arith.cmpi slt, %parallel_loop3A_672, %parallel_loop3A_684 : i32
        %parallel_loop3A_686 = arith.extui %parallel_loop3A_685 : i1 to i32
        %parallel_loop3A_687 = arith.subi %parallel_loop3A_683, %parallel_loop3A_686 : i32
        %parallel_loop3A_688 = arith.cmpi ne, %parallel_loop3A_680, %parallel_loop3A_687 : i32
        %parallel_loop3A_689 = arith.remsi %parallel_loop3A_662, %parallel_loop3A_672 : i32
        %parallel_loop3A_690 = arith.constant 0 : i32
        %parallel_loop3A_691 = arith.cmpi ne, %parallel_loop3A_689, %parallel_loop3A_690 : i32
        %parallel_loop3A_692 = arith.andi %parallel_loop3A_688, %parallel_loop3A_691 : i1
        %parallel_loop3A_693 = arith.constant 1 : i32
        %parallel_loop3A_694 = arith.subi %parallel_loop3A_673, %parallel_loop3A_693 : i32
        %parallel_loop3A_695 = arith.select %parallel_loop3A_692, %parallel_loop3A_694, %parallel_loop3A_673 : i32
        %parallel_loop3A_696 = arith.constant 1024 : i32
        %parallel_loop3A_697 = arith.muli %parallel_loop3A_695, %parallel_loop3A_696 : i32
        %parallel_loop3A_698 = arith.constant 8 : i32
        %parallel_loop3A_699 = arith.constant 0 : i32
        %parallel_loop3A_700 = arith.cmpi eq, %parallel_loop3A_698, %parallel_loop3A_699 : i32
        %parallel_loop3A_701 = arith.constant 1 : i32
        %parallel_loop3A_702 = arith.select %parallel_loop3A_700, %parallel_loop3A_701, %parallel_loop3A_698 : i32
        %parallel_loop3A_703 = arith.remsi %parallel_loop3A_662, %parallel_loop3A_702 : i32
        %parallel_loop3A_704 = arith.constant 0 : i32
        %parallel_loop3A_705 = arith.cmpi ne, %parallel_loop3A_703, %parallel_loop3A_704 : i32
        %parallel_loop3A_706 = arith.constant 0 : i32
        %parallel_loop3A_707 = arith.cmpi slt, %parallel_loop3A_703, %parallel_loop3A_706 : i32
        %parallel_loop3A_708 = arith.constant 0 : i32
        %parallel_loop3A_709 = arith.cmpi slt, %parallel_loop3A_702, %parallel_loop3A_708 : i32
        %parallel_loop3A_710 = arith.xori %parallel_loop3A_707, %parallel_loop3A_709 : i1
        %parallel_loop3A_711 = arith.andi %parallel_loop3A_710, %parallel_loop3A_705 : i1
        %parallel_loop3A_712 = arith.addi %parallel_loop3A_703, %parallel_loop3A_702 : i32
        %parallel_loop3A_713 = arith.select %parallel_loop3A_711, %parallel_loop3A_712, %parallel_loop3A_703 : i32
        %parallel_loop3A_714 = arith.constant 16 : i32
        %parallel_loop3A_715 = arith.muli %parallel_loop3A_713, %parallel_loop3A_714 : i32
        %parallel_loop3A_716 = arith.addi %parallel_loop3A_697, %parallel_loop3A_715 : i32
        %parallel_loop3A_717 = arith.constant 0 : i32
        %parallel_loop3A_718 = vector.broadcast %parallel_loop3A_717 : i32 to vector<16xi32>
        %parallel_loop3A_719 = arith.addi %parallel_loop3A_671, %parallel_loop3A_718 : vector<16xi32>
        %parallel_loop3A_720 = tpu.vector_load_idx %arg9[%parallel_loop3A_719] : memref<6144xf32, #tpu.memory_space<vmem>>[vector<16xi32>], vector<16xf32>,
        %parallel_loop3A_721 = arith.constant 1 : i32
        %parallel_loop3A_722 = vector.broadcast %parallel_loop3A_721 : i32 to vector<16xi32>
        %parallel_loop3A_723 = arith.addi %parallel_loop3A_671, %parallel_loop3A_722 : vector<16xi32>
        %parallel_loop3A_724 = tpu.vector_load_idx %arg9[%parallel_loop3A_723] : memref<6144xf32, #tpu.memory_space<vmem>>[vector<16xi32>], vector<16xf32>,
        %parallel_loop3A_725 = arith.constant 2 : i32
        %parallel_loop3A_726 = vector.broadcast %parallel_loop3A_725 : i32 to vector<16xi32>
        %parallel_loop3A_727 = arith.addi %parallel_loop3A_671, %parallel_loop3A_726 : vector<16xi32>
        %parallel_loop3A_728 = tpu.vector_load_idx %arg9[%parallel_loop3A_727] : memref<6144xf32, #tpu.memory_space<vmem>>[vector<16xi32>], vector<16xf32>,
        %parallel_loop3A_729 = arith.constant 3 : i32
        %parallel_loop3A_730 = vector.broadcast %parallel_loop3A_729 : i32 to vector<16xi32>
        %parallel_loop3A_731 = arith.addi %parallel_loop3A_671, %parallel_loop3A_730 : vector<16xi32>
        %parallel_loop3A_732 = tpu.vector_load_idx %arg9[%parallel_loop3A_731] : memref<6144xf32, #tpu.memory_space<vmem>>[vector<16xi32>], vector<16xf32>,
        %parallel_loop3A_733 = arith.constant 0 : i32
        %parallel_loop3A_734 = arith.addi %parallel_loop3A_716, %parallel_loop3A_733 : i32
        %parallel_loop3A_735 = arith.constant 0 : i32
        %parallel_loop3A_736 = arith.constant 0 : i32
        %parallel_loop3A_737 = arith.index_cast %parallel_loop3A_735 : i32 to index
        %parallel_loop3A_738 = arith.index_cast %parallel_loop3A_736 : i32 to index
        %parallel_loop3A_739 = arith.index_cast %parallel_loop3A_734 : i32 to index
        %parallel_loop3A_740 = tpu.vector_load %arg11[%parallel_loop3A_737, %parallel_loop3A_738, %parallel_loop3A_739] {strides = array<i32>} : memref<2x2x20480xf32, #tpu.memory_space<vmem>>, vector<16xf32>,
        tpu.vector_store %arg11[%parallel_loop3A_737, %parallel_loop3A_738, %parallel_loop3A_739], %parallel_loop3A_720 {strides = array<i32>} : memref<2x2x20480xf32, #tpu.memory_space<vmem>>, vector<16xf32>,
        %parallel_loop3A_741 = arith.constant 4 : i32
        %parallel_loop3A_742 = vector.broadcast %parallel_loop3A_741 : i32 to vector<16xi32>
        %parallel_loop3A_743 = arith.addi %parallel_loop3A_671, %parallel_loop3A_742 : vector<16xi32>
        %parallel_loop3A_744 = tpu.vector_load_idx %arg9[%parallel_loop3A_743] : memref<6144xf32, #tpu.memory_space<vmem>>[vector<16xi32>], vector<16xf32>,
        %parallel_loop3A_745 = arith.constant 128 : i32
        %parallel_loop3A_746 = arith.addi %parallel_loop3A_716, %parallel_loop3A_745 : i32
        %parallel_loop3A_747 = arith.constant 0 : i32
        %parallel_loop3A_748 = arith.constant 0 : i32
        %parallel_loop3A_749 = arith.index_cast %parallel_loop3A_747 : i32 to index
        %parallel_loop3A_750 = arith.index_cast %parallel_loop3A_748 : i32 to index
        %parallel_loop3A_751 = arith.index_cast %parallel_loop3A_746 : i32 to index
        %parallel_loop3A_752 = tpu.vector_load %arg11[%parallel_loop3A_749, %parallel_loop3A_750, %parallel_loop3A_751] {strides = array<i32>} : memref<2x2x20480xf32, #tpu.memory_space<vmem>>, vector<16xf32>,
        tpu.vector_store %arg11[%parallel_loop3A_749, %parallel_loop3A_750, %parallel_loop3A_751], %parallel_loop3A_724 {strides = array<i32>} : memref<2x2x20480xf32, #tpu.memory_space<vmem>>, vector<16xf32>,
        %parallel_loop3A_753 = arith.constant 5 : i32
        %parallel_loop3A_754 = vector.broadcast %parallel_loop3A_753 : i32 to vector<16xi32>
        %parallel_loop3A_755 = arith.addi %parallel_loop3A_671, %parallel_loop3A_754 : vector<16xi32>
        %parallel_loop3A_756 = tpu.vector_load_idx %arg9[%parallel_loop3A_755] : memref<6144xf32, #tpu.memory_space<vmem>>[vector<16xi32>], vector<16xf32>,
        %parallel_loop3A_757 = arith.constant 256 : i32
        %parallel_loop3A_758 = arith.addi %parallel_loop3A_716, %parallel_loop3A_757 : i32
        %parallel_loop3A_759 = arith.constant 0 : i32
        %parallel_loop3A_760 = arith.constant 0 : i32
        %parallel_loop3A_761 = arith.index_cast %parallel_loop3A_759 : i32 to index
        %parallel_loop3A_762 = arith.index_cast %parallel_loop3A_760 : i32 to index
        %parallel_loop3A_763 = arith.index_cast %parallel_loop3A_758 : i32 to index
        %parallel_loop3A_764 = tpu.vector_load %arg11[%parallel_loop3A_761, %parallel_loop3A_762, %parallel_loop3A_763] {strides = array<i32>} : memref<2x2x20480xf32, #tpu.memory_space<vmem>>, vector<16xf32>,
        tpu.vector_store %arg11[%parallel_loop3A_761, %parallel_loop3A_762, %parallel_loop3A_763], %parallel_loop3A_728 {strides = array<i32>} : memref<2x2x20480xf32, #tpu.memory_space<vmem>>, vector<16xf32>,
        %parallel_loop3A_765 = arith.constant 6 : i32
        %parallel_loop3A_766 = vector.broadcast %parallel_loop3A_765 : i32 to vector<16xi32>
        %parallel_loop3A_767 = arith.addi %parallel_loop3A_671, %parallel_loop3A_766 : vector<16xi32>
        %parallel_loop3A_768 = tpu.vector_load_idx %arg9[%parallel_loop3A_767] : memref<6144xf32, #tpu.memory_space<vmem>>[vector<16xi32>], vector<16xf32>,
        %parallel_loop3A_769 = arith.constant 384 : i32
        %parallel_loop3A_770 = arith.addi %parallel_loop3A_716, %parallel_loop3A_769 : i32
        %parallel_loop3A_771 = arith.constant 0 : i32
        %parallel_loop3A_772 = arith.constant 0 : i32
        %parallel_loop3A_773 = arith.index_cast %parallel_loop3A_771 : i32 to index
        %parallel_loop3A_774 = arith.index_cast %parallel_loop3A_772 : i32 to index
        %parallel_loop3A_775 = arith.index_cast %parallel_loop3A_770 : i32 to index
        %parallel_loop3A_776 = tpu.vector_load %arg11[%parallel_loop3A_773, %parallel_loop3A_774, %parallel_loop3A_775] {strides = array<i32>} : memref<2x2x20480xf32, #tpu.memory_space<vmem>>, vector<16xf32>,
        tpu.vector_store %arg11[%parallel_loop3A_773, %parallel_loop3A_774, %parallel_loop3A_775], %parallel_loop3A_732 {strides = array<i32>} : memref<2x2x20480xf32, #tpu.memory_space<vmem>>, vector<16xf32>,
        %parallel_loop3A_777 = arith.constant 7 : i32
        %parallel_loop3A_778 = vector.broadcast %parallel_loop3A_777 : i32 to vector<16xi32>
        %parallel_loop3A_779 = arith.addi %parallel_loop3A_671, %parallel_loop3A_778 : vector<16xi32>
        %parallel_loop3A_780 = tpu.vector_load_idx %arg9[%parallel_loop3A_779] : memref<6144xf32, #tpu.memory_space<vmem>>[vector<16xi32>], vector<16xf32>,
        %parallel_loop3A_781 = arith.constant 512 : i32
        %parallel_loop3A_782 = arith.addi %parallel_loop3A_716, %parallel_loop3A_781 : i32
        %parallel_loop3A_783 = arith.constant 0 : i32
        %parallel_loop3A_784 = arith.constant 0 : i32
        %parallel_loop3A_785 = arith.index_cast %parallel_loop3A_783 : i32 to index
        %parallel_loop3A_786 = arith.index_cast %parallel_loop3A_784 : i32 to index
        %parallel_loop3A_787 = arith.index_cast %parallel_loop3A_782 : i32 to index
        %parallel_loop3A_788 = tpu.vector_load %arg11[%parallel_loop3A_785, %parallel_loop3A_786, %parallel_loop3A_787] {strides = array<i32>} : memref<2x2x20480xf32, #tpu.memory_space<vmem>>, vector<16xf32>,
        tpu.vector_store %arg11[%parallel_loop3A_785, %parallel_loop3A_786, %parallel_loop3A_787], %parallel_loop3A_744 {strides = array<i32>} : memref<2x2x20480xf32, #tpu.memory_space<vmem>>, vector<16xf32>,
        %parallel_loop3A_789 = arith.constant 8 : i32
        %parallel_loop3A_790 = vector.broadcast %parallel_loop3A_789 : i32 to vector<16xi32>
        %parallel_loop3A_791 = arith.addi %parallel_loop3A_671, %parallel_loop3A_790 : vector<16xi32>
        %parallel_loop3A_792 = tpu.vector_load_idx %arg9[%parallel_loop3A_791] : memref<6144xf32, #tpu.memory_space<vmem>>[vector<16xi32>], vector<16xf32>,
        %parallel_loop3A_793 = arith.constant 640 : i32
        %parallel_loop3A_794 = arith.addi %parallel_loop3A_716, %parallel_loop3A_793 : i32
        %parallel_loop3A_795 = arith.constant 0 : i32
        %parallel_loop3A_796 = arith.constant 0 : i32
        %parallel_loop3A_797 = arith.index_cast %parallel_loop3A_795 : i32 to index
        %parallel_loop3A_798 = arith.index_cast %parallel_loop3A_796 : i32 to index
        %parallel_loop3A_799 = arith.index_cast %parallel_loop3A_794 : i32 to index
        %parallel_loop3A_800 = tpu.vector_load %arg11[%parallel_loop3A_797, %parallel_loop3A_798, %parallel_loop3A_799] {strides = array<i32>} : memref<2x2x20480xf32, #tpu.memory_space<vmem>>, vector<16xf32>,
        tpu.vector_store %arg11[%parallel_loop3A_797, %parallel_loop3A_798, %parallel_loop3A_799], %parallel_loop3A_756 {strides = array<i32>} : memref<2x2x20480xf32, #tpu.memory_space<vmem>>, vector<16xf32>,
        %parallel_loop3A_801 = arith.constant 9 : i32
        %parallel_loop3A_802 = vector.broadcast %parallel_loop3A_801 : i32 to vector<16xi32>
        %parallel_loop3A_803 = arith.addi %parallel_loop3A_671, %parallel_loop3A_802 : vector<16xi32>
        %parallel_loop3A_804 = tpu.vector_load_idx %arg9[%parallel_loop3A_803] : memref<6144xf32, #tpu.memory_space<vmem>>[vector<16xi32>], vector<16xf32>,
        %parallel_loop3A_805 = arith.constant 768 : i32
        %parallel_loop3A_806 = arith.addi %parallel_loop3A_716, %parallel_loop3A_805 : i32
        %parallel_loop3A_807 = arith.constant 0 : i32
        %parallel_loop3A_808 = arith.constant 0 : i32
        %parallel_loop3A_809 = arith.index_cast %parallel_loop3A_807 : i32 to index
        %parallel_loop3A_810 = arith.index_cast %parallel_loop3A_808 : i32 to index
        %parallel_loop3A_811 = arith.index_cast %parallel_loop3A_806 : i32 to index
        %parallel_loop3A_812 = tpu.vector_load %arg11[%parallel_loop3A_809, %parallel_loop3A_810, %parallel_loop3A_811] {strides = array<i32>} : memref<2x2x20480xf32, #tpu.memory_space<vmem>>, vector<16xf32>,
        tpu.vector_store %arg11[%parallel_loop3A_809, %parallel_loop3A_810, %parallel_loop3A_811], %parallel_loop3A_768 {strides = array<i32>} : memref<2x2x20480xf32, #tpu.memory_space<vmem>>, vector<16xf32>,
        %parallel_loop3A_813 = arith.constant 10 : i32
        %parallel_loop3A_814 = vector.broadcast %parallel_loop3A_813 : i32 to vector<16xi32>
        %parallel_loop3A_815 = arith.addi %parallel_loop3A_671, %parallel_loop3A_814 : vector<16xi32>
        %parallel_loop3A_816 = tpu.vector_load_idx %arg9[%parallel_loop3A_815] : memref<6144xf32, #tpu.memory_space<vmem>>[vector<16xi32>], vector<16xf32>,
        %parallel_loop3A_817 = arith.constant 896 : i32
        %parallel_loop3A_818 = arith.addi %parallel_loop3A_716, %parallel_loop3A_817 : i32
        %parallel_loop3A_819 = arith.constant 0 : i32
        %parallel_loop3A_820 = arith.constant 0 : i32
        %parallel_loop3A_821 = arith.index_cast %parallel_loop3A_819 : i32 to index
        %parallel_loop3A_822 = arith.index_cast %parallel_loop3A_820 : i32 to index
        %parallel_loop3A_823 = arith.index_cast %parallel_loop3A_818 : i32 to index
        %parallel_loop3A_824 = tpu.vector_load %arg11[%parallel_loop3A_821, %parallel_loop3A_822, %parallel_loop3A_823] {strides = array<i32>} : memref<2x2x20480xf32, #tpu.memory_space<vmem>>, vector<16xf32>,
        tpu.vector_store %arg11[%parallel_loop3A_821, %parallel_loop3A_822, %parallel_loop3A_823], %parallel_loop3A_780 {strides = array<i32>} : memref<2x2x20480xf32, #tpu.memory_space<vmem>>, vector<16xf32>,
        %parallel_loop3A_825 = arith.constant 11 : i32
        %parallel_loop3A_826 = vector.broadcast %parallel_loop3A_825 : i32 to vector<16xi32>
        %parallel_loop3A_827 = arith.addi %parallel_loop3A_671, %parallel_loop3A_826 : vector<16xi32>
        %parallel_loop3A_828 = tpu.vector_load_idx %arg9[%parallel_loop3A_827] : memref<6144xf32, #tpu.memory_space<vmem>>[vector<16xi32>], vector<16xf32>,
        %parallel_loop3A_829 = arith.constant 0 : i32
        %parallel_loop3A_830 = arith.addi %parallel_loop3A_716, %parallel_loop3A_829 : i32
        %parallel_loop3A_831 = arith.constant 0 : i32
        %parallel_loop3A_832 = arith.constant 1 : i32
        %parallel_loop3A_833 = arith.index_cast %parallel_loop3A_831 : i32 to index
        %parallel_loop3A_834 = arith.index_cast %parallel_loop3A_832 : i32 to index
        %parallel_loop3A_835 = arith.index_cast %parallel_loop3A_830 : i32 to index
        %parallel_loop3A_836 = tpu.vector_load %arg11[%parallel_loop3A_833, %parallel_loop3A_834, %parallel_loop3A_835] {strides = array<i32>} : memref<2x2x20480xf32, #tpu.memory_space<vmem>>, vector<16xf32>,
        tpu.vector_store %arg11[%parallel_loop3A_833, %parallel_loop3A_834, %parallel_loop3A_835], %parallel_loop3A_792 {strides = array<i32>} : memref<2x2x20480xf32, #tpu.memory_space<vmem>>, vector<16xf32>,
        %parallel_loop3A_837 = arith.constant 12 : i32
        %parallel_loop3A_838 = vector.broadcast %parallel_loop3A_837 : i32 to vector<16xi32>
        %parallel_loop3A_839 = arith.addi %parallel_loop3A_671, %parallel_loop3A_838 : vector<16xi32>
        %parallel_loop3A_840 = tpu.vector_load_idx %arg9[%parallel_loop3A_839] : memref<6144xf32, #tpu.memory_space<vmem>>[vector<16xi32>], vector<16xf32>,
        %parallel_loop3A_841 = arith.constant 128 : i32
        %parallel_loop3A_842 = arith.addi %parallel_loop3A_716, %parallel_loop3A_841 : i32
        %parallel_loop3A_843 = arith.constant 0 : i32
        %parallel_loop3A_844 = arith.constant 1 : i32
        %parallel_loop3A_845 = arith.index_cast %parallel_loop3A_843 : i32 to index
        %parallel_loop3A_846 = arith.index_cast %parallel_loop3A_844 : i32 to index
        %parallel_loop3A_847 = arith.index_cast %parallel_loop3A_842 : i32 to index
        %parallel_loop3A_848 = tpu.vector_load %arg11[%parallel_loop3A_845, %parallel_loop3A_846, %parallel_loop3A_847] {strides = array<i32>} : memref<2x2x20480xf32, #tpu.memory_space<vmem>>, vector<16xf32>,
        tpu.vector_store %arg11[%parallel_loop3A_845, %parallel_loop3A_846, %parallel_loop3A_847], %parallel_loop3A_804 {strides = array<i32>} : memref<2x2x20480xf32, #tpu.memory_space<vmem>>, vector<16xf32>,
        %parallel_loop3A_849 = arith.constant 13 : i32
        %parallel_loop3A_850 = vector.broadcast %parallel_loop3A_849 : i32 to vector<16xi32>
        %parallel_loop3A_851 = arith.addi %parallel_loop3A_671, %parallel_loop3A_850 : vector<16xi32>
        %parallel_loop3A_852 = tpu.vector_load_idx %arg9[%parallel_loop3A_851] : memref<6144xf32, #tpu.memory_space<vmem>>[vector<16xi32>], vector<16xf32>,
        %parallel_loop3A_853 = arith.constant 256 : i32
        %parallel_loop3A_854 = arith.addi %parallel_loop3A_716, %parallel_loop3A_853 : i32
        %parallel_loop3A_855 = arith.constant 0 : i32
        %parallel_loop3A_856 = arith.constant 1 : i32
        %parallel_loop3A_857 = arith.index_cast %parallel_loop3A_855 : i32 to index
        %parallel_loop3A_858 = arith.index_cast %parallel_loop3A_856 : i32 to index
        %parallel_loop3A_859 = arith.index_cast %parallel_loop3A_854 : i32 to index
        %parallel_loop3A_860 = tpu.vector_load %arg11[%parallel_loop3A_857, %parallel_loop3A_858, %parallel_loop3A_859] {strides = array<i32>} : memref<2x2x20480xf32, #tpu.memory_space<vmem>>, vector<16xf32>,
        tpu.vector_store %arg11[%parallel_loop3A_857, %parallel_loop3A_858, %parallel_loop3A_859], %parallel_loop3A_816 {strides = array<i32>} : memref<2x2x20480xf32, #tpu.memory_space<vmem>>, vector<16xf32>,
        %parallel_loop3A_861 = arith.constant 14 : i32
        %parallel_loop3A_862 = vector.broadcast %parallel_loop3A_861 : i32 to vector<16xi32>
        %parallel_loop3A_863 = arith.addi %parallel_loop3A_671, %parallel_loop3A_862 : vector<16xi32>
        %parallel_loop3A_864 = tpu.vector_load_idx %arg9[%parallel_loop3A_863] : memref<6144xf32, #tpu.memory_space<vmem>>[vector<16xi32>], vector<16xf32>,
        %parallel_loop3A_865 = arith.constant 384 : i32
        %parallel_loop3A_866 = arith.addi %parallel_loop3A_716, %parallel_loop3A_865 : i32
        %parallel_loop3A_867 = arith.constant 0 : i32
        %parallel_loop3A_868 = arith.constant 1 : i32
        %parallel_loop3A_869 = arith.index_cast %parallel_loop3A_867 : i32 to index
        %parallel_loop3A_870 = arith.index_cast %parallel_loop3A_868 : i32 to index
        %parallel_loop3A_871 = arith.index_cast %parallel_loop3A_866 : i32 to index
        %parallel_loop3A_872 = tpu.vector_load %arg11[%parallel_loop3A_869, %parallel_loop3A_870, %parallel_loop3A_871] {strides = array<i32>} : memref<2x2x20480xf32, #tpu.memory_space<vmem>>, vector<16xf32>,
        tpu.vector_store %arg11[%parallel_loop3A_869, %parallel_loop3A_870, %parallel_loop3A_871], %parallel_loop3A_828 {strides = array<i32>} : memref<2x2x20480xf32, #tpu.memory_space<vmem>>, vector<16xf32>,
        %parallel_loop3A_873 = arith.constant 15 : i32
        %parallel_loop3A_874 = vector.broadcast %parallel_loop3A_873 : i32 to vector<16xi32>
        %parallel_loop3A_875 = arith.addi %parallel_loop3A_671, %parallel_loop3A_874 : vector<16xi32>
        %parallel_loop3A_876 = tpu.vector_load_idx %arg9[%parallel_loop3A_875] : memref<6144xf32, #tpu.memory_space<vmem>>[vector<16xi32>], vector<16xf32>,
        %parallel_loop3A_877 = arith.constant 512 : i32
        %parallel_loop3A_878 = arith.addi %parallel_loop3A_716, %parallel_loop3A_877 : i32
        %parallel_loop3A_879 = arith.constant 0 : i32
        %parallel_loop3A_880 = arith.constant 1 : i32
        %parallel_loop3A_881 = arith.index_cast %parallel_loop3A_879 : i32 to index
        %parallel_loop3A_882 = arith.index_cast %parallel_loop3A_880 : i32 to index
        %parallel_loop3A_883 = arith.index_cast %parallel_loop3A_878 : i32 to index
        %parallel_loop3A_884 = tpu.vector_load %arg11[%parallel_loop3A_881, %parallel_loop3A_882, %parallel_loop3A_883] {strides = array<i32>} : memref<2x2x20480xf32, #tpu.memory_space<vmem>>, vector<16xf32>,
        tpu.vector_store %arg11[%parallel_loop3A_881, %parallel_loop3A_882, %parallel_loop3A_883], %parallel_loop3A_840 {strides = array<i32>} : memref<2x2x20480xf32, #tpu.memory_space<vmem>>, vector<16xf32>,
        %parallel_loop3A_885 = arith.constant 640 : i32
        %parallel_loop3A_886 = arith.addi %parallel_loop3A_716, %parallel_loop3A_885 : i32
        %parallel_loop3A_887 = arith.constant 0 : i32
        %parallel_loop3A_888 = arith.constant 1 : i32
        %parallel_loop3A_889 = arith.index_cast %parallel_loop3A_887 : i32 to index
        %parallel_loop3A_890 = arith.index_cast %parallel_loop3A_888 : i32 to index
        %parallel_loop3A_891 = arith.index_cast %parallel_loop3A_886 : i32 to index
        %parallel_loop3A_892 = tpu.vector_load %arg11[%parallel_loop3A_889, %parallel_loop3A_890, %parallel_loop3A_891] {strides = array<i32>} : memref<2x2x20480xf32, #tpu.memory_space<vmem>>, vector<16xf32>,
        tpu.vector_store %arg11[%parallel_loop3A_889, %parallel_loop3A_890, %parallel_loop3A_891], %parallel_loop3A_852 {strides = array<i32>} : memref<2x2x20480xf32, #tpu.memory_space<vmem>>, vector<16xf32>,
        %parallel_loop3A_893 = arith.constant 768 : i32
        %parallel_loop3A_894 = arith.addi %parallel_loop3A_716, %parallel_loop3A_893 : i32
        %parallel_loop3A_895 = arith.constant 0 : i32
        %parallel_loop3A_896 = arith.constant 1 : i32
        %parallel_loop3A_897 = arith.index_cast %parallel_loop3A_895 : i32 to index
        %parallel_loop3A_898 = arith.index_cast %parallel_loop3A_896 : i32 to index
        %parallel_loop3A_899 = arith.index_cast %parallel_loop3A_894 : i32 to index
        %parallel_loop3A_900 = tpu.vector_load %arg11[%parallel_loop3A_897, %parallel_loop3A_898, %parallel_loop3A_899] {strides = array<i32>} : memref<2x2x20480xf32, #tpu.memory_space<vmem>>, vector<16xf32>,
        tpu.vector_store %arg11[%parallel_loop3A_897, %parallel_loop3A_898, %parallel_loop3A_899], %parallel_loop3A_864 {strides = array<i32>} : memref<2x2x20480xf32, #tpu.memory_space<vmem>>, vector<16xf32>,
        %parallel_loop3A_901 = arith.constant 896 : i32
        %parallel_loop3A_902 = arith.addi %parallel_loop3A_716, %parallel_loop3A_901 : i32
        %parallel_loop3A_903 = arith.constant 0 : i32
        %parallel_loop3A_904 = arith.constant 1 : i32
        %parallel_loop3A_905 = arith.index_cast %parallel_loop3A_903 : i32 to index
        %parallel_loop3A_906 = arith.index_cast %parallel_loop3A_904 : i32 to index
        %parallel_loop3A_907 = arith.index_cast %parallel_loop3A_902 : i32 to index
        %parallel_loop3A_908 = tpu.vector_load %arg11[%parallel_loop3A_905, %parallel_loop3A_906, %parallel_loop3A_907] {strides = array<i32>} : memref<2x2x20480xf32, #tpu.memory_space<vmem>>, vector<16xf32>,
        tpu.vector_store %arg11[%parallel_loop3A_905, %parallel_loop3A_906, %parallel_loop3A_907], %parallel_loop3A_876 {strides = array<i32>} : memref<2x2x20480xf32, #tpu.memory_space<vmem>>, vector<16xf32>,
      } {sc.loop_unroll_factor = 3 : i64, sc.parallel_access}
      %mul3A_355 = arith.constant 32 : i32
      %mul3A_356 = arith.muli %add3A_339, %mul3A_355 : i32
      %add3A_357 = arith.addi %add3A, %mul3A_356 : i32
      %min3A_358 = arith.constant 938 : i32
      %min3A_359 = arith.minsi %add3A_357, %min3A_358 : i32
      %jit3A_360 = arith.constant 313 : i32
      %div3A_361 = arith.divsi %min3A_359, %jit3A_360 : i32
      %sign3A_362 = arith.constant 0 : i32
      %sign3A_363 = arith.cmpi sgt, %min3A_359, %sign3A_362 : i32
      %sign3A_364 = arith.extui %sign3A_363 : i1 to i32
      %sign3A_365 = arith.constant 0 : i32
      %sign3A_366 = arith.cmpi slt, %min3A_359, %sign3A_365 : i32
      %sign3A_367 = arith.extui %sign3A_366 : i1 to i32
      %sign3A_368 = arith.subi %sign3A_364, %sign3A_367 : i32
      %sign3A_369 = arith.constant 0 : i32
      %sign3A_370 = arith.cmpi sgt, %jit3A_360, %sign3A_369 : i32
      %sign3A_371 = arith.extui %sign3A_370 : i1 to i32
      %sign3A_372 = arith.constant 0 : i32
      %sign3A_373 = arith.cmpi slt, %jit3A_360, %sign3A_372 : i32
      %sign3A_374 = arith.extui %sign3A_373 : i1 to i32
      %sign3A_375 = arith.subi %sign3A_371, %sign3A_374 : i32
      %ne3A_376 = arith.cmpi ne, %sign3A_368, %sign3A_375 : i32
      %rem3A_377 = arith.remsi %min3A_359, %jit3A_360 : i32
      %ne3A_378 = arith.constant 0 : i32
      %ne3A_379 = arith.cmpi ne, %rem3A_377, %ne3A_378 : i32
      %and3A_380 = arith.andi %ne3A_376, %ne3A_379 : i1
      %sub3A_381 = arith.constant 1 : i32
      %sub3A_382 = arith.subi %div3A_361, %sub3A_381 : i32
      %select_n3A_383 = arith.select %and3A_380, %sub3A_382, %div3A_361 : i32
      %jit3A_384 = arith.constant 313 : i32
      %eq3A_385 = arith.constant 0 : i32
      %eq3A_386 = arith.cmpi eq, %jit3A_384, %eq3A_385 : i32
      %jit3A_387 = arith.constant 1 : i32
      %select_n3A_388 = arith.select %eq3A_386, %jit3A_387, %jit3A_384 : i32
      %rem3A_389 = arith.remsi %min3A_359, %select_n3A_388 : i32
      %ne3A_390 = arith.constant 0 : i32
      %ne3A_391 = arith.cmpi ne, %rem3A_389, %ne3A_390 : i32
      %lt3A_392 = arith.constant 0 : i32
      %lt3A_393 = arith.cmpi slt, %rem3A_389, %lt3A_392 : i32
      %lt3A_394 = arith.constant 0 : i32
      %lt3A_395 = arith.cmpi slt, %select_n3A_388, %lt3A_394 : i32
      %ne3A_396 = arith.xori %lt3A_393, %lt3A_395 : i1
      %and3A_397 = arith.andi %ne3A_396, %ne3A_391 : i1
      %add3A_398 = arith.addi %rem3A_389, %select_n3A_388 : i32
      %select_n3A_399 = arith.select %and3A_397, %add3A_398, %rem3A_389 : i32
      %mul3A_400 = arith.constant 2560 : i32
      %mul3A_401 = arith.muli %select_n3A_399, %mul3A_400 : i32
      %min3A_402 = arith.constant 797440 : i32
      %min3A_403 = arith.minsi %mul3A_401, %min3A_402 : i32
      %mul3A_404 = arith.constant 2 : i32
      %mul3A_405 = arith.muli %select_n3A_383, %mul3A_404 : i32
      %add3A_406 = arith.constant 0 : i32
      %add3A_407 = arith.addi %mul3A_405, %add3A_406 : i32
      %mul3A_408 = arith.constant 6250 : i32
      %mul3A_409 = arith.muli %add3A_407, %mul3A_408 : i32
      %jit3A_410 = arith.constant 128 : i32
      %div3A_411 = arith.divsi %min3A_403, %jit3A_410 : i32
      %sign3A_412 = arith.constant 0 : i32
      %sign3A_413 = arith.cmpi sgt, %min3A_403, %sign3A_412 : i32
      %sign3A_414 = arith.extui %sign3A_413 : i1 to i32
      %sign3A_415 = arith.constant 0 : i32
      %sign3A_416 = arith.cmpi slt, %min3A_403, %sign3A_415 : i32
      %sign3A_417 = arith.extui %sign3A_416 : i1 to i32
      %sign3A_418 = arith.subi %sign3A_414, %sign3A_417 : i32
      %sign3A_419 = arith.constant 0 : i32
      %sign3A_420 = arith.cmpi sgt, %jit3A_410, %sign3A_419 : i32
      %sign3A_421 = arith.extui %sign3A_420 : i1 to i32
      %sign3A_422 = arith.constant 0 : i32
      %sign3A_423 = arith.cmpi slt, %jit3A_410, %sign3A_422 : i32
      %sign3A_424 = arith.extui %sign3A_423 : i1 to i32
      %sign3A_425 = arith.subi %sign3A_421, %sign3A_424 : i32
      %ne3A_426 = arith.cmpi ne, %sign3A_418, %sign3A_425 : i32
      %rem3A_427 = arith.remsi %min3A_403, %jit3A_410 : i32
      %ne3A_428 = arith.constant 0 : i32
      %ne3A_429 = arith.cmpi ne, %rem3A_427, %ne3A_428 : i32
      %and3A_430 = arith.andi %ne3A_426, %ne3A_429 : i1
      %sub3A_431 = arith.constant 1 : i32
      %sub3A_432 = arith.subi %div3A_411, %sub3A_431 : i32
      %select_n3A_433 = arith.select %and3A_430, %sub3A_432, %div3A_411 : i32
      %add3A_434 = arith.addi %mul3A_409, %select_n3A_433 : i32
      %mul3A_435 = arith.constant 1024 : i32
      %mul3A_436 = arith.muli %add3A_434, %mul3A_435 : i32
      %dma_start3A_437 = arith.constant 0 : i32
      %dma_start3A_438 = arith.constant 0 : i32
      %dma_start3A_439 = arith.constant 0 : i32
      %dma_start3A_440 = tpu.memref_slice %arg11[%dma_start3A_437, %dma_start3A_438, %dma_start3A_439] : memref<2x2x20480xf32, #tpu.memory_space<vmem>> -> memref<1x1x20480xf32, #tpu.memory_space<vmem>>
      %dma_start3A_441 = tpu.memref_squeeze %dma_start3A_440 : memref<1x1x20480xf32, #tpu.memory_space<vmem>> -> memref<20480xf32, #tpu.memory_space<vmem>>
      %dma_start3A_442 = tpu.memref_slice %arg7[%mul3A_436] : memref<38400000xf32, #tpu.memory_space<hbm>> -> memref<20480xf32, #tpu.memory_space<hbm>>
      %dma_start3A_443 = tpu.memref_slice %arg7[%mul3A_436] : memref<38400000xf32, #tpu.memory_space<hbm>> -> memref<20480xf32, #tpu.memory_space<hbm>>
      %dma_start3A_444 = arith.constant 0 : i32
      %dma_start3A_445 = tpu.memref_slice %arg11[%dma_start3A_437, %dma_start3A_438, %dma_start3A_444] : memref<2x2x20480xf32, #tpu.memory_space<vmem>> -> memref<1x1x20480xf32, #tpu.memory_space<vmem>>
      %dma_start3A_446 = tpu.memref_squeeze %dma_start3A_445 : memref<1x1x20480xf32, #tpu.memory_space<vmem>> -> memref<20480xf32, #tpu.memory_space<vmem>>
      tpu.enqueue_dma source(%dma_start3A_446 : memref<20480xf32, #tpu.memory_space<vmem>>) target(%dma_start3A_443 : memref<20480xf32, #tpu.memory_space<hbm>>) target_semaphore(%arg14 : memref<!tpu.dma_semaphore, #tpu.memory_space<semaphore_mem>>)
      %mul3A_447 = arith.constant 2 : i32
      %mul3A_448 = arith.muli %select_n3A_383, %mul3A_447 : i32
      %add3A_449 = arith.constant 1 : i32
      %add3A_450 = arith.addi %mul3A_448, %add3A_449 : i32
      %mul3A_451 = arith.constant 6250 : i32
      %mul3A_452 = arith.muli %add3A_450, %mul3A_451 : i32
      %jit3A_453 = arith.constant 128 : i32
      %div3A_454 = arith.divsi %min3A_403, %jit3A_453 : i32
      %sign3A_455 = arith.constant 0 : i32
      %sign3A_456 = arith.cmpi sgt, %min3A_403, %sign3A_455 : i32
      %sign3A_457 = arith.extui %sign3A_456 : i1 to i32
      %sign3A_458 = arith.constant 0 : i32
      %sign3A_459 = arith.cmpi slt, %min3A_403, %sign3A_458 : i32
      %sign3A_460 = arith.extui %sign3A_459 : i1 to i32
      %sign3A_461 = arith.subi %sign3A_457, %sign3A_460 : i32
      %sign3A_462 = arith.constant 0 : i32
      %sign3A_463 = arith.cmpi sgt, %jit3A_453, %sign3A_462 : i32
      %sign3A_464 = arith.extui %sign3A_463 : i1 to i32
      %sign3A_465 = arith.constant 0 : i32
      %sign3A_466 = arith.cmpi slt, %jit3A_453, %sign3A_465 : i32
      %sign3A_467 = arith.extui %sign3A_466 : i1 to i32
      %sign3A_468 = arith.subi %sign3A_464, %sign3A_467 : i32
      %ne3A_469 = arith.cmpi ne, %sign3A_461, %sign3A_468 : i32
      %rem3A_470 = arith.remsi %min3A_403, %jit3A_453 : i32
      %ne3A_471 = arith.constant 0 : i32
      %ne3A_472 = arith.cmpi ne, %rem3A_470, %ne3A_471 : i32
      %and3A_473 = arith.andi %ne3A_469, %ne3A_472 : i1
      %sub3A_474 = arith.constant 1 : i32
      %sub3A_475 = arith.subi %div3A_454, %sub3A_474 : i32
      %select_n3A_476 = arith.select %and3A_473, %sub3A_475, %div3A_454 : i32
      %add3A_477 = arith.addi %mul3A_452, %select_n3A_476 : i32
      %mul3A_478 = arith.constant 1024 : i32
      %mul3A_479 = arith.muli %add3A_477, %mul3A_478 : i32
      %dma_start3A_480 = arith.constant 0 : i32
      %dma_start3A_481 = arith.constant 1 : i32
      %dma_start3A_482 = arith.constant 0 : i32
      %dma_start3A_483 = tpu.memref_slice %arg11[%dma_start3A_480, %dma_start3A_481, %dma_start3A_482] : memref<2x2x20480xf32, #tpu.memory_space<vmem>> -> memref<1x1x20480xf32, #tpu.memory_space<vmem>>
      %dma_start3A_484 = tpu.memref_squeeze %dma_start3A_483 : memref<1x1x20480xf32, #tpu.memory_space<vmem>> -> memref<20480xf32, #tpu.memory_space<vmem>>
      %dma_start3A_485 = tpu.memref_slice %arg7[%mul3A_479] : memref<38400000xf32, #tpu.memory_space<hbm>> -> memref<20480xf32, #tpu.memory_space<hbm>>
      %dma_start3A_486 = tpu.memref_slice %arg7[%mul3A_479] : memref<38400000xf32, #tpu.memory_space<hbm>> -> memref<20480xf32, #tpu.memory_space<hbm>>
      %dma_start3A_487 = arith.constant 0 : i32
      %dma_start3A_488 = tpu.memref_slice %arg11[%dma_start3A_480, %dma_start3A_481, %dma_start3A_487] : memref<2x2x20480xf32, #tpu.memory_space<vmem>> -> memref<1x1x20480xf32, #tpu.memory_space<vmem>>
      %dma_start3A_489 = tpu.memref_squeeze %dma_start3A_488 : memref<1x1x20480xf32, #tpu.memory_space<vmem>> -> memref<20480xf32, #tpu.memory_space<vmem>>
      tpu.enqueue_dma source(%dma_start3A_489 : memref<20480xf32, #tpu.memory_space<vmem>>) target(%dma_start3A_486 : memref<20480xf32, #tpu.memory_space<hbm>>) target_semaphore(%arg14 : memref<!tpu.dma_semaphore, #tpu.memory_space<semaphore_mem>>)
      %add3A_490 = arith.constant 2 : i32
      %add3A_491 = arith.addi %add3A_339, %add3A_490 : i32
      %lt3A_492 = arith.constant 30 : i32
      %lt3A_493 = arith.cmpi slt, %add3A_491, %lt3A_492 : i32
      %convert_element_type3A_494 = arith.extui %lt3A_493 : i1 to i32
      %cond3A_495 = arith.constant 0 : i32
      %cond3A_496 = arith.cmpi ne, %convert_element_type3A_494, %cond3A_495 : i32
      scf.if %cond3A_496 {
        %add3A_662 = arith.constant 2 : i32
        %add3A_663 = arith.addi %add3A_339, %add3A_662 : i32
        %mul3A_664 = arith.constant 32 : i32
        %mul3A_665 = arith.muli %add3A_663, %mul3A_664 : i32
        %add3A_666 = arith.addi %add3A, %mul3A_665 : i32
        %min3A_667 = arith.constant 938 : i32
        %min3A_668 = arith.minsi %add3A_666, %min3A_667 : i32
        %jit3A_669 = arith.constant 313 : i32
        %div3A_670 = arith.divsi %min3A_668, %jit3A_669 : i32
        %sign3A_671 = arith.constant 0 : i32
        %sign3A_672 = arith.cmpi sgt, %min3A_668, %sign3A_671 : i32
        %sign3A_673 = arith.extui %sign3A_672 : i1 to i32
        %sign3A_674 = arith.constant 0 : i32
        %sign3A_675 = arith.cmpi slt, %min3A_668, %sign3A_674 : i32
        %sign3A_676 = arith.extui %sign3A_675 : i1 to i32
        %sign3A_677 = arith.subi %sign3A_673, %sign3A_676 : i32
        %sign3A_678 = arith.constant 0 : i32
        %sign3A_679 = arith.cmpi sgt, %jit3A_669, %sign3A_678 : i32
        %sign3A_680 = arith.extui %sign3A_679 : i1 to i32
        %sign3A_681 = arith.constant 0 : i32
        %sign3A_682 = arith.cmpi slt, %jit3A_669, %sign3A_681 : i32
        %sign3A_683 = arith.extui %sign3A_682 : i1 to i32
        %sign3A_684 = arith.subi %sign3A_680, %sign3A_683 : i32
        %ne3A_685 = arith.cmpi ne, %sign3A_677, %sign3A_684 : i32
        %rem3A_686 = arith.remsi %min3A_668, %jit3A_669 : i32
        %ne3A_687 = arith.constant 0 : i32
        %ne3A_688 = arith.cmpi ne, %rem3A_686, %ne3A_687 : i32
        %and3A_689 = arith.andi %ne3A_685, %ne3A_688 : i1
        %sub3A_690 = arith.constant 1 : i32
        %sub3A_691 = arith.subi %div3A_670, %sub3A_690 : i32
        %select_n3A_692 = arith.select %and3A_689, %sub3A_691, %div3A_670 : i32
        %jit3A_693 = arith.constant 313 : i32
        %eq3A_694 = arith.constant 0 : i32
        %eq3A_695 = arith.cmpi eq, %jit3A_693, %eq3A_694 : i32
        %jit3A_696 = arith.constant 1 : i32
        %select_n3A_697 = arith.select %eq3A_695, %jit3A_696, %jit3A_693 : i32
        %rem3A_698 = arith.remsi %min3A_668, %select_n3A_697 : i32
        %ne3A_699 = arith.constant 0 : i32
        %ne3A_700 = arith.cmpi ne, %rem3A_698, %ne3A_699 : i32
        %lt3A_701 = arith.constant 0 : i32
        %lt3A_702 = arith.cmpi slt, %rem3A_698, %lt3A_701 : i32
        %lt3A_703 = arith.constant 0 : i32
        %lt3A_704 = arith.cmpi slt, %select_n3A_697, %lt3A_703 : i32
        %ne3A_705 = arith.xori %lt3A_702, %lt3A_704 : i1
        %and3A_706 = arith.andi %ne3A_705, %ne3A_700 : i1
        %add3A_707 = arith.addi %rem3A_698, %select_n3A_697 : i32
        %select_n3A_708 = arith.select %and3A_706, %add3A_707, %rem3A_698 : i32
        %mul3A_709 = arith.constant 2560 : i32
        %mul3A_710 = arith.muli %select_n3A_708, %mul3A_709 : i32
        %min3A_711 = arith.constant 797440 : i32
        %min3A_712 = arith.minsi %mul3A_710, %min3A_711 : i32
        %mul3A_713 = arith.constant 800000 : i32
        %mul3A_714 = arith.muli %select_n3A_692, %mul3A_713 : i32
        %add3A_715 = arith.addi %mul3A_714, %min3A_712 : i32
        %dma_start3A_716 = arith.constant 0 : i32
        %dma_start3A_717 = arith.constant 0 : i32
        %dma_start3A_718 = tpu.memref_slice %arg10[%dma_start3A_716, %dma_start3A_717] : memref<2x2560xi32, #tpu.memory_space<vmem>> -> memref<1x2560xi32, #tpu.memory_space<vmem>>
        %dma_start3A_719 = tpu.memref_squeeze %dma_start3A_718 : memref<1x2560xi32, #tpu.memory_space<vmem>> -> memref<2560xi32, #tpu.memory_space<vmem>>
        %dma_start3A_720 = tpu.memref_slice %arg5[%add3A_715] : memref<2400000xi32, #tpu.memory_space<hbm>> -> memref<2560xi32, #tpu.memory_space<hbm>>
        %dma_start3A_721 = arith.constant 0 : i32
        %dma_start3A_722 = tpu.memref_slice %arg10[%dma_start3A_716, %dma_start3A_721] : memref<2x2560xi32, #tpu.memory_space<vmem>> -> memref<1x2560xi32, #tpu.memory_space<vmem>>
        %dma_start3A_723 = tpu.memref_squeeze %dma_start3A_722 : memref<1x2560xi32, #tpu.memory_space<vmem>> -> memref<2560xi32, #tpu.memory_space<vmem>>
        %dma_start3A_724 = tpu.memref_slice %arg5[%add3A_715] : memref<2400000xi32, #tpu.memory_space<hbm>> -> memref<2560xi32, #tpu.memory_space<hbm>>
        tpu.enqueue_dma source(%dma_start3A_724 : memref<2560xi32, #tpu.memory_space<hbm>>) target(%dma_start3A_723 : memref<2560xi32, #tpu.memory_space<vmem>>) target_semaphore(%arg12 : memref<!tpu.dma_semaphore, #tpu.memory_space<semaphore_mem>>)
      } else {
      }
      %mul3A_497 = arith.constant 2 : i32
      %mul3A_498 = arith.muli %scan3A_335, %mul3A_497 : i32
      %add3A_499 = arith.constant 1 : i32
      %add3A_500 = arith.addi %mul3A_498, %add3A_499 : i32
      %dma_wait3A_501 = arith.constant 1 : i32
      %dma_wait3A_502 = arith.constant 0 : i32
      %dma_wait3A_503 = tpu.memref_slice %arg10[%dma_wait3A_501, %dma_wait3A_502] : memref<2x2560xi32, #tpu.memory_space<vmem>> -> memref<1x2560xi32, #tpu.memory_space<vmem>>
      %dma_wait3A_504 = tpu.memref_squeeze %dma_wait3A_503 : memref<1x2560xi32, #tpu.memory_space<vmem>> -> memref<2560xi32, #tpu.memory_space<vmem>>
      %dma_wait3A_505 = arith.constant 0 : i32
      %dma_wait3A_506 = tpu.memref_slice %arg5[%dma_wait3A_505] : memref<2400000xi32, #tpu.memory_space<hbm>> -> memref<2560xi32, #tpu.memory_space<hbm>>
      %dma_wait3A_507 = arith.constant 0 : i32
      %dma_wait3A_508 = tpu.memref_slice %arg10[%dma_wait3A_501, %dma_wait3A_507] : memref<2x2560xi32, #tpu.memory_space<vmem>> -> memref<1x2560xi32, #tpu.memory_space<vmem>>
      %dma_wait3A_509 = tpu.memref_squeeze %dma_wait3A_508 : memref<1x2560xi32, #tpu.memory_space<vmem>> -> memref<2560xi32, #tpu.memory_space<vmem>>
      %dma_wait3A_510 = arith.constant 0 : i32
      %dma_wait3A_511 = tpu.memref_slice %arg5[%dma_wait3A_510] : memref<2400000xi32, #tpu.memory_space<hbm>> -> memref<2560xi32, #tpu.memory_space<hbm>>
      tpu.wait_dma2 semaphore(%arg13 : memref<!tpu.dma_semaphore, #tpu.memory_space<semaphore_mem>>) src(%dma_wait3A_511 : memref<2560xi32, #tpu.memory_space<hbm>>) dst(%dma_wait3A_509 : memref<2560xi32, #tpu.memory_space<vmem>>)
      %ge3A_512 = arith.constant 2 : i32
      %ge3A_513 = arith.cmpi sge, %add3A_500, %ge3A_512 : i32
      %convert_element_type3A_514 = arith.extui %ge3A_513 : i1 to i32
      %cond3A_515 = arith.constant 0 : i32
      %cond3A_516 = arith.cmpi ne, %convert_element_type3A_514, %cond3A_515 : i32
      scf.if %cond3A_516 {
        %dma_wait3A_662 = arith.constant 1 : i32
        %dma_wait3A_663 = arith.constant 0 : i32
        %dma_wait3A_664 = arith.constant 0 : i32
        %dma_wait3A_665 = tpu.memref_slice %arg11[%dma_wait3A_662, %dma_wait3A_663, %dma_wait3A_664] : memref<2x2x20480xf32, #tpu.memory_space<vmem>> -> memref<1x1x20480xf32, #tpu.memory_space<vmem>>
        %dma_wait3A_666 = tpu.memref_squeeze %dma_wait3A_665 : memref<1x1x20480xf32, #tpu.memory_space<vmem>> -> memref<20480xf32, #tpu.memory_space<vmem>>
        %dma_wait3A_667 = arith.constant 0 : i32
        %dma_wait3A_668 = tpu.memref_slice %arg7[%dma_wait3A_667] : memref<38400000xf32, #tpu.memory_space<hbm>> -> memref<20480xf32, #tpu.memory_space<hbm>>
        %dma_wait3A_669 = arith.constant 0 : i32
        %dma_wait3A_670 = tpu.memref_slice %arg7[%dma_wait3A_669] : memref<38400000xf32, #tpu.memory_space<hbm>> -> memref<20480xf32, #tpu.memory_space<hbm>>
        %dma_wait3A_671 = arith.constant 0 : i32
        %dma_wait3A_672 = tpu.memref_slice %arg11[%dma_wait3A_662, %dma_wait3A_663, %dma_wait3A_671] : memref<2x2x20480xf32, #tpu.memory_space<vmem>> -> memref<1x1x20480xf32, #tpu.memory_space<vmem>>
        %dma_wait3A_673 = tpu.memref_squeeze %dma_wait3A_672 : memref<1x1x20480xf32, #tpu.memory_space<vmem>> -> memref<20480xf32, #tpu.memory_space<vmem>>
        tpu.wait_dma2 semaphore(%arg15 : memref<!tpu.dma_semaphore, #tpu.memory_space<semaphore_mem>>) src(%dma_wait3A_673 : memref<20480xf32, #tpu.memory_space<vmem>>) dst(%dma_wait3A_670 : memref<20480xf32, #tpu.memory_space<hbm>>)
        %dma_wait3A_674 = arith.constant 1 : i32
        %dma_wait3A_675 = arith.constant 1 : i32
        %dma_wait3A_676 = arith.constant 0 : i32
        %dma_wait3A_677 = tpu.memref_slice %arg11[%dma_wait3A_674, %dma_wait3A_675, %dma_wait3A_676] : memref<2x2x20480xf32, #tpu.memory_space<vmem>> -> memref<1x1x20480xf32, #tpu.memory_space<vmem>>
        %dma_wait3A_678 = tpu.memref_squeeze %dma_wait3A_677 : memref<1x1x20480xf32, #tpu.memory_space<vmem>> -> memref<20480xf32, #tpu.memory_space<vmem>>
        %dma_wait3A_679 = arith.constant 0 : i32
        %dma_wait3A_680 = tpu.memref_slice %arg7[%dma_wait3A_679] : memref<38400000xf32, #tpu.memory_space<hbm>> -> memref<20480xf32, #tpu.memory_space<hbm>>
        %dma_wait3A_681 = arith.constant 0 : i32
        %dma_wait3A_682 = tpu.memref_slice %arg7[%dma_wait3A_681] : memref<38400000xf32, #tpu.memory_space<hbm>> -> memref<20480xf32, #tpu.memory_space<hbm>>
        %dma_wait3A_683 = arith.constant 0 : i32
        %dma_wait3A_684 = tpu.memref_slice %arg11[%dma_wait3A_674, %dma_wait3A_675, %dma_wait3A_683] : memref<2x2x20480xf32, #tpu.memory_space<vmem>> -> memref<1x1x20480xf32, #tpu.memory_space<vmem>>
        %dma_wait3A_685 = tpu.memref_squeeze %dma_wait3A_684 : memref<1x1x20480xf32, #tpu.memory_space<vmem>> -> memref<20480xf32, #tpu.memory_space<vmem>>
        tpu.wait_dma2 semaphore(%arg15 : memref<!tpu.dma_semaphore, #tpu.memory_space<semaphore_mem>>) src(%dma_wait3A_685 : memref<20480xf32, #tpu.memory_space<vmem>>) dst(%dma_wait3A_682 : memref<20480xf32, #tpu.memory_space<hbm>>)
      } else {
      }
      %parallel_loop3A_517 = arith.constant 0 : i32
      %parallel_loop3A_518 = arith.constant 160 : i32
      %parallel_loop3A_519 = arith.constant 1 : i32
      scf.for %parallel_loop3A_662 = %parallel_loop3A_517 to %parallel_loop3A_518 step %parallel_loop3A_519  : i32 {
        %parallel_loop3A_663 = arith.constant 16 : i32
        %parallel_loop3A_664 = arith.muli %parallel_loop3A_662, %parallel_loop3A_663 : i32
        %parallel_loop3A_665 = arith.constant 1 : i32
        %parallel_loop3A_666 = arith.index_cast %parallel_loop3A_665 : i32 to index
        %parallel_loop3A_667 = arith.index_cast %parallel_loop3A_664 : i32 to index
        %parallel_loop3A_668 = tpu.vector_load %arg10[%parallel_loop3A_666, %parallel_loop3A_667] {strides = array<i32>} : memref<2x2560xi32, #tpu.memory_space<vmem>>, vector<16xi32>,
        %parallel_loop3A_669 = arith.constant 16 : i32
        %parallel_loop3A_670 = vector.broadcast %parallel_loop3A_669 : i32 to vector<16xi32>
        %parallel_loop3A_671 = arith.muli %parallel_loop3A_668, %parallel_loop3A_670 : vector<16xi32>
        %parallel_loop3A_672 = arith.constant 8 : i32
        %parallel_loop3A_673 = arith.divsi %parallel_loop3A_662, %parallel_loop3A_672 : i32
        %parallel_loop3A_674 = arith.constant 0 : i32
        %parallel_loop3A_675 = arith.cmpi sgt, %parallel_loop3A_662, %parallel_loop3A_674 : i32
        %parallel_loop3A_676 = arith.extui %parallel_loop3A_675 : i1 to i32
        %parallel_loop3A_677 = arith.constant 0 : i32
        %parallel_loop3A_678 = arith.cmpi slt, %parallel_loop3A_662, %parallel_loop3A_677 : i32
        %parallel_loop3A_679 = arith.extui %parallel_loop3A_678 : i1 to i32
        %parallel_loop3A_680 = arith.subi %parallel_loop3A_676, %parallel_loop3A_679 : i32
        %parallel_loop3A_681 = arith.constant 0 : i32
        %parallel_loop3A_682 = arith.cmpi sgt, %parallel_loop3A_672, %parallel_loop3A_681 : i32
        %parallel_loop3A_683 = arith.extui %parallel_loop3A_682 : i1 to i32
        %parallel_loop3A_684 = arith.constant 0 : i32
        %parallel_loop3A_685 = arith.cmpi slt, %parallel_loop3A_672, %parallel_loop3A_684 : i32
        %parallel_loop3A_686 = arith.extui %parallel_loop3A_685 : i1 to i32
        %parallel_loop3A_687 = arith.subi %parallel_loop3A_683, %parallel_loop3A_686 : i32
        %parallel_loop3A_688 = arith.cmpi ne, %parallel_loop3A_680, %parallel_loop3A_687 : i32
        %parallel_loop3A_689 = arith.remsi %parallel_loop3A_662, %parallel_loop3A_672 : i32
        %parallel_loop3A_690 = arith.constant 0 : i32
        %parallel_loop3A_691 = arith.cmpi ne, %parallel_loop3A_689, %parallel_loop3A_690 : i32
        %parallel_loop3A_692 = arith.andi %parallel_loop3A_688, %parallel_loop3A_691 : i1
        %parallel_loop3A_693 = arith.constant 1 : i32
        %parallel_loop3A_694 = arith.subi %parallel_loop3A_673, %parallel_loop3A_693 : i32
        %parallel_loop3A_695 = arith.select %parallel_loop3A_692, %parallel_loop3A_694, %parallel_loop3A_673 : i32
        %parallel_loop3A_696 = arith.constant 1024 : i32
        %parallel_loop3A_697 = arith.muli %parallel_loop3A_695, %parallel_loop3A_696 : i32
        %parallel_loop3A_698 = arith.constant 8 : i32
        %parallel_loop3A_699 = arith.constant 0 : i32
        %parallel_loop3A_700 = arith.cmpi eq, %parallel_loop3A_698, %parallel_loop3A_699 : i32
        %parallel_loop3A_701 = arith.constant 1 : i32
        %parallel_loop3A_702 = arith.select %parallel_loop3A_700, %parallel_loop3A_701, %parallel_loop3A_698 : i32
        %parallel_loop3A_703 = arith.remsi %parallel_loop3A_662, %parallel_loop3A_702 : i32
        %parallel_loop3A_704 = arith.constant 0 : i32
        %parallel_loop3A_705 = arith.cmpi ne, %parallel_loop3A_703, %parallel_loop3A_704 : i32
        %parallel_loop3A_706 = arith.constant 0 : i32
        %parallel_loop3A_707 = arith.cmpi slt, %parallel_loop3A_703, %parallel_loop3A_706 : i32
        %parallel_loop3A_708 = arith.constant 0 : i32
        %parallel_loop3A_709 = arith.cmpi slt, %parallel_loop3A_702, %parallel_loop3A_708 : i32
        %parallel_loop3A_710 = arith.xori %parallel_loop3A_707, %parallel_loop3A_709 : i1
        %parallel_loop3A_711 = arith.andi %parallel_loop3A_710, %parallel_loop3A_705 : i1
        %parallel_loop3A_712 = arith.addi %parallel_loop3A_703, %parallel_loop3A_702 : i32
        %parallel_loop3A_713 = arith.select %parallel_loop3A_711, %parallel_loop3A_712, %parallel_loop3A_703 : i32
        %parallel_loop3A_714 = arith.constant 16 : i32
        %parallel_loop3A_715 = arith.muli %parallel_loop3A_713, %parallel_loop3A_714 : i32
        %parallel_loop3A_716 = arith.addi %parallel_loop3A_697, %parallel_loop3A_715 : i32
        %parallel_loop3A_717 = arith.constant 0 : i32
        %parallel_loop3A_718 = vector.broadcast %parallel_loop3A_717 : i32 to vector<16xi32>
        %parallel_loop3A_719 = arith.addi %parallel_loop3A_671, %parallel_loop3A_718 : vector<16xi32>
        %parallel_loop3A_720 = tpu.vector_load_idx %arg9[%parallel_loop3A_719] : memref<6144xf32, #tpu.memory_space<vmem>>[vector<16xi32>], vector<16xf32>,
        %parallel_loop3A_721 = arith.constant 1 : i32
        %parallel_loop3A_722 = vector.broadcast %parallel_loop3A_721 : i32 to vector<16xi32>
        %parallel_loop3A_723 = arith.addi %parallel_loop3A_671, %parallel_loop3A_722 : vector<16xi32>
        %parallel_loop3A_724 = tpu.vector_load_idx %arg9[%parallel_loop3A_723] : memref<6144xf32, #tpu.memory_space<vmem>>[vector<16xi32>], vector<16xf32>,
        %parallel_loop3A_725 = arith.constant 2 : i32
        %parallel_loop3A_726 = vector.broadcast %parallel_loop3A_725 : i32 to vector<16xi32>
        %parallel_loop3A_727 = arith.addi %parallel_loop3A_671, %parallel_loop3A_726 : vector<16xi32>
        %parallel_loop3A_728 = tpu.vector_load_idx %arg9[%parallel_loop3A_727] : memref<6144xf32, #tpu.memory_space<vmem>>[vector<16xi32>], vector<16xf32>,
        %parallel_loop3A_729 = arith.constant 3 : i32
        %parallel_loop3A_730 = vector.broadcast %parallel_loop3A_729 : i32 to vector<16xi32>
        %parallel_loop3A_731 = arith.addi %parallel_loop3A_671, %parallel_loop3A_730 : vector<16xi32>
        %parallel_loop3A_732 = tpu.vector_load_idx %arg9[%parallel_loop3A_731] : memref<6144xf32, #tpu.memory_space<vmem>>[vector<16xi32>], vector<16xf32>,
        %parallel_loop3A_733 = arith.constant 0 : i32
        %parallel_loop3A_734 = arith.addi %parallel_loop3A_716, %parallel_loop3A_733 : i32
        %parallel_loop3A_735 = arith.constant 1 : i32
        %parallel_loop3A_736 = arith.constant 0 : i32
        %parallel_loop3A_737 = arith.index_cast %parallel_loop3A_735 : i32 to index
        %parallel_loop3A_738 = arith.index_cast %parallel_loop3A_736 : i32 to index
        %parallel_loop3A_739 = arith.index_cast %parallel_loop3A_734 : i32 to index
        %parallel_loop3A_740 = tpu.vector_load %arg11[%parallel_loop3A_737, %parallel_loop3A_738, %parallel_loop3A_739] {strides = array<i32>} : memref<2x2x20480xf32, #tpu.memory_space<vmem>>, vector<16xf32>,
        tpu.vector_store %arg11[%parallel_loop3A_737, %parallel_loop3A_738, %parallel_loop3A_739], %parallel_loop3A_720 {strides = array<i32>} : memref<2x2x20480xf32, #tpu.memory_space<vmem>>, vector<16xf32>,
        %parallel_loop3A_741 = arith.constant 4 : i32
        %parallel_loop3A_742 = vector.broadcast %parallel_loop3A_741 : i32 to vector<16xi32>
        %parallel_loop3A_743 = arith.addi %parallel_loop3A_671, %parallel_loop3A_742 : vector<16xi32>
        %parallel_loop3A_744 = tpu.vector_load_idx %arg9[%parallel_loop3A_743] : memref<6144xf32, #tpu.memory_space<vmem>>[vector<16xi32>], vector<16xf32>,
        %parallel_loop3A_745 = arith.constant 128 : i32
        %parallel_loop3A_746 = arith.addi %parallel_loop3A_716, %parallel_loop3A_745 : i32
        %parallel_loop3A_747 = arith.constant 1 : i32
        %parallel_loop3A_748 = arith.constant 0 : i32
        %parallel_loop3A_749 = arith.index_cast %parallel_loop3A_747 : i32 to index
        %parallel_loop3A_750 = arith.index_cast %parallel_loop3A_748 : i32 to index
        %parallel_loop3A_751 = arith.index_cast %parallel_loop3A_746 : i32 to index
        %parallel_loop3A_752 = tpu.vector_load %arg11[%parallel_loop3A_749, %parallel_loop3A_750, %parallel_loop3A_751] {strides = array<i32>} : memref<2x2x20480xf32, #tpu.memory_space<vmem>>, vector<16xf32>,
        tpu.vector_store %arg11[%parallel_loop3A_749, %parallel_loop3A_750, %parallel_loop3A_751], %parallel_loop3A_724 {strides = array<i32>} : memref<2x2x20480xf32, #tpu.memory_space<vmem>>, vector<16xf32>,
        %parallel_loop3A_753 = arith.constant 5 : i32
        %parallel_loop3A_754 = vector.broadcast %parallel_loop3A_753 : i32 to vector<16xi32>
        %parallel_loop3A_755 = arith.addi %parallel_loop3A_671, %parallel_loop3A_754 : vector<16xi32>
        %parallel_loop3A_756 = tpu.vector_load_idx %arg9[%parallel_loop3A_755] : memref<6144xf32, #tpu.memory_space<vmem>>[vector<16xi32>], vector<16xf32>,
        %parallel_loop3A_757 = arith.constant 256 : i32
        %parallel_loop3A_758 = arith.addi %parallel_loop3A_716, %parallel_loop3A_757 : i32
        %parallel_loop3A_759 = arith.constant 1 : i32
        %parallel_loop3A_760 = arith.constant 0 : i32
        %parallel_loop3A_761 = arith.index_cast %parallel_loop3A_759 : i32 to index
        %parallel_loop3A_762 = arith.index_cast %parallel_loop3A_760 : i32 to index
        %parallel_loop3A_763 = arith.index_cast %parallel_loop3A_758 : i32 to index
        %parallel_loop3A_764 = tpu.vector_load %arg11[%parallel_loop3A_761, %parallel_loop3A_762, %parallel_loop3A_763] {strides = array<i32>} : memref<2x2x20480xf32, #tpu.memory_space<vmem>>, vector<16xf32>,
        tpu.vector_store %arg11[%parallel_loop3A_761, %parallel_loop3A_762, %parallel_loop3A_763], %parallel_loop3A_728 {strides = array<i32>} : memref<2x2x20480xf32, #tpu.memory_space<vmem>>, vector<16xf32>,
        %parallel_loop3A_765 = arith.constant 6 : i32
        %parallel_loop3A_766 = vector.broadcast %parallel_loop3A_765 : i32 to vector<16xi32>
        %parallel_loop3A_767 = arith.addi %parallel_loop3A_671, %parallel_loop3A_766 : vector<16xi32>
        %parallel_loop3A_768 = tpu.vector_load_idx %arg9[%parallel_loop3A_767] : memref<6144xf32, #tpu.memory_space<vmem>>[vector<16xi32>], vector<16xf32>,
        %parallel_loop3A_769 = arith.constant 384 : i32
        %parallel_loop3A_770 = arith.addi %parallel_loop3A_716, %parallel_loop3A_769 : i32
        %parallel_loop3A_771 = arith.constant 1 : i32
        %parallel_loop3A_772 = arith.constant 0 : i32
        %parallel_loop3A_773 = arith.index_cast %parallel_loop3A_771 : i32 to index
        %parallel_loop3A_774 = arith.index_cast %parallel_loop3A_772 : i32 to index
        %parallel_loop3A_775 = arith.index_cast %parallel_loop3A_770 : i32 to index
        %parallel_loop3A_776 = tpu.vector_load %arg11[%parallel_loop3A_773, %parallel_loop3A_774, %parallel_loop3A_775] {strides = array<i32>} : memref<2x2x20480xf32, #tpu.memory_space<vmem>>, vector<16xf32>,
        tpu.vector_store %arg11[%parallel_loop3A_773, %parallel_loop3A_774, %parallel_loop3A_775], %parallel_loop3A_732 {strides = array<i32>} : memref<2x2x20480xf32, #tpu.memory_space<vmem>>, vector<16xf32>,
        %parallel_loop3A_777 = arith.constant 7 : i32
        %parallel_loop3A_778 = vector.broadcast %parallel_loop3A_777 : i32 to vector<16xi32>
        %parallel_loop3A_779 = arith.addi %parallel_loop3A_671, %parallel_loop3A_778 : vector<16xi32>
        %parallel_loop3A_780 = tpu.vector_load_idx %arg9[%parallel_loop3A_779] : memref<6144xf32, #tpu.memory_space<vmem>>[vector<16xi32>], vector<16xf32>,
        %parallel_loop3A_781 = arith.constant 512 : i32
        %parallel_loop3A_782 = arith.addi %parallel_loop3A_716, %parallel_loop3A_781 : i32
        %parallel_loop3A_783 = arith.constant 1 : i32
        %parallel_loop3A_784 = arith.constant 0 : i32
        %parallel_loop3A_785 = arith.index_cast %parallel_loop3A_783 : i32 to index
        %parallel_loop3A_786 = arith.index_cast %parallel_loop3A_784 : i32 to index
        %parallel_loop3A_787 = arith.index_cast %parallel_loop3A_782 : i32 to index
        %parallel_loop3A_788 = tpu.vector_load %arg11[%parallel_loop3A_785, %parallel_loop3A_786, %parallel_loop3A_787] {strides = array<i32>} : memref<2x2x20480xf32, #tpu.memory_space<vmem>>, vector<16xf32>,
        tpu.vector_store %arg11[%parallel_loop3A_785, %parallel_loop3A_786, %parallel_loop3A_787], %parallel_loop3A_744 {strides = array<i32>} : memref<2x2x20480xf32, #tpu.memory_space<vmem>>, vector<16xf32>,
        %parallel_loop3A_789 = arith.constant 8 : i32
        %parallel_loop3A_790 = vector.broadcast %parallel_loop3A_789 : i32 to vector<16xi32>
        %parallel_loop3A_791 = arith.addi %parallel_loop3A_671, %parallel_loop3A_790 : vector<16xi32>
        %parallel_loop3A_792 = tpu.vector_load_idx %arg9[%parallel_loop3A_791] : memref<6144xf32, #tpu.memory_space<vmem>>[vector<16xi32>], vector<16xf32>,
        %parallel_loop3A_793 = arith.constant 640 : i32
        %parallel_loop3A_794 = arith.addi %parallel_loop3A_716, %parallel_loop3A_793 : i32
        %parallel_loop3A_795 = arith.constant 1 : i32
        %parallel_loop3A_796 = arith.constant 0 : i32
        %parallel_loop3A_797 = arith.index_cast %parallel_loop3A_795 : i32 to index
        %parallel_loop3A_798 = arith.index_cast %parallel_loop3A_796 : i32 to index
        %parallel_loop3A_799 = arith.index_cast %parallel_loop3A_794 : i32 to index
        %parallel_loop3A_800 = tpu.vector_load %arg11[%parallel_loop3A_797, %parallel_loop3A_798, %parallel_loop3A_799] {strides = array<i32>} : memref<2x2x20480xf32, #tpu.memory_space<vmem>>, vector<16xf32>,
        tpu.vector_store %arg11[%parallel_loop3A_797, %parallel_loop3A_798, %parallel_loop3A_799], %parallel_loop3A_756 {strides = array<i32>} : memref<2x2x20480xf32, #tpu.memory_space<vmem>>, vector<16xf32>,
        %parallel_loop3A_801 = arith.constant 9 : i32
        %parallel_loop3A_802 = vector.broadcast %parallel_loop3A_801 : i32 to vector<16xi32>
        %parallel_loop3A_803 = arith.addi %parallel_loop3A_671, %parallel_loop3A_802 : vector<16xi32>
        %parallel_loop3A_804 = tpu.vector_load_idx %arg9[%parallel_loop3A_803] : memref<6144xf32, #tpu.memory_space<vmem>>[vector<16xi32>], vector<16xf32>,
        %parallel_loop3A_805 = arith.constant 768 : i32
        %parallel_loop3A_806 = arith.addi %parallel_loop3A_716, %parallel_loop3A_805 : i32
        %parallel_loop3A_807 = arith.constant 1 : i32
        %parallel_loop3A_808 = arith.constant 0 : i32
        %parallel_loop3A_809 = arith.index_cast %parallel_loop3A_807 : i32 to index
        %parallel_loop3A_810 = arith.index_cast %parallel_loop3A_808 : i32 to index
        %parallel_loop3A_811 = arith.index_cast %parallel_loop3A_806 : i32 to index
        %parallel_loop3A_812 = tpu.vector_load %arg11[%parallel_loop3A_809, %parallel_loop3A_810, %parallel_loop3A_811] {strides = array<i32>} : memref<2x2x20480xf32, #tpu.memory_space<vmem>>, vector<16xf32>,
        tpu.vector_store %arg11[%parallel_loop3A_809, %parallel_loop3A_810, %parallel_loop3A_811], %parallel_loop3A_768 {strides = array<i32>} : memref<2x2x20480xf32, #tpu.memory_space<vmem>>, vector<16xf32>,
        %parallel_loop3A_813 = arith.constant 10 : i32
        %parallel_loop3A_814 = vector.broadcast %parallel_loop3A_813 : i32 to vector<16xi32>
        %parallel_loop3A_815 = arith.addi %parallel_loop3A_671, %parallel_loop3A_814 : vector<16xi32>
        %parallel_loop3A_816 = tpu.vector_load_idx %arg9[%parallel_loop3A_815] : memref<6144xf32, #tpu.memory_space<vmem>>[vector<16xi32>], vector<16xf32>,
        %parallel_loop3A_817 = arith.constant 896 : i32
        %parallel_loop3A_818 = arith.addi %parallel_loop3A_716, %parallel_loop3A_817 : i32
        %parallel_loop3A_819 = arith.constant 1 : i32
        %parallel_loop3A_820 = arith.constant 0 : i32
        %parallel_loop3A_821 = arith.index_cast %parallel_loop3A_819 : i32 to index
        %parallel_loop3A_822 = arith.index_cast %parallel_loop3A_820 : i32 to index
        %parallel_loop3A_823 = arith.index_cast %parallel_loop3A_818 : i32 to index
        %parallel_loop3A_824 = tpu.vector_load %arg11[%parallel_loop3A_821, %parallel_loop3A_822, %parallel_loop3A_823] {strides = array<i32>} : memref<2x2x20480xf32, #tpu.memory_space<vmem>>, vector<16xf32>,
        tpu.vector_store %arg11[%parallel_loop3A_821, %parallel_loop3A_822, %parallel_loop3A_823], %parallel_loop3A_780 {strides = array<i32>} : memref<2x2x20480xf32, #tpu.memory_space<vmem>>, vector<16xf32>,
        %parallel_loop3A_825 = arith.constant 11 : i32
        %parallel_loop3A_826 = vector.broadcast %parallel_loop3A_825 : i32 to vector<16xi32>
        %parallel_loop3A_827 = arith.addi %parallel_loop3A_671, %parallel_loop3A_826 : vector<16xi32>
        %parallel_loop3A_828 = tpu.vector_load_idx %arg9[%parallel_loop3A_827] : memref<6144xf32, #tpu.memory_space<vmem>>[vector<16xi32>], vector<16xf32>,
        %parallel_loop3A_829 = arith.constant 0 : i32
        %parallel_loop3A_830 = arith.addi %parallel_loop3A_716, %parallel_loop3A_829 : i32
        %parallel_loop3A_831 = arith.constant 1 : i32
        %parallel_loop3A_832 = arith.constant 1 : i32
        %parallel_loop3A_833 = arith.index_cast %parallel_loop3A_831 : i32 to index
        %parallel_loop3A_834 = arith.index_cast %parallel_loop3A_832 : i32 to index
        %parallel_loop3A_835 = arith.index_cast %parallel_loop3A_830 : i32 to index
        %parallel_loop3A_836 = tpu.vector_load %arg11[%parallel_loop3A_833, %parallel_loop3A_834, %parallel_loop3A_835] {strides = array<i32>} : memref<2x2x20480xf32, #tpu.memory_space<vmem>>, vector<16xf32>,
        tpu.vector_store %arg11[%parallel_loop3A_833, %parallel_loop3A_834, %parallel_loop3A_835], %parallel_loop3A_792 {strides = array<i32>} : memref<2x2x20480xf32, #tpu.memory_space<vmem>>, vector<16xf32>,
        %parallel_loop3A_837 = arith.constant 12 : i32
        %parallel_loop3A_838 = vector.broadcast %parallel_loop3A_837 : i32 to vector<16xi32>
        %parallel_loop3A_839 = arith.addi %parallel_loop3A_671, %parallel_loop3A_838 : vector<16xi32>
        %parallel_loop3A_840 = tpu.vector_load_idx %arg9[%parallel_loop3A_839] : memref<6144xf32, #tpu.memory_space<vmem>>[vector<16xi32>], vector<16xf32>,
        %parallel_loop3A_841 = arith.constant 128 : i32
        %parallel_loop3A_842 = arith.addi %parallel_loop3A_716, %parallel_loop3A_841 : i32
        %parallel_loop3A_843 = arith.constant 1 : i32
        %parallel_loop3A_844 = arith.constant 1 : i32
        %parallel_loop3A_845 = arith.index_cast %parallel_loop3A_843 : i32 to index
        %parallel_loop3A_846 = arith.index_cast %parallel_loop3A_844 : i32 to index
        %parallel_loop3A_847 = arith.index_cast %parallel_loop3A_842 : i32 to index
        %parallel_loop3A_848 = tpu.vector_load %arg11[%parallel_loop3A_845, %parallel_loop3A_846, %parallel_loop3A_847] {strides = array<i32>} : memref<2x2x20480xf32, #tpu.memory_space<vmem>>, vector<16xf32>,
        tpu.vector_store %arg11[%parallel_loop3A_845, %parallel_loop3A_846, %parallel_loop3A_847], %parallel_loop3A_804 {strides = array<i32>} : memref<2x2x20480xf32, #tpu.memory_space<vmem>>, vector<16xf32>,
        %parallel_loop3A_849 = arith.constant 13 : i32
        %parallel_loop3A_850 = vector.broadcast %parallel_loop3A_849 : i32 to vector<16xi32>
        %parallel_loop3A_851 = arith.addi %parallel_loop3A_671, %parallel_loop3A_850 : vector<16xi32>
        %parallel_loop3A_852 = tpu.vector_load_idx %arg9[%parallel_loop3A_851] : memref<6144xf32, #tpu.memory_space<vmem>>[vector<16xi32>], vector<16xf32>,
        %parallel_loop3A_853 = arith.constant 256 : i32
        %parallel_loop3A_854 = arith.addi %parallel_loop3A_716, %parallel_loop3A_853 : i32
        %parallel_loop3A_855 = arith.constant 1 : i32
        %parallel_loop3A_856 = arith.constant 1 : i32
        %parallel_loop3A_857 = arith.index_cast %parallel_loop3A_855 : i32 to index
        %parallel_loop3A_858 = arith.index_cast %parallel_loop3A_856 : i32 to index
        %parallel_loop3A_859 = arith.index_cast %parallel_loop3A_854 : i32 to index
        %parallel_loop3A_860 = tpu.vector_load %arg11[%parallel_loop3A_857, %parallel_loop3A_858, %parallel_loop3A_859] {strides = array<i32>} : memref<2x2x20480xf32, #tpu.memory_space<vmem>>, vector<16xf32>,
        tpu.vector_store %arg11[%parallel_loop3A_857, %parallel_loop3A_858, %parallel_loop3A_859], %parallel_loop3A_816 {strides = array<i32>} : memref<2x2x20480xf32, #tpu.memory_space<vmem>>, vector<16xf32>,
        %parallel_loop3A_861 = arith.constant 14 : i32
        %parallel_loop3A_862 = vector.broadcast %parallel_loop3A_861 : i32 to vector<16xi32>
        %parallel_loop3A_863 = arith.addi %parallel_loop3A_671, %parallel_loop3A_862 : vector<16xi32>
        %parallel_loop3A_864 = tpu.vector_load_idx %arg9[%parallel_loop3A_863] : memref<6144xf32, #tpu.memory_space<vmem>>[vector<16xi32>], vector<16xf32>,
        %parallel_loop3A_865 = arith.constant 384 : i32
        %parallel_loop3A_866 = arith.addi %parallel_loop3A_716, %parallel_loop3A_865 : i32
        %parallel_loop3A_867 = arith.constant 1 : i32
        %parallel_loop3A_868 = arith.constant 1 : i32
        %parallel_loop3A_869 = arith.index_cast %parallel_loop3A_867 : i32 to index
        %parallel_loop3A_870 = arith.index_cast %parallel_loop3A_868 : i32 to index
        %parallel_loop3A_871 = arith.index_cast %parallel_loop3A_866 : i32 to index
        %parallel_loop3A_872 = tpu.vector_load %arg11[%parallel_loop3A_869, %parallel_loop3A_870, %parallel_loop3A_871] {strides = array<i32>} : memref<2x2x20480xf32, #tpu.memory_space<vmem>>, vector<16xf32>,
        tpu.vector_store %arg11[%parallel_loop3A_869, %parallel_loop3A_870, %parallel_loop3A_871], %parallel_loop3A_828 {strides = array<i32>} : memref<2x2x20480xf32, #tpu.memory_space<vmem>>, vector<16xf32>,
        %parallel_loop3A_873 = arith.constant 15 : i32
        %parallel_loop3A_874 = vector.broadcast %parallel_loop3A_873 : i32 to vector<16xi32>
        %parallel_loop3A_875 = arith.addi %parallel_loop3A_671, %parallel_loop3A_874 : vector<16xi32>
        %parallel_loop3A_876 = tpu.vector_load_idx %arg9[%parallel_loop3A_875] : memref<6144xf32, #tpu.memory_space<vmem>>[vector<16xi32>], vector<16xf32>,
        %parallel_loop3A_877 = arith.constant 512 : i32
        %parallel_loop3A_878 = arith.addi %parallel_loop3A_716, %parallel_loop3A_877 : i32
        %parallel_loop3A_879 = arith.constant 1 : i32
        %parallel_loop3A_880 = arith.constant 1 : i32
        %parallel_loop3A_881 = arith.index_cast %parallel_loop3A_879 : i32 to index
        %parallel_loop3A_882 = arith.index_cast %parallel_loop3A_880 : i32 to index
        %parallel_loop3A_883 = arith.index_cast %parallel_loop3A_878 : i32 to index
        %parallel_loop3A_884 = tpu.vector_load %arg11[%parallel_loop3A_881, %parallel_loop3A_882, %parallel_loop3A_883] {strides = array<i32>} : memref<2x2x20480xf32, #tpu.memory_space<vmem>>, vector<16xf32>,
        tpu.vector_store %arg11[%parallel_loop3A_881, %parallel_loop3A_882, %parallel_loop3A_883], %parallel_loop3A_840 {strides = array<i32>} : memref<2x2x20480xf32, #tpu.memory_space<vmem>>, vector<16xf32>,
        %parallel_loop3A_885 = arith.constant 640 : i32
        %parallel_loop3A_886 = arith.addi %parallel_loop3A_716, %parallel_loop3A_885 : i32
        %parallel_loop3A_887 = arith.constant 1 : i32
        %parallel_loop3A_888 = arith.constant 1 : i32
        %parallel_loop3A_889 = arith.index_cast %parallel_loop3A_887 : i32 to index
        %parallel_loop3A_890 = arith.index_cast %parallel_loop3A_888 : i32 to index
        %parallel_loop3A_891 = arith.index_cast %parallel_loop3A_886 : i32 to index
        %parallel_loop3A_892 = tpu.vector_load %arg11[%parallel_loop3A_889, %parallel_loop3A_890, %parallel_loop3A_891] {strides = array<i32>} : memref<2x2x20480xf32, #tpu.memory_space<vmem>>, vector<16xf32>,
        tpu.vector_store %arg11[%parallel_loop3A_889, %parallel_loop3A_890, %parallel_loop3A_891], %parallel_loop3A_852 {strides = array<i32>} : memref<2x2x20480xf32, #tpu.memory_space<vmem>>, vector<16xf32>,
        %parallel_loop3A_893 = arith.constant 768 : i32
        %parallel_loop3A_894 = arith.addi %parallel_loop3A_716, %parallel_loop3A_893 : i32
        %parallel_loop3A_895 = arith.constant 1 : i32
        %parallel_loop3A_896 = arith.constant 1 : i32
        %parallel_loop3A_897 = arith.index_cast %parallel_loop3A_895 : i32 to index
        %parallel_loop3A_898 = arith.index_cast %parallel_loop3A_896 : i32 to index
        %parallel_loop3A_899 = arith.index_cast %parallel_loop3A_894 : i32 to index
        %parallel_loop3A_900 = tpu.vector_load %arg11[%parallel_loop3A_897, %parallel_loop3A_898, %parallel_loop3A_899] {strides = array<i32>} : memref<2x2x20480xf32, #tpu.memory_space<vmem>>, vector<16xf32>,
        tpu.vector_store %arg11[%parallel_loop3A_897, %parallel_loop3A_898, %parallel_loop3A_899], %parallel_loop3A_864 {strides = array<i32>} : memref<2x2x20480xf32, #tpu.memory_space<vmem>>, vector<16xf32>,
        %parallel_loop3A_901 = arith.constant 896 : i32
        %parallel_loop3A_902 = arith.addi %parallel_loop3A_716, %parallel_loop3A_901 : i32
        %parallel_loop3A_903 = arith.constant 1 : i32
        %parallel_loop3A_904 = arith.constant 1 : i32
        %parallel_loop3A_905 = arith.index_cast %parallel_loop3A_903 : i32 to index
        %parallel_loop3A_906 = arith.index_cast %parallel_loop3A_904 : i32 to index
        %parallel_loop3A_907 = arith.index_cast %parallel_loop3A_902 : i32 to index
        %parallel_loop3A_908 = tpu.vector_load %arg11[%parallel_loop3A_905, %parallel_loop3A_906, %parallel_loop3A_907] {strides = array<i32>} : memref<2x2x20480xf32, #tpu.memory_space<vmem>>, vector<16xf32>,
        tpu.vector_store %arg11[%parallel_loop3A_905, %parallel_loop3A_906, %parallel_loop3A_907], %parallel_loop3A_876 {strides = array<i32>} : memref<2x2x20480xf32, #tpu.memory_space<vmem>>, vector<16xf32>,
      } {sc.loop_unroll_factor = 3 : i64, sc.parallel_access}
      %mul3A_520 = arith.constant 32 : i32
      %mul3A_521 = arith.muli %add3A_500, %mul3A_520 : i32
      %add3A_522 = arith.addi %add3A, %mul3A_521 : i32
      %min3A_523 = arith.constant 938 : i32
      %min3A_524 = arith.minsi %add3A_522, %min3A_523 : i32
      %jit3A_525 = arith.constant 313 : i32
      %div3A_526 = arith.divsi %min3A_524, %jit3A_525 : i32
      %sign3A_527 = arith.constant 0 : i32
      %sign3A_528 = arith.cmpi sgt, %min3A_524, %sign3A_527 : i32
      %sign3A_529 = arith.extui %sign3A_528 : i1 to i32
      %sign3A_530 = arith.constant 0 : i32
      %sign3A_531 = arith.cmpi slt, %min3A_524, %sign3A_530 : i32
      %sign3A_532 = arith.extui %sign3A_531 : i1 to i32
      %sign3A_533 = arith.subi %sign3A_529, %sign3A_532 : i32
      %sign3A_534 = arith.constant 0 : i32
      %sign3A_535 = arith.cmpi sgt, %jit3A_525, %sign3A_534 : i32
      %sign3A_536 = arith.extui %sign3A_535 : i1 to i32
      %sign3A_537 = arith.constant 0 : i32
      %sign3A_538 = arith.cmpi slt, %jit3A_525, %sign3A_537 : i32
      %sign3A_539 = arith.extui %sign3A_538 : i1 to i32
      %sign3A_540 = arith.subi %sign3A_536, %sign3A_539 : i32
      %ne3A_541 = arith.cmpi ne, %sign3A_533, %sign3A_540 : i32
      %rem3A_542 = arith.remsi %min3A_524, %jit3A_525 : i32
      %ne3A_543 = arith.constant 0 : i32
      %ne3A_544 = arith.cmpi ne, %rem3A_542, %ne3A_543 : i32
      %and3A_545 = arith.andi %ne3A_541, %ne3A_544 : i1
      %sub3A_546 = arith.constant 1 : i32
      %sub3A_547 = arith.subi %div3A_526, %sub3A_546 : i32
      %select_n3A_548 = arith.select %and3A_545, %sub3A_547, %div3A_526 : i32
      %jit3A_549 = arith.constant 313 : i32
      %eq3A_550 = arith.constant 0 : i32
      %eq3A_551 = arith.cmpi eq, %jit3A_549, %eq3A_550 : i32
      %jit3A_552 = arith.constant 1 : i32
      %select_n3A_553 = arith.select %eq3A_551, %jit3A_552, %jit3A_549 : i32
      %rem3A_554 = arith.remsi %min3A_524, %select_n3A_553 : i32
      %ne3A_555 = arith.constant 0 : i32
      %ne3A_556 = arith.cmpi ne, %rem3A_554, %ne3A_555 : i32
      %lt3A_557 = arith.constant 0 : i32
      %lt3A_558 = arith.cmpi slt, %rem3A_554, %lt3A_557 : i32
      %lt3A_559 = arith.constant 0 : i32
      %lt3A_560 = arith.cmpi slt, %select_n3A_553, %lt3A_559 : i32
      %ne3A_561 = arith.xori %lt3A_558, %lt3A_560 : i1
      %and3A_562 = arith.andi %ne3A_561, %ne3A_556 : i1
      %add3A_563 = arith.addi %rem3A_554, %select_n3A_553 : i32
      %select_n3A_564 = arith.select %and3A_562, %add3A_563, %rem3A_554 : i32
      %mul3A_565 = arith.constant 2560 : i32
      %mul3A_566 = arith.muli %select_n3A_564, %mul3A_565 : i32
      %min3A_567 = arith.constant 797440 : i32
      %min3A_568 = arith.minsi %mul3A_566, %min3A_567 : i32
      %mul3A_569 = arith.constant 2 : i32
      %mul3A_570 = arith.muli %select_n3A_548, %mul3A_569 : i32
      %add3A_571 = arith.constant 0 : i32
      %add3A_572 = arith.addi %mul3A_570, %add3A_571 : i32
      %mul3A_573 = arith.constant 6250 : i32
      %mul3A_574 = arith.muli %add3A_572, %mul3A_573 : i32
      %jit3A_575 = arith.constant 128 : i32
      %div3A_576 = arith.divsi %min3A_568, %jit3A_575 : i32
      %sign3A_577 = arith.constant 0 : i32
      %sign3A_578 = arith.cmpi sgt, %min3A_568, %sign3A_577 : i32
      %sign3A_579 = arith.extui %sign3A_578 : i1 to i32
      %sign3A_580 = arith.constant 0 : i32
      %sign3A_581 = arith.cmpi slt, %min3A_568, %sign3A_580 : i32
      %sign3A_582 = arith.extui %sign3A_581 : i1 to i32
      %sign3A_583 = arith.subi %sign3A_579, %sign3A_582 : i32
      %sign3A_584 = arith.constant 0 : i32
      %sign3A_585 = arith.cmpi sgt, %jit3A_575, %sign3A_584 : i32
      %sign3A_586 = arith.extui %sign3A_585 : i1 to i32
      %sign3A_587 = arith.constant 0 : i32
      %sign3A_588 = arith.cmpi slt, %jit3A_575, %sign3A_587 : i32
      %sign3A_589 = arith.extui %sign3A_588 : i1 to i32
      %sign3A_590 = arith.subi %sign3A_586, %sign3A_589 : i32
      %ne3A_591 = arith.cmpi ne, %sign3A_583, %sign3A_590 : i32
      %rem3A_592 = arith.remsi %min3A_568, %jit3A_575 : i32
      %ne3A_593 = arith.constant 0 : i32
      %ne3A_594 = arith.cmpi ne, %rem3A_592, %ne3A_593 : i32
      %and3A_595 = arith.andi %ne3A_591, %ne3A_594 : i1
      %sub3A_596 = arith.constant 1 : i32
      %sub3A_597 = arith.subi %div3A_576, %sub3A_596 : i32
      %select_n3A_598 = arith.select %and3A_595, %sub3A_597, %div3A_576 : i32
      %add3A_599 = arith.addi %mul3A_574, %select_n3A_598 : i32
      %mul3A_600 = arith.constant 1024 : i32
      %mul3A_601 = arith.muli %add3A_599, %mul3A_600 : i32
      %dma_start3A_602 = arith.constant 1 : i32
      %dma_start3A_603 = arith.constant 0 : i32
      %dma_start3A_604 = arith.constant 0 : i32
      %dma_start3A_605 = tpu.memref_slice %arg11[%dma_start3A_602, %dma_start3A_603, %dma_start3A_604] : memref<2x2x20480xf32, #tpu.memory_space<vmem>> -> memref<1x1x20480xf32, #tpu.memory_space<vmem>>
      %dma_start3A_606 = tpu.memref_squeeze %dma_start3A_605 : memref<1x1x20480xf32, #tpu.memory_space<vmem>> -> memref<20480xf32, #tpu.memory_space<vmem>>
      %dma_start3A_607 = tpu.memref_slice %arg7[%mul3A_601] : memref<38400000xf32, #tpu.memory_space<hbm>> -> memref<20480xf32, #tpu.memory_space<hbm>>
      %dma_start3A_608 = tpu.memref_slice %arg7[%mul3A_601] : memref<38400000xf32, #tpu.memory_space<hbm>> -> memref<20480xf32, #tpu.memory_space<hbm>>
      %dma_start3A_609 = arith.constant 0 : i32
      %dma_start3A_610 = tpu.memref_slice %arg11[%dma_start3A_602, %dma_start3A_603, %dma_start3A_609] : memref<2x2x20480xf32, #tpu.memory_space<vmem>> -> memref<1x1x20480xf32, #tpu.memory_space<vmem>>
      %dma_start3A_611 = tpu.memref_squeeze %dma_start3A_610 : memref<1x1x20480xf32, #tpu.memory_space<vmem>> -> memref<20480xf32, #tpu.memory_space<vmem>>
      tpu.enqueue_dma source(%dma_start3A_611 : memref<20480xf32, #tpu.memory_space<vmem>>) target(%dma_start3A_608 : memref<20480xf32, #tpu.memory_space<hbm>>) target_semaphore(%arg15 : memref<!tpu.dma_semaphore, #tpu.memory_space<semaphore_mem>>)
      %mul3A_612 = arith.constant 2 : i32
      %mul3A_613 = arith.muli %select_n3A_548, %mul3A_612 : i32
      %add3A_614 = arith.constant 1 : i32
      %add3A_615 = arith.addi %mul3A_613, %add3A_614 : i32
      %mul3A_616 = arith.constant 6250 : i32
      %mul3A_617 = arith.muli %add3A_615, %mul3A_616 : i32
      %jit3A_618 = arith.constant 128 : i32
      %div3A_619 = arith.divsi %min3A_568, %jit3A_618 : i32
      %sign3A_620 = arith.constant 0 : i32
      %sign3A_621 = arith.cmpi sgt, %min3A_568, %sign3A_620 : i32
      %sign3A_622 = arith.extui %sign3A_621 : i1 to i32
      %sign3A_623 = arith.constant 0 : i32
      %sign3A_624 = arith.cmpi slt, %min3A_568, %sign3A_623 : i32
      %sign3A_625 = arith.extui %sign3A_624 : i1 to i32
      %sign3A_626 = arith.subi %sign3A_622, %sign3A_625 : i32
      %sign3A_627 = arith.constant 0 : i32
      %sign3A_628 = arith.cmpi sgt, %jit3A_618, %sign3A_627 : i32
      %sign3A_629 = arith.extui %sign3A_628 : i1 to i32
      %sign3A_630 = arith.constant 0 : i32
      %sign3A_631 = arith.cmpi slt, %jit3A_618, %sign3A_630 : i32
      %sign3A_632 = arith.extui %sign3A_631 : i1 to i32
      %sign3A_633 = arith.subi %sign3A_629, %sign3A_632 : i32
      %ne3A_634 = arith.cmpi ne, %sign3A_626, %sign3A_633 : i32
      %rem3A_635 = arith.remsi %min3A_568, %jit3A_618 : i32
      %ne3A_636 = arith.constant 0 : i32
      %ne3A_637 = arith.cmpi ne, %rem3A_635, %ne3A_636 : i32
      %and3A_638 = arith.andi %ne3A_634, %ne3A_637 : i1
      %sub3A_639 = arith.constant 1 : i32
      %sub3A_640 = arith.subi %div3A_619, %sub3A_639 : i32
      %select_n3A_641 = arith.select %and3A_638, %sub3A_640, %div3A_619 : i32
      %add3A_642 = arith.addi %mul3A_617, %select_n3A_641 : i32
      %mul3A_643 = arith.constant 1024 : i32
      %mul3A_644 = arith.muli %add3A_642, %mul3A_643 : i32
      %dma_start3A_645 = arith.constant 1 : i32
      %dma_start3A_646 = arith.constant 1 : i32
      %dma_start3A_647 = arith.constant 0 : i32
      %dma_start3A_648 = tpu.memref_slice %arg11[%dma_start3A_645, %dma_start3A_646, %dma_start3A_647] : memref<2x2x20480xf32, #tpu.memory_space<vmem>> -> memref<1x1x20480xf32, #tpu.memory_space<vmem>>
      %dma_start3A_649 = tpu.memref_squeeze %dma_start3A_648 : memref<1x1x20480xf32, #tpu.memory_space<vmem>> -> memref<20480xf32, #tpu.memory_space<vmem>>
      %dma_start3A_650 = tpu.memref_slice %arg7[%mul3A_644] : memref<38400000xf32, #tpu.memory_space<hbm>> -> memref<20480xf32, #tpu.memory_space<hbm>>
      %dma_start3A_651 = tpu.memref_slice %arg7[%mul3A_644] : memref<38400000xf32, #tpu.memory_space<hbm>> -> memref<20480xf32, #tpu.memory_space<hbm>>
      %dma_start3A_652 = arith.constant 0 : i32
      %dma_start3A_653 = tpu.memref_slice %arg11[%dma_start3A_645, %dma_start3A_646, %dma_start3A_652] : memref<2x2x20480xf32, #tpu.memory_space<vmem>> -> memref<1x1x20480xf32, #tpu.memory_space<vmem>>
      %dma_start3A_654 = tpu.memref_squeeze %dma_start3A_653 : memref<1x1x20480xf32, #tpu.memory_space<vmem>> -> memref<20480xf32, #tpu.memory_space<vmem>>
      tpu.enqueue_dma source(%dma_start3A_654 : memref<20480xf32, #tpu.memory_space<vmem>>) target(%dma_start3A_651 : memref<20480xf32, #tpu.memory_space<hbm>>) target_semaphore(%arg15 : memref<!tpu.dma_semaphore, #tpu.memory_space<semaphore_mem>>)
      %add3A_655 = arith.constant 2 : i32
      %add3A_656 = arith.addi %add3A_500, %add3A_655 : i32
      %lt3A_657 = arith.constant 30 : i32
      %lt3A_658 = arith.cmpi slt, %add3A_656, %lt3A_657 : i32
      %convert_element_type3A_659 = arith.extui %lt3A_658 : i1 to i32
      %cond3A_660 = arith.constant 0 : i32
      %cond3A_661 = arith.cmpi ne, %convert_element_type3A_659, %cond3A_660 : i32
      scf.if %cond3A_661 {
        %add3A_662 = arith.constant 2 : i32
        %add3A_663 = arith.addi %add3A_500, %add3A_662 : i32
        %mul3A_664 = arith.constant 32 : i32
        %mul3A_665 = arith.muli %add3A_663, %mul3A_664 : i32
        %add3A_666 = arith.addi %add3A, %mul3A_665 : i32
        %min3A_667 = arith.constant 938 : i32
        %min3A_668 = arith.minsi %add3A_666, %min3A_667 : i32
        %jit3A_669 = arith.constant 313 : i32
        %div3A_670 = arith.divsi %min3A_668, %jit3A_669 : i32
        %sign3A_671 = arith.constant 0 : i32
        %sign3A_672 = arith.cmpi sgt, %min3A_668, %sign3A_671 : i32
        %sign3A_673 = arith.extui %sign3A_672 : i1 to i32
        %sign3A_674 = arith.constant 0 : i32
        %sign3A_675 = arith.cmpi slt, %min3A_668, %sign3A_674 : i32
        %sign3A_676 = arith.extui %sign3A_675 : i1 to i32
        %sign3A_677 = arith.subi %sign3A_673, %sign3A_676 : i32
        %sign3A_678 = arith.constant 0 : i32
        %sign3A_679 = arith.cmpi sgt, %jit3A_669, %sign3A_678 : i32
        %sign3A_680 = arith.extui %sign3A_679 : i1 to i32
        %sign3A_681 = arith.constant 0 : i32
        %sign3A_682 = arith.cmpi slt, %jit3A_669, %sign3A_681 : i32
        %sign3A_683 = arith.extui %sign3A_682 : i1 to i32
        %sign3A_684 = arith.subi %sign3A_680, %sign3A_683 : i32
        %ne3A_685 = arith.cmpi ne, %sign3A_677, %sign3A_684 : i32
        %rem3A_686 = arith.remsi %min3A_668, %jit3A_669 : i32
        %ne3A_687 = arith.constant 0 : i32
        %ne3A_688 = arith.cmpi ne, %rem3A_686, %ne3A_687 : i32
        %and3A_689 = arith.andi %ne3A_685, %ne3A_688 : i1
        %sub3A_690 = arith.constant 1 : i32
        %sub3A_691 = arith.subi %div3A_670, %sub3A_690 : i32
        %select_n3A_692 = arith.select %and3A_689, %sub3A_691, %div3A_670 : i32
        %jit3A_693 = arith.constant 313 : i32
        %eq3A_694 = arith.constant 0 : i32
        %eq3A_695 = arith.cmpi eq, %jit3A_693, %eq3A_694 : i32
        %jit3A_696 = arith.constant 1 : i32
        %select_n3A_697 = arith.select %eq3A_695, %jit3A_696, %jit3A_693 : i32
        %rem3A_698 = arith.remsi %min3A_668, %select_n3A_697 : i32
        %ne3A_699 = arith.constant 0 : i32
        %ne3A_700 = arith.cmpi ne, %rem3A_698, %ne3A_699 : i32
        %lt3A_701 = arith.constant 0 : i32
        %lt3A_702 = arith.cmpi slt, %rem3A_698, %lt3A_701 : i32
        %lt3A_703 = arith.constant 0 : i32
        %lt3A_704 = arith.cmpi slt, %select_n3A_697, %lt3A_703 : i32
        %ne3A_705 = arith.xori %lt3A_702, %lt3A_704 : i1
        %and3A_706 = arith.andi %ne3A_705, %ne3A_700 : i1
        %add3A_707 = arith.addi %rem3A_698, %select_n3A_697 : i32
        %select_n3A_708 = arith.select %and3A_706, %add3A_707, %rem3A_698 : i32
        %mul3A_709 = arith.constant 2560 : i32
        %mul3A_710 = arith.muli %select_n3A_708, %mul3A_709 : i32
        %min3A_711 = arith.constant 797440 : i32
        %min3A_712 = arith.minsi %mul3A_710, %min3A_711 : i32
        %mul3A_713 = arith.constant 800000 : i32
        %mul3A_714 = arith.muli %select_n3A_692, %mul3A_713 : i32
        %add3A_715 = arith.addi %mul3A_714, %min3A_712 : i32
        %dma_start3A_716 = arith.constant 1 : i32
        %dma_start3A_717 = arith.constant 0 : i32
        %dma_start3A_718 = tpu.memref_slice %arg10[%dma_start3A_716, %dma_start3A_717] : memref<2x2560xi32, #tpu.memory_space<vmem>> -> memref<1x2560xi32, #tpu.memory_space<vmem>>
        %dma_start3A_719 = tpu.memref_squeeze %dma_start3A_718 : memref<1x2560xi32, #tpu.memory_space<vmem>> -> memref<2560xi32, #tpu.memory_space<vmem>>
        %dma_start3A_720 = tpu.memref_slice %arg5[%add3A_715] : memref<2400000xi32, #tpu.memory_space<hbm>> -> memref<2560xi32, #tpu.memory_space<hbm>>
        %dma_start3A_721 = arith.constant 0 : i32
        %dma_start3A_722 = tpu.memref_slice %arg10[%dma_start3A_716, %dma_start3A_721] : memref<2x2560xi32, #tpu.memory_space<vmem>> -> memref<1x2560xi32, #tpu.memory_space<vmem>>
        %dma_start3A_723 = tpu.memref_squeeze %dma_start3A_722 : memref<1x2560xi32, #tpu.memory_space<vmem>> -> memref<2560xi32, #tpu.memory_space<vmem>>
        %dma_start3A_724 = tpu.memref_slice %arg5[%add3A_715] : memref<2400000xi32, #tpu.memory_space<hbm>> -> memref<2560xi32, #tpu.memory_space<hbm>>
        tpu.enqueue_dma source(%dma_start3A_724 : memref<2560xi32, #tpu.memory_space<hbm>>) target(%dma_start3A_723 : memref<2560xi32, #tpu.memory_space<vmem>>) target_semaphore(%arg13 : memref<!tpu.dma_semaphore, #tpu.memory_space<semaphore_mem>>)
      } else {
      }
    }
    %scan3A_286 = arith.constant 15 : i32
    %dma_wait3A_287 = arith.constant 0 : i32
    %dma_wait3A_288 = arith.constant 0 : i32
    %dma_wait3A_289 = arith.constant 0 : i32
    %dma_wait3A_290 = tpu.memref_slice %arg11[%dma_wait3A_287, %dma_wait3A_288, %dma_wait3A_289] : memref<2x2x20480xf32, #tpu.memory_space<vmem>> -> memref<1x1x20480xf32, #tpu.memory_space<vmem>>
    %dma_wait3A_291 = tpu.memref_squeeze %dma_wait3A_290 : memref<1x1x20480xf32, #tpu.memory_space<vmem>> -> memref<20480xf32, #tpu.memory_space<vmem>>
    %dma_wait3A_292 = arith.constant 0 : i32
    %dma_wait3A_293 = tpu.memref_slice %arg7[%dma_wait3A_292] : memref<38400000xf32, #tpu.memory_space<hbm>> -> memref<20480xf32, #tpu.memory_space<hbm>>
    %dma_wait3A_294 = arith.constant 0 : i32
    %dma_wait3A_295 = tpu.memref_slice %arg7[%dma_wait3A_294] : memref<38400000xf32, #tpu.memory_space<hbm>> -> memref<20480xf32, #tpu.memory_space<hbm>>
    %dma_wait3A_296 = arith.constant 0 : i32
    %dma_wait3A_297 = tpu.memref_slice %arg11[%dma_wait3A_287, %dma_wait3A_288, %dma_wait3A_296] : memref<2x2x20480xf32, #tpu.memory_space<vmem>> -> memref<1x1x20480xf32, #tpu.memory_space<vmem>>
    %dma_wait3A_298 = tpu.memref_squeeze %dma_wait3A_297 : memref<1x1x20480xf32, #tpu.memory_space<vmem>> -> memref<20480xf32, #tpu.memory_space<vmem>>
    tpu.wait_dma2 semaphore(%arg14 : memref<!tpu.dma_semaphore, #tpu.memory_space<semaphore_mem>>) src(%dma_wait3A_298 : memref<20480xf32, #tpu.memory_space<vmem>>) dst(%dma_wait3A_295 : memref<20480xf32, #tpu.memory_space<hbm>>)
    %dma_wait3A_299 = arith.constant 0 : i32
    %dma_wait3A_300 = arith.constant 1 : i32
    %dma_wait3A_301 = arith.constant 0 : i32
    %dma_wait3A_302 = tpu.memref_slice %arg11[%dma_wait3A_299, %dma_wait3A_300, %dma_wait3A_301] : memref<2x2x20480xf32, #tpu.memory_space<vmem>> -> memref<1x1x20480xf32, #tpu.memory_space<vmem>>
    %dma_wait3A_303 = tpu.memref_squeeze %dma_wait3A_302 : memref<1x1x20480xf32, #tpu.memory_space<vmem>> -> memref<20480xf32, #tpu.memory_space<vmem>>
    %dma_wait3A_304 = arith.constant 0 : i32
    %dma_wait3A_305 = tpu.memref_slice %arg7[%dma_wait3A_304] : memref<38400000xf32, #tpu.memory_space<hbm>> -> memref<20480xf32, #tpu.memory_space<hbm>>
    %dma_wait3A_306 = arith.constant 0 : i32
    %dma_wait3A_307 = tpu.memref_slice %arg7[%dma_wait3A_306] : memref<38400000xf32, #tpu.memory_space<hbm>> -> memref<20480xf32, #tpu.memory_space<hbm>>
    %dma_wait3A_308 = arith.constant 0 : i32
    %dma_wait3A_309 = tpu.memref_slice %arg11[%dma_wait3A_299, %dma_wait3A_300, %dma_wait3A_308] : memref<2x2x20480xf32, #tpu.memory_space<vmem>> -> memref<1x1x20480xf32, #tpu.memory_space<vmem>>
    %dma_wait3A_310 = tpu.memref_squeeze %dma_wait3A_309 : memref<1x1x20480xf32, #tpu.memory_space<vmem>> -> memref<20480xf32, #tpu.memory_space<vmem>>
    tpu.wait_dma2 semaphore(%arg14 : memref<!tpu.dma_semaphore, #tpu.memory_space<semaphore_mem>>) src(%dma_wait3A_310 : memref<20480xf32, #tpu.memory_space<vmem>>) dst(%dma_wait3A_307 : memref<20480xf32, #tpu.memory_space<hbm>>)
    %dma_wait3A_311 = arith.constant 1 : i32
    %dma_wait3A_312 = arith.constant 0 : i32
    %dma_wait3A_313 = arith.constant 0 : i32
    %dma_wait3A_314 = tpu.memref_slice %arg11[%dma_wait3A_311, %dma_wait3A_312, %dma_wait3A_313] : memref<2x2x20480xf32, #tpu.memory_space<vmem>> -> memref<1x1x20480xf32, #tpu.memory_space<vmem>>
    %dma_wait3A_315 = tpu.memref_squeeze %dma_wait3A_314 : memref<1x1x20480xf32, #tpu.memory_space<vmem>> -> memref<20480xf32, #tpu.memory_space<vmem>>
    %dma_wait3A_316 = arith.constant 0 : i32
    %dma_wait3A_317 = tpu.memref_slice %arg7[%dma_wait3A_316] : memref<38400000xf32, #tpu.memory_space<hbm>> -> memref<20480xf32, #tpu.memory_space<hbm>>
    %dma_wait3A_318 = arith.constant 0 : i32
    %dma_wait3A_319 = tpu.memref_slice %arg7[%dma_wait3A_318] : memref<38400000xf32, #tpu.memory_space<hbm>> -> memref<20480xf32, #tpu.memory_space<hbm>>
    %dma_wait3A_320 = arith.constant 0 : i32
    %dma_wait3A_321 = tpu.memref_slice %arg11[%dma_wait3A_311, %dma_wait3A_312, %dma_wait3A_320] : memref<2x2x20480xf32, #tpu.memory_space<vmem>> -> memref<1x1x20480xf32, #tpu.memory_space<vmem>>
    %dma_wait3A_322 = tpu.memref_squeeze %dma_wait3A_321 : memref<1x1x20480xf32, #tpu.memory_space<vmem>> -> memref<20480xf32, #tpu.memory_space<vmem>>
    tpu.wait_dma2 semaphore(%arg15 : memref<!tpu.dma_semaphore, #tpu.memory_space<semaphore_mem>>) src(%dma_wait3A_322 : memref<20480xf32, #tpu.memory_space<vmem>>) dst(%dma_wait3A_319 : memref<20480xf32, #tpu.memory_space<hbm>>)
    %dma_wait3A_323 = arith.constant 1 : i32
    %dma_wait3A_324 = arith.constant 1 : i32
    %dma_wait3A_325 = arith.constant 0 : i32
    %dma_wait3A_326 = tpu.memref_slice %arg11[%dma_wait3A_323, %dma_wait3A_324, %dma_wait3A_325] : memref<2x2x20480xf32, #tpu.memory_space<vmem>> -> memref<1x1x20480xf32, #tpu.memory_space<vmem>>
    %dma_wait3A_327 = tpu.memref_squeeze %dma_wait3A_326 : memref<1x1x20480xf32, #tpu.memory_space<vmem>> -> memref<20480xf32, #tpu.memory_space<vmem>>
    %dma_wait3A_328 = arith.constant 0 : i32
    %dma_wait3A_329 = tpu.memref_slice %arg7[%dma_wait3A_328] : memref<38400000xf32, #tpu.memory_space<hbm>> -> memref<20480xf32, #tpu.memory_space<hbm>>
    %dma_wait3A_330 = arith.constant 0 : i32
    %dma_wait3A_331 = tpu.memref_slice %arg7[%dma_wait3A_330] : memref<38400000xf32, #tpu.memory_space<hbm>> -> memref<20480xf32, #tpu.memory_space<hbm>>
    %dma_wait3A_332 = arith.constant 0 : i32
    %dma_wait3A_333 = tpu.memref_slice %arg11[%dma_wait3A_323, %dma_wait3A_324, %dma_wait3A_332] : memref<2x2x20480xf32, #tpu.memory_space<vmem>> -> memref<1x1x20480xf32, #tpu.memory_space<vmem>>
    %dma_wait3A_334 = tpu.memref_squeeze %dma_wait3A_333 : memref<1x1x20480xf32, #tpu.memory_space<vmem>> -> memref<20480xf32, #tpu.memory_space<vmem>>
    tpu.wait_dma2 semaphore(%arg15 : memref<!tpu.dma_semaphore, #tpu.memory_space<semaphore_mem>>) src(%dma_wait3A_334 : memref<20480xf32, #tpu.memory_space<vmem>>) dst(%dma_wait3A_331 : memref<20480xf32, #tpu.memory_space<hbm>>)
    return
  }
}

</mosaic_0001>

<sc_bundles>
// kernel: kernel.3.cloned.1.call-start
scs
__scs_entry_jumppad:
0x0: {  	(pc) =	sbr.rel $0x88, $3  }
0x1: {  	(tag) =	ssettag $0x0;
	lr =	simm.s32 $0x1  }
0x2: {  	[smem:$0x3F9D] =	sst lr;
	_ =	strace $0xD0000000  }
0x3: {  	_ = 	snop  }
0x4: {  	_ = 	snop  }
0x5: {  	_ = 	snop  }
0x6: {  	_ = 	snop  }
0x7: {  	_ = 	snop  }
__scs_overlays_trampoline_lowered:
0x8: {  	[smem:$0x3FAC] =	sst s0  }
0x9: {  	[smem:$0x3FAD] =	sst s1  }
0xa: {  	[smem:$0x3FAE] =	sst s2  }
0xb: {  	[smem:$0x3FAF] =	sst s3  }
0xc: {  	[smem:$0x3FB0] =	sst s4  }
0xd: {  	[smem:$0x3FB1] =	sst s5  }
0xe: {  	[smem:$0x3FB2] =	sst s6  }
0xf: {  	[smem:$0x3FB3] =	sst s7  }
0x10: {  	[smem:$0x3FB4] =	sst s8  }
0x11: {  	[smem:$0x3FB5] =	sst s9;
	s0 =	simm.s32 @!p0 $0x0  }
0x12: {  	s1 =	sld [smem:$0x3F9B];
	s0 =	simm.s32 @p0 $0x1  }
0x13: {  	[smem:$0x3FB6] =	sst s0;
	s0 =	simm.s32 @!p1 $0x0  }
0x14: {  	s2 =	sld [smem:$0x3F9A];
	s0 =	simm.s32 @p1 $0x1  }
0x15: {  	[smem:$0x3FB7] =	sst s0;
	s0 =	simm.s32 @!p2 $0x0  }
0x16: {  	s3 =	sld [smem:$0x3FDB];
	s0 =	simm.s32 @p2 $0x1  }
0x17: {  	s4 =	simm.s32 $0x1BF5;
	[smem:$0x3FB9] =	sst s0  }
0x18: {  	s0 =	sld [smem:$0x3F9C];
	_ =	swait.ge [sflag:s4], $0x0  }
0x19: {  	s7 =	sld [smem:$0x3F9D]  }
0x1a: {  	s8 =	sadd.s32 $0xFFFFE003, lr  }
0x1b: {  	s9 =	sadd.s32 $0xFFFFFEF7, lr;
	s5 =	simm.s32 $0xFFFFFFFF;
	p2 =	slt.u32 s8, $0xFFFFF086  }
0x1c: {  	p1 =	slt.u32 s9, $0xF7A;
	s5 =	simm.s32 @!p2 $0x0  }
0x1d: {  	s5 =	simm.s32 @p1 $0x1;
	p0 =	seq.s32 s7, s2  }
0x1e: {  	s7 =	smul.u32 @!p0 $0xF7A, s2;
	p2 =	seq.s32 @!p0 s5, $0x0  }
0x1f: {  	s9 =	smul.u32 $0xF7A, s1;
	s8 =	simm.s32 @!p0 $0x1BF5;
	p2 =	por !p2, p0  }
0x20: {  	[sflag:s8] =	ssyncset.s32 @!p0 $0xFFFFF086;
	s6 =	sadd.s32 @!p0 s3, s7;
	s7 =	simm.s32 @!p0 $0x108  }
0x21: {  	s3 =	sadd.s32 s3, s9;
	s6 =	sadd.s32 @!p0 $0x88, s6;
	s7 =	simm.s32 @p2 $0x1082  }
0x22: {  	[simem:s7], [sflag:s8] =	dma.local @!p0 [hbm:s6], $0xF7A  }
0x23: {  	s9 =	sor.u32 $0xD0000000, s2;
	s6 =	simm.s32 $0x108;
	_ =	swait.ge @!p0 [sflag:s8], $0x0  }
0x24: {  	s3 =	sadd.s32 $0x88, s3;
	s6 =	simm.s32 @!p1 $0x1082;
	[sflag:s4] =	ssyncset.s32 $0xFFFFF086  }
0x25: {  	[simem:s6], [sflag:s4] =	dma.local [hbm:s3], $0xF7A  }
0x26: {  	[smem:$0x3F9D] =	sst s1;
	(tag) =	ssettag s2;
	_ =	strace s9  }
0x27: {  	s1 =	sld [smem:$0x3FAD]  }
0x28: {  	s2 =	sld [smem:$0x3FAE]  }
0x29: {  	s4 =	sld [smem:$0x3FB0]  }
0x2a: {  	p0 =	seq.s32 s5, $0x0;
	s5 =	sld [smem:$0x3FB1]  }
0x2b: {  	s6 =	sld [smem:$0x3FB2]  }
0x2c: {  	s7 =	sld [smem:$0x3FB3]  }
0x2d: {  	s3 =	simm.s32 $0x108;
	s8 =	sld [smem:$0x3FB4]  }
0x2e: {  	s3 =	simm.s32 @!p0 $0x1082;
	s9 =	sld [smem:$0x3FB5]  }
0x2f: {  	lr =	sadd.s32 s0, s3;
	s0 =	sld [smem:$0x3FAC]  }
0x30: {  	s3 =	sld [smem:$0x3FAF]  }
0x31: {  	[smem:$0x3FB8] =	sst s10  }
0x32: {  	s10 =	sld [smem:$0x3FB6];
	_ =	sdelay $0x3  }
0x33: {  	p0 =	seq.s32 s10, $0x1;
	s10 =	sld [smem:$0x3FB8];
	_ =	sdelay $0x3  }
0x34: {  	[smem:$0x3FB8] =	sst s10  }
0x35: {  	s10 =	sld [smem:$0x3FB7];
	_ =	sdelay $0x3  }
0x36: {  	p1 =	seq.s32 s10, $0x1;
	s10 =	sld [smem:$0x3FB8];
	_ =	sdelay $0x3  }
0x37: {  	[smem:$0x3FB8] =	sst s10  }
0x38: {  	s10 =	sld [smem:$0x3FB9]  }
0x39: {  	_ = 	snop;
	(pc) =	sbr.ind lr, $3  }
0x3a: {  	_ = 	snop  }
0x3b: {  	_ = 	snop  }
0x3c: {  	p2 =	seq.s32 s10, $0x1;
	s10 =	sld [smem:$0x3FB8]  }
0x3d: {  	_ =	shalt  }
0x3e: {  	_ =	shalt  }
0x3f: {  	_ =	shalt  }
0x40: {  	_ =	shalt  }
0x41: {  	_ =	shalt  }
0x42: {  	_ =	shalt  }
0x43: {  	_ =	shalt  }
0x44: {  	_ =	shalt  }
0x45: {  	_ =	shalt  }
0x46: {  	_ =	shalt  }
0x47: {  	_ =	shalt  }
0x48: {  	_ =	shalt  }
0x49: {  	_ =	shalt  }
0x4a: {  	_ =	shalt  }
0x4b: {  	_ =	shalt  }
0x4c: {  	_ =	shalt  }
0x4d: {  	_ =	shalt  }
0x4e: {  	_ =	shalt  }
0x4f: {  	_ =	shalt  }
0x50: {  	_ =	shalt  }
0x51: {  	_ =	shalt  }
0x52: {  	_ =	shalt  }
0x53: {  	_ =	shalt  }
0x54: {  	_ =	shalt  }
0x55: {  	_ =	shalt  }
0x56: {  	_ =	shalt  }
0x57: {  	_ =	shalt  }
0x58: {  	_ =	shalt  }
0x59: {  	_ =	shalt  }
0x5a: {  	_ =	shalt  }
0x5b: {  	_ =	shalt  }
0x5c: {  	_ =	shalt  }
0x5d: {  	_ =	shalt  }
0x5e: {  	_ =	shalt  }
0x5f: {  	_ =	shalt  }
0x60: {  	_ =	shalt  }
0x61: {  	_ =	shalt  }
0x62: {  	_ =	shalt  }
0x63: {  	_ =	shalt  }
0x64: {  	_ =	shalt  }
0x65: {  	_ =	shalt  }
0x66: {  	_ =	shalt  }
0x67: {  	_ =	shalt  }
0x68: {  	_ =	shalt  }
0x69: {  	_ =	shalt  }
0x6a: {  	_ =	shalt  }
0x6b: {  	_ =	shalt  }
0x6c: {  	_ =	shalt  }
0x6d: {  	_ =	shalt  }
0x6e: {  	_ =	shalt  }
0x6f: {  	_ =	shalt  }
0x70: {  	_ =	shalt  }
0x71: {  	_ =	shalt  }
0x72: {  	_ =	shalt  }
0x73: {  	_ =	shalt  }
0x74: {  	_ =	shalt  }
0x75: {  	_ =	shalt  }
0x76: {  	_ =	shalt  }
0x77: {  	_ =	shalt  }
0x78: {  	_ =	shalt  }
0x79: {  	_ =	shalt  }
0x7a: {  	_ =	shalt  }
0x7b: {  	_ =	shalt  }
0x7c: {  	_ =	shalt  }
0x7d: {  	_ =	shalt  }
0x7e: {  	_ =	shalt  }
0x7f: {  	_ =	shalt  }
0x80: {  	_ =	shalt  }
0x81: {  	_ =	shalt  }
0x82: {  	_ =	shalt  }
0x83: {  	_ =	shalt  }
0x84: {  	_ =	shalt  }
0x85: {  	_ =	shalt  }
0x86: {  	_ =	shalt  }
0x87: {  	_ =	shalt  }
.Lfunc_end0:
.L_simem_size_0:
called_computation_lowered:
.L_overlay_start_0:
0x88: {  	s2 =	sld [smem:$0x3FD9]  }
0x89: {  	s3 =	sld [smem:$0x3FFE];
	_ =	sdelay $0x1  }
0x8a: {  	s1 =	srdreg.scid  }
0x8b: {  	s0 =	sand.u32 $0x1, s1  }
0x8c: {  	s14 =	sshll.u32 s0, $0xA;
	s2 =	sadd.s32 s3, s2  }
0x8d: {  	s2 =	sadd.s32 s2, s14  }
0x8e: {  	[smem:$0x3FC4] =	sst s2  }
0x8f: {  	_ = 	snop  }
0x90: {  	s2 =	sld [smem:$0x3FD0];
	_ =	sdelay $0x2  }
0x91: {  	s15 =	simm.s32 $0xA;
	s4 =	simm.s32 $0x10  }
0x92: {  	[smem:s4], [sflag:s15] =	dma.local [hbm:s2], $0x1  }
0x93: {  	_ =	swait.eq [sflag:s15], $0x1  }
0x94: {  	[sflag:s15] =	ssyncset.done $0x0  }
0x95: {  	s16 =	sld [smem:$0x10];
	[sflag:s15] =	ssyncadd.s32 $0xFFFFFFFF  }
0x96: {  	s17 =	sld [smem:$0x11];
	(tm) =	ssettm $0x1  }
0x97: {  	s18 =	sld [smem:$0x3FFB];
	_ =	sdelay $0x3  }
0x98: {  	_ =	strace s18  }
0x99: {  	s4 =	sld [smem:$0x3FFC];
	_ =	sdelay $0x3  }
0x9a: {  	_ =	strace s4  }
0x9b: {  	s4 =	sld [smem:$0x3FFD];
	_ =	sdelay $0x3  }
0x9c: {  	_ =	strace s4  }
0x9d: {  	_ =	strace $0x8FFFFFFF  }
0x9e: {  	s19 =	sld [smem:$0x3FDB];
	_ =	sdelay $0x1  }
0x9f: {  	s5 =	simm.s32 $_scs_section_size  }
0xa0: {  	s6 =	simm.s32 $_size__tile_overlayer_lowered;
	s7 =	simm.s32 $_tile_overlayer_lowered  }
0xa1: {  	s22 =	simm.s32 $0x1BFF;
	s21 =	sshll.u32 s7, $0x1;
	s4 =	sadd.s32 s5, s19  }
0xa2: {  	s8 =	simm.s32 $0x0;
	s20 =	sshll.u32 s6, $0x1;
	s6 =	sadd.s32 s21, s4  }
0xa3: {  	[timem:s8], [sflag:s22] =	dma.local [hbm:s6], s20  }
0xa4: {  	_ =	swait.ge [sflag:s22], s20  }
0xa5: {  	s5 =	ssub.s32 $0x0, s20;
	[sflag:s22] =	ssyncset.done $0x0  }
0xa6: {  	[sflag:s22] =	ssyncadd.s32 s5;
	_ =	sdelay $0x1  }
0xa7: {  	s23 =	simm.s32 $0x1B8B  }
0xa8: {  	_ =	swait.ge [sflag:s23], $0x1  }
0xa9: {  	[sflag:s23] =	ssyncset.done $0x0  }
0xaa: {  	s25 =	simm.s32 $0x1B8E;
	s24 =	sld [smem:$0x3FFE];
	[sflag:s23] =	ssyncadd.s32 $0xFFFFFFFF  }
0xab: {  	s26 =	simm.s32 $execute0_lowered;
	[smem:$0x3FD2] =	sst s25  }
0xac: {  	s6 =	sshll.u32 s26, $0x1;
	_ =	strace $0x80000046;
	[dreg:$0x1] =	wrdreg $0xFFFFFFFF  }
0xad: {  	s28 =	simm.s32 $_size_execute0_lowered;
	s4 =	sadd.s32 s4, s6;
	[dreg:$0x0] =	wrdreg $0x0  }
0xae: {  	s6 =	sshll.u32 s28, $0x1;
	[dreg:$0x2] =	wrdreg s4  }
0xaf: {  	[dreg:$0x3] =	wrdreg s6  }
0xb0: {  	[dreg:$0x4] =	wrdreg $0xC0  }
0xb1: {  	_ =	task [dreg:s8], $0x5FFFF  }
0xb2: {  	[dreg:$0x1] =	wrdreg $0xFFFFFFFF  }
0xb3: {  	[dreg:$0x0] =	wrdreg $0x60  }
0xb4: {  	[dreg:$0x2] =	wrdreg s24  }
0xb5: {  	[dreg:$0x3] =	wrdreg s16  }
0xb6: {  	[dreg:$0x4] =	wrdreg s17  }
0xb7: {  	[dreg:$0x5] =	wrdreg $0x9  }
0xb8: {  	_ =	task.clear_ibuf [dreg:s8], $0x6FFFF;
	_ =	strace $0x90000046  }
0xb9: {  	s29 =	simm.s32 $0x9;
	_ =	strace $0x80000048  }
0xba: {  	_ =	swait.ge [sflag:s29], $0x1  }
0xbb: {  	[sflag:s29] =	ssyncadd.s32 $0xFFFFFFFF  }
0xbc: {  	_ =	strace $0x90000048  }
0xbd: {  	_ =	sfence  }
0xbe: {  	s30 =	sld [smem:$0x0];
	_ =	sdelay $0x2  }
0xbf: {  	s31 =	sshll.u32 s1, $0xD;
	s1 =	sshrl.u32 s1, $0x2  }
0xc0: {  	s3 =	sand.u32 $0x4000, s31;
	s1 =	sadd.s32 s1, s30  }
0xc1: {  	s0 =	sor.u32 s3, s0;
	s1 =	sshll.u32 s1, $0x11  }
0xc2: {  	s0 =	sor.u32 s1, s0  }
0xc3: {  	s0 =	sadd.s32 $0x8F2B, s0  }
0xc4: {  	[sflag:s0] =	ssyncadd.remote.s32 $0x1  }
0xc5: {  	_ =	sfence.sel $0xFFFF  }
0xc6: {  	[dreg:$0x0] =	wrdreg $0xFFFFFFFF;
	(pc) =	sbr.abs _section_cstart, $3  }
0xc7: {  	[dreg:$0x1] =	wrdreg $0xFFFFFFFF  }
0xc8: {  	_ =	task.clear_ibuf [dreg:s8], $0x2FFFF;
	_ =	strace $0x9FFFFFFF  }
0xc9: {  	(tm) =	ssettm $0x7FFFFFFF  }
tec
execute0_lowered:
.L_overlay_start_1:
0x0: {  	(tag) =	ssettag $0x1  }
0x1: {  	s6 =	rddreg [dreg:$0x0]  }
0x2: {  	s0 =	srdreg.scid;
	s3 =	rddreg [dreg:$0x1]  }
0x3: {  	s12 =	stileid.u32;
	s4 =	rddreg [dreg:$0x2]  }
0x4: {  	s18 =	simm.s32 $0x4800;
	s20 =	simm.s32 $0x6A00;
	s28 =	simm.s32 $0x16400  }
0x5: {  	s0 =	sand.u32 $0x1, s0;
	s2 =	sshll.u32 s12, $0x1;
	s21 =	sadd.s32 $0xE00, s6  }
0x6: {  	s22 =	sadd.s32 $0xA00, s6;
	s1 =	sor.u32 s0, s2;
	p0 =	slt.u32 s2, $0x14  }
0x7: {  	s0 =	ssub.s32 $0x2, s0;
	s8 =	sor.u32 $0x20, s1;
	s11 =	sadd.s32 $0xFFFFFFEC, s1  }
0x8: {  	s24 =	sshrl.u32 s0, $0x1;
	s26 =	smul.u32 $0x140, s1;
	s30 =	sor.u32 $0x40, s1  }
0x9: {  	s13 =	sor.u32 $0x60, s1;
	s5 =	sand.u32 $0xFF, s8;
	s11 =	smov.u32 @p0 s1  }
0xa: {  	p0 =	sgt.u32 s12, $0x9;
	s12 =	simm.s32 $0xC380;
	s7 =	smul.u32 $0xCD, s5  }
0xb: {  	s0 =	ssub.s32 s0, s24;
	s29 =	smul.u32 $0x140, s8;
	s24 =	simm.s32 $0x2  }
0xc: {  	s5 =	simm.s32 $0x0;
	s11 =	smul.u32 $0xA00, s11;
	s10 =	sshrl.u32 s7, $0xC  }
0xd: {  	s12 =	simm.s32 @!p0 $0x0;
	[smem:$0x7FF] =	sst s5;
	s9 =	smul.u32 $0x14, s10  }
0xe: {  	s0 =	smax.u32 s0, $0x1;
	_ =	strace $0x80000047;
	[dreg:$0x4] =	wrdreg s21  }
0xf: {  	s7 =	sadd.s32 $0x1800, s6;
	[dreg:$0x5] =	wrdreg s22;
	s23 =	ssub.s32 s8, s9  }
0x10: {  	s11 =	smin.u32 s11, $0xB980;
	[dreg:$0x8] =	wrdreg s30;
	s2 =	sand.u32 $0xFF, s23  }
0x11: {  	[dreg:$0xb] =	wrdreg s0;
	s21 =	simm.s32 $0x1;
	s2 =	smul.u32 $0xA00, s2  }
0x12: {  	s22 =	simm.s32 $0x7400;
	s10 =	smul.u32 $0xC380, s10;
	s25 =	sadd.s32 s12, s11  }
0x13: {  	s9 =	sadd.s32 $0xF400, s6;
	s6 =	sshrl.u32 s25, $0x3;
	s2 =	smin.u32 s2, $0xB980  }
.Ltmp0:
0x14: {  	s6 =	sadd.s32 s7, s6;
	s2 =	sadd.s32 s10, s2;
	(pc) =	sbr.rel .LBB2_1-.Ltmp0, $4  }
0x15: {  	s31 =	sadd.s32 s9, s26;
	[dreg:$0x6] =	wrdreg s6;
	s2 =	sshrl.u32 s2, $0x3  }
0x16: {  	s25 =	simm.s32 $0x4;
	[dreg:$0x9] =	wrdreg s31;
	s2 =	sadd.s32 s7, s2  }
0x17: {  	s23 =	simm.s32 $0xC400;
	[dreg:$0x7] =	wrdreg s2;
	s2 =	sadd.s32 s9, s29  }
0x18: {  	s26 =	simm.s32 $0x11400;
	[dreg:$0xa] =	wrdreg s2;
	s2 =	simm.s32 $0x0  }
.LBB2_23:
0x19: {  	s0 =	simm.s32 $0x3  }
0x1a: {  	_ =	swait.ge [sflag:s0], $0x5000  }
0x1b: {  	[sflag:s0] =	ssyncset.done $0x0  }
0x1c: {  	[sflag:s0] =	ssyncadd.s32 $0xFFFFB000  }
0x1d: {  	_ =	swait.ge [sflag:s0], $0x5000  }
0x1e: {  	[sflag:s0] =	ssyncset.done $0x0  }
0x1f: {  	[sflag:s0] =	ssyncadd.s32 $0xFFFFB000  }
0x20: {  	_ =	swait.ge [sflag:s25], $0x5000  }
0x21: {  	[sflag:s25] =	ssyncset.done $0x0  }
0x22: {  	[sflag:s25] =	ssyncadd.s32 $0xFFFFB000  }
0x23: {  	_ =	swait.ge [sflag:s25], $0x5000  }
0x24: {  	s2 =	rddreg [dreg:$0xc]  }
0x25: {  	s31 =	rddreg [dreg:$0xb];
	s2 =	sadd.s32 $0x1, s2  }
0x26: {  	p0 =	sne.s32 s2, s31  }
.Ltmp1:
0x27: {  	_ = 	snop;
	(pc) =	sbr.rel @!p0 .LBB2_24-.Ltmp1, $3  }
0x28: {  	_ =	sdelay $0x1  }
0x29: {  	[sflag:s25] =	ssyncset.done $0x0  }
0x2a: {  	[sflag:s25] =	ssyncadd.s32 $0xFFFFB000  }
.LBB2_1:
0x2b: {  	[dreg:$0xc] =	wrdreg s2  }
0x2c: {  	s0 =	rddreg [dreg:$0x4];
	s16 =	simm.s32 $0x5  }
0x2d: {  	[tilespmem:s5], [sflag:$0x5] =	stream.linear.gather [hbm4b:s0+s5], $0x4800, $0x38;
	[tilespmem:$0x1B400] =	vst v63  }
0x2e: {  	_ =	swait.ge [sflag:s16], $0x4800  }
0x2f: {  	[sflag:s16] =	ssyncset.done $0x0  }
0x30: {  	s17 =	rddreg [dreg:$0x5];
	[sflag:s16] =	ssyncadd.s32 $0xFFFFB800  }
0x31: {  	[tilespmem:s18], [sflag:$0x5] =	stream.linear.gather [hbm4b:s17+s5], $0x1800, $0x38;
	[tilespmem:$0x1B400] =	vst v63  }
0x32: {  	_ =	swait.ge [sflag:s16], $0x1800  }
0x33: {  	[sflag:s16] =	ssyncset.done $0x0  }
0x34: {  	s29 =	simm.s32 $0x6000;
	s19 =	rddreg [dreg:$0x6];
	[sflag:s16] =	ssyncadd.s32 $0xFFFFE800  }
0x35: {  	[tilespmem:s29], [sflag:$0x1] =	stream.linear.gather [hbm4b:s19+s5], $0xA00, $0x38;
	[tilespmem:$0x1B400] =	vst v63  }
0x36: {  	s31 =	simm.s32 $0x0;
	s30 =	rddreg [dreg:$0x7]  }
0x37: {  	[tilespmem:s20], [sflag:$0x2] =	stream.linear.gather [hbm4b:s30+s5], $0xA00, $0x38;
	[tilespmem:$0x1B400] =	vst v63  }
.LBB2_2:
0x38: {  	_ =	swait.ge [sflag:s21], $0xA00  }
0x39: {  	p0 =	seq.s32 s31, $0x0;
	[sflag:s21] =	ssyncset.done $0x0  }
0x3a: {  	s0 =	simm.s32 @!p0 $0x3;
	[sflag:s21] =	ssyncadd.s32 $0xFFFFF600  }
0x3b: {  	_ =	swait.ge @!p0 [sflag:s0], $0x5000  }
0x3c: {  	[sflag:s0] =	ssyncset.done @!p0 $0x0  }
0x3d: {  	[sflag:s0] =	ssyncadd.s32 @!p0 $0xFFFFB000  }
0x3e: {  	_ =	swait.ge @!p0 [sflag:s0], $0x5000  }
0x3f: {  	[sflag:s0] =	ssyncset.done @!p0 $0x0  }
0x40: {  	s16 =	simm.s32 $0x6020;
	[sflag:s0] =	ssyncadd.s32 @!p0 $0xFFFFB000  }
0x41: {  	v0 =	vld [tilespmem:s16+$0x0]  }
0x42: {  	v3 =	vld [tilespmem:s16+$0xFFFFFFF0];
	_ =	sdelay $0x3  }
0x43: {  	v1 =	vshll.u32 v0, $0x4  }
0x44: {  	v13 =	vshll.u32 v3, $0x4  }
0x45: {  	v0 =	vor.u32 $0x1, v1  }
0x46: {  	v2 =	vor.u32 $0x2, v1  }
0x47: {  	v6 =	vld [tilespmem:s16+$0xFFFFFFE0];
	v4 =	vor.u32 $0x3, v1  }
0x48: {  	v10 =	vor.u32 $0x1, v13;
	v5 =	vld.idx.msk [tilespmem:v1+s5+$0x0], $0xffff  }
0x49: {  	v7 =	vor.u32 $0x4, v1;
	v12 =	vld.idx.msk [tilespmem:v13+s5+$0x0], $0xffff  }
0x4a: {  	s6 =	simm.s32 $0x20;
	s8 =	simm.s32 $0x100;
	v16 =	vor.u32 $0x3, v13;
	v0 =	vld.idx.msk [tilespmem:v0+s5+$0x0], $0xffff  }
0x4b: {  	s17 =	sand.u32 $0xFC00, s8;
	s2 =	sand.u32 $0x70, s6;
	v8 =	vor.u32 $0x5, v1;
	v2 =	vld.idx.msk [tilespmem:v2+s5+$0x0], $0xffff  }
0x4c: {  	s0 =	sor.u32 s2, s17;
	v9 =	vor.u32 $0x6, v1;
	v4 =	vld.idx.msk [tilespmem:v4+s5+$0x0], $0xffff  }
0x4d: {  	v10 =	vld.idx.msk [tilespmem:v10+s5+$0x0], $0xffff;
	[tilespmem:s0+$0x7400] =	vst v5;
	v5 =	vshll.u32 v6, $0x4  }
0x4e: {  	v6 =	vld.idx.msk [tilespmem:v7+s5+$0x0], $0xffff;
	v7 =	vor.u32 $0x7, v1  }
0x4f: {  	v16 =	vld.idx.msk [tilespmem:v16+s5+$0x0], $0xffff;
	[tilespmem:s0+$0x7480] =	vst v0;
	v3 =	vor.u32 $0x1, v5  }
0x50: {  	v0 =	vld.idx.msk [tilespmem:v8+s5+$0x0], $0xffff;
	[tilespmem:s0+$0x7500] =	vst v2;
	v2 =	vor.u32 $0x8, v1  }
0x51: {  	v15 =	vor.u32 $0x3, v5;
	v8 =	vld.idx.msk [tilespmem:v9+s5+$0x0], $0xffff  }
0x52: {  	[tilespmem:s0+$0x7580] =	vst v4;
	v4 =	vor.u32 $0x9, v1;
	v9 =	vld.idx.msk [tilespmem:v5+s5+$0x0], $0xffff  }
0x53: {  	v11 =	vor.u32 $0xA, v1;
	v7 =	vld.idx.msk [tilespmem:v7+s5+$0x0], $0xffff  }
0x54: {  	[tilespmem:s0+$0x7600] =	vst v6;
	v6 =	vor.u32 $0x2, v5;
	v3 =	vld.idx.msk [tilespmem:v3+s5+$0x0], $0xffff  }
0x55: {  	v14 =	vor.u32 $0xB, v1;
	v2 =	vld.idx.msk [tilespmem:v2+s5+$0x0], $0xffff  }
0x56: {  	v15 =	vld.idx.msk [tilespmem:v15+s5+$0x0], $0xffff;
	[tilespmem:s0+$0x7680] =	vst v0;
	v0 =	vor.u32 $0x2, v13  }
0x57: {  	v4 =	vld.idx.msk [tilespmem:v4+s5+$0x0], $0xffff;
	[tilespmem:s0+$0x7700] =	vst v8;
	v8 =	vor.u32 $0xC, v1  }
0x58: {  	s19 =	simm.s32 $0x0;
	s10 =	simm.s32 $0x0;
	v11 =	vld.idx.msk [tilespmem:v11+s5+$0x0], $0xffff;
	[tilespmem:s0+$0x7780] =	vst v7;
	v7 =	vor.u32 $0xD, v1  }
0x59: {  	s10 =	sand.u32 $0x70, s10;
	s2 =	sand.u32 $0x7C00, s19;
	v18 =	vor.u32 $0xE, v1;
	v6 =	vld.idx.msk [tilespmem:v6+s5+$0x0], $0xffff  }
0x5a: {  	s10 =	sor.u32 s10, s2;
	v14 =	vld.idx.msk [tilespmem:v14+s5+$0x0], $0xffff;
	[tilespmem:s0+$0xC400] =	vst v2;
	v2 =	vor.u32 $0x4, v5  }
0x5b: {  	s11 =	simm.s32 $0x80;
	s14 =	simm.s32 $0x10;
	v1 =	vor.u32 $0xF, v1;
	[tilespmem:s10+$0x7400] =	vst v9;
	v17 =	vld.idx.msk [tilespmem:v0+s5+$0x0], $0xffff  }
0x5c: {  	s29 =	sand.u32 $0xFC00, s11;
	s30 =	sand.u32 $0x70, s14;
	v0 =	vld.idx.msk [tilespmem:v8+s5+$0x0], $0xffff;
	[tilespmem:s0+$0xC480] =	vst v4;
	v4 =	vor.u32 $0x4, v13  }
0x5d: {  	s11 =	sor.u32 s30, s29;
	v8 =	vld.idx.msk [tilespmem:v7+s5+$0x0], $0xffff;
	v7 =	vor.u32 $0x5, v5;
	[tilespmem:s0+$0xC500] =	vst v11  }
0x5e: {  	v19 =	vor.u32 $0x5, v13;
	[tilespmem:s11+$0x7400] =	vst v12;
	v11 =	vld.idx.msk [tilespmem:v18+s5+$0x0], $0xffff  }
0x5f: {  	v9 =	vor.u32 $0x6, v5;
	v2 =	vld.idx.msk [tilespmem:v2+s5+$0x0], $0xffff;
	[tilespmem:s0+$0xC580] =	vst v14  }
0x60: {  	v14 =	vor.u32 $0x6, v13;
	[tilespmem:s10+$0x7480] =	vst v3;
	v1 =	vld.idx.msk [tilespmem:v1+s5+$0x0], $0xffff  }
0x61: {  	v3 =	vld.idx.msk [tilespmem:v4+s5+$0x0], $0xffff;
	v4 =	vor.u32 $0x7, v5;
	[tilespmem:s11+$0x7480] =	vst v10  }
0x62: {  	v10 =	vor.u32 $0x7, v13;
	v7 =	vld.idx.msk [tilespmem:v7+s5+$0x0], $0xffff;
	[tilespmem:s10+$0x7500] =	vst v6  }
0x63: {  	v12 =	vor.u32 $0x8, v5;
	v6 =	vld.idx.msk [tilespmem:v19+s5+$0x0], $0xffff;
	[tilespmem:s11+$0x7500] =	vst v17  }
0x64: {  	v17 =	vor.u32 $0x8, v13;
	v9 =	vld.idx.msk [tilespmem:v9+s5+$0x0], $0xffff;
	[tilespmem:s10+$0x7580] =	vst v15  }
0x65: {  	v14 =	vld.idx.msk [tilespmem:v14+s5+$0x0], $0xffff;
	v15 =	vor.u32 $0x9, v5;
	[tilespmem:s11+$0x7580] =	vst v16  }
0x66: {  	v18 =	vor.u32 $0x9, v13;
	v4 =	vld.idx.msk [tilespmem:v4+s5+$0x0], $0xffff;
	[tilespmem:s0+$0xC780] =	vst v1  }
0x67: {  	v1 =	vor.u32 $0xA, v5;
	[tilespmem:s10+$0x7600] =	vst v2;
	v2 =	vld.idx.msk [tilespmem:v10+s5+$0x0], $0xffff  }
0x68: {  	v19 =	vor.u32 $0xA, v13;
	[tilespmem:s11+$0x7600] =	vst v3;
	v12 =	vld.idx.msk [tilespmem:v12+s5+$0x0], $0xffff  }
0x69: {  	v20 =	vor.u32 $0xB, v5;
	[tilespmem:s10+$0x7680] =	vst v7;
	v17 =	vld.idx.msk [tilespmem:v17+s5+$0x0], $0xffff  }
0x6a: {  	v21 =	vor.u32 $0xB, v13;
	[tilespmem:s11+$0x7680] =	vst v6;
	v16 =	vld.idx.msk [tilespmem:v15+s5+$0x0], $0xffff  }
0x6b: {  	v22 =	vor.u32 $0xC, v5;
	[tilespmem:s10+$0x7700] =	vst v9;
	v15 =	vld.idx.msk [tilespmem:v18+s5+$0x0], $0xffff  }
0x6c: {  	[tilespmem:s11+$0x7700] =	vst v14;
	v10 =	vld.idx.msk [tilespmem:v1+s5+$0x0], $0xffff  }
0x6d: {  	[tilespmem:s10+$0x7780] =	vst v4;
	v14 =	vld.idx.msk [tilespmem:v19+s5+$0x0], $0xffff  }
0x6e: {  	v3 =	vor.u32 $0xD, v5;
	[tilespmem:s11+$0x7780] =	vst v2;
	v9 =	vld.idx.msk [tilespmem:v20+s5+$0x0], $0xffff  }
0x6f: {  	v7 =	vor.u32 $0xC, v13;
	v6 =	vor.u32 $0xD, v13;
	v4 =	vor.u32 $0xE, v5;
	[tilespmem:s10+$0xC400] =	vst v12;
	v12 =	vld.idx.msk [tilespmem:v21+s5+$0x0], $0xffff  }
0x70: {  	s15 =	simm.s32 $0x6050;
	s14 =	simm.s32 $0x0;
	s2 =	sshll.u32 s31, $0x6;
	v1 =	vor.u32 $0xF, v5;
	v5 =	vor.u32 $0xE, v13;
	v2 =	vor.u32 $0xF, v13;
	v13 =	vld.idx.msk [tilespmem:v22+s5+$0x0], $0xffff;
	[tilespmem:s11+$0xC400] =	vst v17  }
.LBB2_3:
0x71: {  	v17 =	vld [tilespmem:s15+$0x0];
	s14 =	sadd.s32 $0x3, s14;
	[tilespmem:s10+$0xC480] =	vst v16  }
0x72: {  	v16 =	vld [tilespmem:s15+$0xFFFFFFF0];
	p1 =	slt.u32 s14, $0x9C;
	[tilespmem:s0+$0xC700] =	vst v11  }
0x73: {  	v11 =	vld [tilespmem:s15+$0xFFFFFFE0];
	[tilespmem:s0+$0xC680] =	vst v8  }
0x74: {  	v7 =	vld.idx.msk [tilespmem:v7+s5+$0x0], $0xffff;
	[tilespmem:s11+$0xC480] =	vst v15  }
0x75: {  	v3 =	vld.idx.msk [tilespmem:v3+s5+$0x0], $0xffff;
	[tilespmem:s10+$0xC500] =	vst v10  }
0x76: {  	v8 =	vshll.u32 v17, $0x4;
	v6 =	vld.idx.msk [tilespmem:v6+s5+$0x0], $0xffff;
	[tilespmem:s11+$0xC500] =	vst v14  }
0x77: {  	v14 =	vshll.u32 v16, $0x4;
	v10 =	vor.u32 $0x1, v8;
	v4 =	vld.idx.msk [tilespmem:v4+s5+$0x0], $0xffff;
	[tilespmem:s10+$0xC580] =	vst v9  }
0x78: {  	v16 =	vor.u32 $0x2, v8;
	v11 =	vshll.u32 v11, $0x4;
	v15 =	vor.u32 $0x1, v14;
	v5 =	vld.idx.msk [tilespmem:v5+s5+$0x0], $0xffff;
	[tilespmem:s11+$0xC580] =	vst v12  }
0x79: {  	v18 =	vor.u32 $0x3, v8;
	v12 =	vor.u32 $0x1, v11;
	v17 =	vor.u32 $0x2, v11;
	v1 =	vld.idx.msk [tilespmem:v1+s5+$0x0], $0xffff;
	[tilespmem:s10+$0xC600] =	vst v13  }
0x7a: {  	v19 =	vor.u32 $0x2, v14;
	v20 =	vor.u32 $0x3, v14;
	v13 =	vor.u32 $0x3, v11;
	v2 =	vld.idx.msk [tilespmem:v2+s5+$0x0], $0xffff;
	[tilespmem:s11+$0xC600] =	vst v7  }
0x7b: {  	v23 =	vor.u32 $0x4, v14;
	v21 =	vor.u32 $0x4, v11;
	v22 =	vor.u32 $0x5, v11;
	v7 =	vld.idx.msk [tilespmem:v8+s5+$0x0], $0xffff;
	[tilespmem:s10+$0xC680] =	vst v3  }
0x7c: {  	v25 =	vor.u32 $0x5, v14;
	v26 =	vor.u32 $0x6, v14;
	v24 =	vor.u32 $0x6, v11;
	v27 =	vld.idx.msk [tilespmem:v10+s5+$0x0], $0xffff;
	[tilespmem:s11+$0xC680] =	vst v6  }
0x7d: {  	v29 =	vor.u32 $0x4, v8;
	v9 =	vor.u32 $0x7, v14;
	v28 =	vor.u32 $0x7, v11;
	v16 =	vld.idx.msk [tilespmem:v16+s5+$0x0], $0xffff;
	[tilespmem:s10+$0xC700] =	vst v4  }
0x7e: {  	s6 =	sadd.s32 $0x30, s6;
	s8 =	sadd.s32 $0x180, s8;
	v31 =	vor.u32 $0x5, v8;
	v30 =	vor.u32 $0x8, v11;
	v10 =	vor.u32 $0x8, v14;
	v18 =	vld.idx.msk [tilespmem:v18+s5+$0x0], $0xffff;
	[tilespmem:s11+$0xC700] =	vst v5  }
0x7f: {  	s16 =	sadd.s32 $0xFFFFFF00, s8;
	s17 =	sand.u32 $0xFC00, s8;
	s29 =	sand.u32 $0x70, s6;
	v35 =	vor.u32 $0x6, v8;
	v34 =	vor.u32 $0x9, v14;
	v33 =	vor.u32 $0x9, v11;
	v32 =	vld.idx.msk [tilespmem:v11+s5+$0x0], $0xffff;
	[tilespmem:s10+$0xC780] =	vst v1  }
0x80: {  	s30 =	sadd.s32 $0xFFFFFF80, s8;
	s17 =	sor.u32 s29, s17;
	v39 =	vor.u32 $0x7, v8;
	v38 =	vor.u32 $0xA, v14;
	v36 =	vor.u32 $0xA, v11;
	s10 =	sadd.s32 $0xFFFFFFE0, s6;
	v37 =	vld.idx.msk [tilespmem:v14+s5+$0x0], $0xffff;
	[tilespmem:s11+$0xC780] =	vst v2  }
0x81: {  	v42 =	vor.u32 $0xB, v14;
	v40 =	vor.u32 $0xB, v11;
	v41 =	vor.u32 $0xC, v11;
	s11 =	sand.u32 $0x7C00, s16;
	s10 =	sand.u32 $0x70, s10;
	s16 =	sadd.s32 $0xFFFFFFF0, s6;
	v12 =	vld.idx.msk [tilespmem:v12+s5+$0x0], $0xffff;
	[tilespmem:s17+$0x7400] =	vst v7  }
0x82: {  	v3 =	vor.u32 $0xD, v11;
	v6 =	vor.u32 $0xD, v14;
	s10 =	sor.u32 s10, s11;
	s11 =	sand.u32 $0xFC00, s30;
	s16 =	sand.u32 $0x70, s16;
	v7 =	vor.u32 $0xC, v14;
	v29 =	vld.idx.msk [tilespmem:v29+s5+$0x0], $0xffff;
	[tilespmem:s17+$0x7480] =	vst v27  }
0x83: {  	v4 =	vor.u32 $0xE, v11;
	v5 =	vor.u32 $0xE, v14;
	v1 =	vor.u32 $0xF, v11;
	s11 =	sor.u32 s16, s11;
	v11 =	vld.idx.msk [tilespmem:v31+s5+$0x0], $0xffff;
	[tilespmem:s17+$0x7500] =	vst v16  }
0x84: {  	v2 =	vor.u32 $0xF, v14;
	v16 =	vor.u32 $0x8, v8;
	v14 =	vld.idx.msk [tilespmem:v35+s5+$0x0], $0xffff;
	[tilespmem:s17+$0x7580] =	vst v18  }
0x85: {  	v27 =	vor.u32 $0x9, v8;
	v18 =	vld.idx.msk [tilespmem:v39+s5+$0x0], $0xffff;
	[tilespmem:s0+$0xC600] =	vst v0;
	s0 =	smov.u32 s17  }
0x86: {  	v0 =	vor.u32 $0xA, v8;
	v15 =	vld.idx.msk [tilespmem:v15+s5+$0x0], $0xffff  }
0x87: {  	v31 =	vor.u32 $0xB, v8;
	v17 =	vld.idx.msk [tilespmem:v17+s5+$0x0], $0xffff  }
0x88: {  	v19 =	vld.idx.msk [tilespmem:v19+s5+$0x0], $0xffff;
	[tilespmem:s0+$0x7600] =	vst v29  }
0x89: {  	v16 =	vld.idx.msk [tilespmem:v16+s5+$0x0], $0xffff;
	[tilespmem:s0+$0x7680] =	vst v11  }
0x8a: {  	v11 =	vld.idx.msk [tilespmem:v27+s5+$0x0], $0xffff;
	[tilespmem:s0+$0x7700] =	vst v14  }
0x8b: {  	v14 =	vld.idx.msk [tilespmem:v0+s5+$0x0], $0xffff;
	[tilespmem:s0+$0x7780] =	vst v18;
	v0 =	vor.u32 $0xC, v8  }
0x8c: {  	v27 =	vor.u32 $0xD, v8;
	v18 =	vld.idx.msk [tilespmem:v31+s5+$0x0], $0xffff  }
0x8d: {  	v29 =	vor.u32 $0xE, v8;
	v13 =	vld.idx.msk [tilespmem:v13+s5+$0x0], $0xffff;
	[tilespmem:s10+$0x7400] =	vst v32  }
0x8e: {  	v31 =	vor.u32 $0xF, v8;
	v20 =	vld.idx.msk [tilespmem:v20+s5+$0x0], $0xffff;
	[tilespmem:s11+$0x7400] =	vst v37  }
0x8f: {  	v21 =	vld.idx.msk [tilespmem:v21+s5+$0x0], $0xffff;
	[tilespmem:s0+$0xC400] =	vst v16  }
0x90: {  	v0 =	vld.idx.msk [tilespmem:v0+s5+$0x0], $0xffff;
	[tilespmem:s0+$0xC480] =	vst v11  }
0x91: {  	v8 =	vld.idx.msk [tilespmem:v27+s5+$0x0], $0xffff;
	[tilespmem:s0+$0xC500] =	vst v14  }
0x92: {  	v11 =	vld.idx.msk [tilespmem:v29+s5+$0x0], $0xffff;
	[tilespmem:s0+$0xC580] =	vst v18  }
0x93: {  	[tilespmem:s10+$0x7480] =	vst v12;
	v12 =	vld.idx.msk [tilespmem:v31+s5+$0x0], $0xffff  }
0x94: {  	v14 =	vld.idx.msk [tilespmem:v23+s5+$0x0], $0xffff;
	[tilespmem:s11+$0x7480] =	vst v15  }
0x95: {  	v15 =	vld.idx.msk [tilespmem:v22+s5+$0x0], $0xffff;
	[tilespmem:s10+$0x7500] =	vst v17  }
0x96: {  	v17 =	vld.idx.msk [tilespmem:v25+s5+$0x0], $0xffff;
	[tilespmem:s11+$0x7500] =	vst v19  }
0x97: {  	v18 =	vld.idx.msk [tilespmem:v24+s5+$0x0], $0xffff;
	[tilespmem:s10+$0x7580] =	vst v13  }
0x98: {  	v13 =	vld.idx.msk [tilespmem:v26+s5+$0x0], $0xffff;
	[tilespmem:s11+$0x7580] =	vst v20  }
0x99: {  	v19 =	vld.idx.msk [tilespmem:v28+s5+$0x0], $0xffff;
	[tilespmem:s0+$0xC780] =	vst v12  }
0x9a: {  	[tilespmem:s10+$0x7600] =	vst v21;
	v12 =	vld.idx.msk [tilespmem:v9+s5+$0x0], $0xffff  }
0x9b: {  	v20 =	vld.idx.msk [tilespmem:v30+s5+$0x0], $0xffff;
	[tilespmem:s11+$0x7600] =	vst v14  }
0x9c: {  	[tilespmem:s10+$0x7680] =	vst v15;
	v21 =	vld.idx.msk [tilespmem:v10+s5+$0x0], $0xffff  }
0x9d: {  	v16 =	vld.idx.msk [tilespmem:v33+s5+$0x0], $0xffff;
	[tilespmem:s11+$0x7680] =	vst v17  }
0x9e: {  	[tilespmem:s10+$0x7700] =	vst v18;
	v15 =	vld.idx.msk [tilespmem:v34+s5+$0x0], $0xffff  }
.Ltmp2:
0x9f: {  	v10 =	vld.idx.msk [tilespmem:v36+s5+$0x0], $0xffff;
	[tilespmem:s11+$0x7700] =	vst v13;
	(pc) =	sbr.rel @p1 .LBB2_3-.Ltmp2, $4  }
0xa0: {  	[tilespmem:s10+$0x7780] =	vst v19;
	v14 =	vld.idx.msk [tilespmem:v38+s5+$0x0], $0xffff  }
0xa1: {  	v9 =	vld.idx.msk [tilespmem:v40+s5+$0x0], $0xffff;
	[tilespmem:s11+$0x7780] =	vst v12  }
0xa2: {  	[tilespmem:s10+$0xC400] =	vst v20;
	v12 =	vld.idx.msk [tilespmem:v42+s5+$0x0], $0xffff  }
0xa3: {  	s15 =	sadd.s32 $0x30, s15;
	v13 =	vld.idx.msk [tilespmem:v41+s5+$0x0], $0xffff;
	[tilespmem:s11+$0xC400] =	vst v21  }
0xa4: {  	_ = 	snop  }
0xa5: {  	[tilespmem:s10+$0xC480] =	vst v16  }
0xa6: {  	[tilespmem:s0+$0xC700] =	vst v11  }
0xa7: {  	[tilespmem:s0+$0xC680] =	vst v8  }
0xa8: {  	v7 =	vld.idx.msk [tilespmem:v7+s5+$0x0], $0xffff;
	[tilespmem:s11+$0xC480] =	vst v15  }
0xa9: {  	[tilespmem:s0+$0xC600] =	vst v0  }
0xaa: {  	v3 =	vld.idx.msk [tilespmem:v3+s5+$0x0], $0xffff;
	[tilespmem:s10+$0xC500] =	vst v10  }
0xab: {  	v6 =	vld.idx.msk [tilespmem:v6+s5+$0x0], $0xffff;
	[tilespmem:s11+$0xC500] =	vst v14  }
0xac: {  	v4 =	vld.idx.msk [tilespmem:v4+s5+$0x0], $0xffff;
	[tilespmem:s10+$0xC580] =	vst v9  }
0xad: {  	v5 =	vld.idx.msk [tilespmem:v5+s5+$0x0], $0xffff;
	[tilespmem:s11+$0xC580] =	vst v12  }
0xae: {  	v1 =	vld.idx.msk [tilespmem:v1+s5+$0x0], $0xffff;
	[tilespmem:s10+$0xC600] =	vst v13  }
0xaf: {  	v2 =	vld.idx.msk [tilespmem:v2+s5+$0x0], $0xffff;
	[tilespmem:s11+$0xC600] =	vst v7  }
0xb0: {  	[tilespmem:s10+$0xC680] =	vst v3  }
0xb1: {  	[tilespmem:s11+$0xC680] =	vst v6  }
0xb2: {  	[tilespmem:s10+$0xC700] =	vst v4  }
0xb3: {  	[tilespmem:s11+$0xC700] =	vst v5  }
0xb4: {  	[tilespmem:s10+$0xC780] =	vst v1  }
0xb5: {  	[tilespmem:s11+$0xC780] =	vst v2  }
0xb6: {  	v0 =	vld [tilespmem:$0x69F0];
	_ =	sdelay $0x4  }
0xb7: {  	v0 =	vshll.u32 v0, $0x4  }
0xb8: {  	v50 =	vor.u32 $0x1, v0  }
0xb9: {  	v51 =	vor.u32 $0x2, v0  }
0xba: {  	v52 =	vor.u32 $0x3, v0;
	_ =	sdelay $0x1  }
0xbb: {  	v4 =	vld.idx.msk [tilespmem:v0+s5+$0x0], $0xffff  }
0xbc: {  	v53 =	vor.u32 $0x4, v0;
	v1 =	vld.idx.msk [tilespmem:v50+s5+$0x0], $0xffff  }
0xbd: {  	v54 =	vor.u32 $0x5, v0;
	v2 =	vld.idx.msk [tilespmem:v51+s5+$0x0], $0xffff  }
0xbe: {  	v55 =	vor.u32 $0x6, v0;
	v3 =	vld.idx.msk [tilespmem:v52+s5+$0x0], $0xffff  }
0xbf: {  	v56 =	vor.u32 $0x7, v0  }
0xc0: {  	[tilespmem:$0xC070] =	vst v4  }
0xc1: {  	v5 =	vld.idx.msk [tilespmem:v53+s5+$0x0], $0xffff;
	[tilespmem:$0xC0F0] =	vst v1  }
0xc2: {  	v57 =	vor.u32 $0x8, v0;
	v6 =	vld.idx.msk [tilespmem:v54+s5+$0x0], $0xffff;
	[tilespmem:$0xC170] =	vst v2  }
0xc3: {  	v58 =	vor.u32 $0x9, v0;
	v4 =	vld.idx.msk [tilespmem:v55+s5+$0x0], $0xffff;
	[tilespmem:$0xC1F0] =	vst v3  }
0xc4: {  	v59 =	vor.u32 $0xA, v0;
	v1 =	vld.idx.msk [tilespmem:v56+s5+$0x0], $0xffff  }
0xc5: {  	v60 =	vor.u32 $0xB, v0  }
0xc6: {  	[tilespmem:$0xC270] =	vst v5  }
0xc7: {  	v2 =	vld.idx.msk [tilespmem:v57+s5+$0x0], $0xffff;
	[tilespmem:$0xC2F0] =	vst v6  }
0xc8: {  	v61 =	vor.u32 $0xC, v0;
	v3 =	vld.idx.msk [tilespmem:v58+s5+$0x0], $0xffff;
	[tilespmem:$0xC370] =	vst v4  }
0xc9: {  	s0 =	sor.u32 s1, s2;
	v62 =	vor.u32 $0xD, v0;
	v5 =	vld.idx.msk [tilespmem:v59+s5+$0x0], $0xffff;
	[tilespmem:$0xC3F0] =	vst v1  }
0xca: {  	s6 =	smulhi.u32 $0xCCCCCCCD, s0;
	v63 =	vor.u32 $0xE, v0;
	v6 =	vld.idx.msk [tilespmem:v60+s5+$0x0], $0xffff  }
0xcb: {  	v0 =	vor.u32 $0xF, v0  }
0xcc: {  	s6 =	sshrl.u32 s6, $0x4;
	[tilespmem:$0x11070] =	vst v2  }
0xcd: {  	s8 =	smul.u32 $0x14, s6;
	v4 =	vld.idx.msk [tilespmem:v61+s5+$0x0], $0xffff;
	[tilespmem:$0x110F0] =	vst v3  }
0xce: {  	v1 =	vld.idx.msk [tilespmem:v62+s5+$0x0], $0xffff;
	[tilespmem:$0x11170] =	vst v5  }
0xcf: {  	s8 =	ssub.s32 s0, s8;
	v2 =	vld.idx.msk [tilespmem:v63+s5+$0x0], $0xffff;
	[tilespmem:$0x111F0] =	vst v6  }
0xd0: {  	s8 =	smul.u32 $0xA00, s8;
	v0 =	vld.idx.msk [tilespmem:v0+s5+$0x0], $0xffff  }
0xd1: {  	s6 =	smul.u32 $0x18700, s6  }
0xd2: {  	s8 =	smin.u32 s8, $0xB980;
	[tilespmem:$0x11270] =	vst v4  }
0xd3: {  	p1 =	sne.s32 s31, $0x2;
	s6 =	sadd.s32 s6, s8;
	[tilespmem:$0x112F0] =	vst v1  }
.Ltmp3:
0xd4: {  	s8 =	sand.u32 $0x1FFFFF80, s6;
	s6 =	sadd.s32 $0xC380, s6;
	[tilespmem:$0x11370] =	vst v2;
	(pc) =	sbr.rel @p1 .LBB2_6-.Ltmp3, $4  }
0xd5: {  	s8 =	sadd.s32 s3, s8;
	s6 =	sand.u32 $0x1FFFFF80, s6;
	[tilespmem:$0x113F0] =	vst v0  }
0xd6: {  	[hbm4b:s8+s5] =	stream.linear.scatter [tilespmem:s22], [sflag:$0x3], $0x5000, $0x38;
	[tilespmem:$0x1B400] =	vst v63  }
0xd7: {  	s6 =	sadd.s32 s3, s6  }
0xd8: {  	[hbm4b:s6+s5] =	stream.linear.scatter [tilespmem:s23], [sflag:$0x3], $0x5000, $0x38;
	[tilespmem:$0x1B400] =	vst v63  }
.Ltmp4:
0xd9: {  	(pc) =	sbr.rel .LBB2_7-.Ltmp4, $4  }
0xda: {  	_ = 	snop  }
0xdb: {  	_ =	swait.ge [sflag:s24], $0xA00  }
0xdc: {  	[sflag:s24] =	ssyncset.done $0x0  }
0xdd: {  	[sflag:s24] =	ssyncadd.s32 $0xFFFFF600  }
.LBB2_6:
0xde: {  	s6 =	rddreg [dreg:$0x8]  }
0xdf: {  	s6 =	sadd.s32 s6, s2  }
0xe0: {  	p1 =	slt.s32 s6, $0xB3  }
0xe1: {  	s6 =	simm.s32 @!p1 $0xB3  }
0xe2: {  	s8 =	smulhi.u32 $0xCCCCCCCD, s6;
	_ =	sdelay $0x1  }
0xe3: {  	s8 =	sshrl.u32 s8, $0x4  }
0xe4: {  	s10 =	smul.u32 $0x14, s8;
	_ =	sdelay $0x1  }
0xe5: {  	s6 =	ssub.s32 s6, s10  }
0xe6: {  	s6 =	smul.u32 $0xA00, s6  }
0xe7: {  	s8 =	smul.u32 $0xC380, s8  }
0xe8: {  	s6 =	smin.u32 s6, $0xB980  }
0xe9: {  	s6 =	sadd.s32 s8, s6  }
0xea: {  	s6 =	sshrl.u32 s6, $0x3  }
.Ltmp5:
0xeb: {  	s30 =	simm.s32 $0x6000;
	s6 =	sadd.s32 s7, s6;
	(pc) =	sbr.rel @p0 .LBB2_8-.Ltmp5, $4  }
0xec: {  	[tilespmem:s30], [sflag:$0x1] =	stream.linear.gather [hbm4b:s6+s5], $0xA00, $0x38;
	[tilespmem:$0x1B400] =	vst v63  }
0xed: {  	_ =	swait.ge [sflag:s24], $0xA00  }
0xee: {  	[sflag:s24] =	ssyncset.done $0x0  }
0xef: {  	[sflag:s24] =	ssyncadd.s32 $0xFFFFF600  }
.LBB2_7:
0xf0: {  	_ =	swait.ge [sflag:s25], $0x5000  }
0xf1: {  	[sflag:s25] =	ssyncset.done $0x0  }
0xf2: {  	[sflag:s25] =	ssyncadd.s32 $0xFFFFB000  }
0xf3: {  	_ =	swait.ge [sflag:s25], $0x5000  }
0xf4: {  	[sflag:s25] =	ssyncset.done $0x0  }
0xf5: {  	[sflag:s25] =	ssyncadd.s32 $0xFFFFB000  }
.LBB2_8:
0xf6: {  	s6 =	simm.s32 $0x6A20  }
0xf7: {  	v0 =	vld [tilespmem:s6+$0x0]  }
0xf8: {  	v3 =	vld [tilespmem:s6+$0xFFFFFFF0];
	_ =	sdelay $0x3  }
0xf9: {  	v1 =	vshll.u32 v0, $0x4  }
0xfa: {  	v10 =	vshll.u32 v3, $0x4  }
0xfb: {  	v0 =	vor.u32 $0x1, v1  }
0xfc: {  	v2 =	vor.u32 $0x2, v1  }
0xfd: {  	v6 =	vld [tilespmem:s6+$0xFFFFFFE0];
	v4 =	vor.u32 $0x3, v1  }
0xfe: {  	v11 =	vor.u32 $0x1, v10;
	v5 =	vld.idx.msk [tilespmem:v1+s5+$0x0], $0xffff  }
0xff: {  	s8 =	simm.s32 $0x20;
	s10 =	simm.s32 $0x100;
	v7 =	vor.u32 $0x4, v1;
	v12 =	vld.idx.msk [tilespmem:v10+s5+$0x0], $0xffff  }
0x100: {  	s17 =	sand.u32 $0xFC00, s10;
	s11 =	sand.u32 $0x70, s8;
	v16 =	vor.u32 $0x3, v10;
	v0 =	vld.idx.msk [tilespmem:v0+s5+$0x0], $0xffff  }
0x101: {  	s6 =	sor.u32 s11, s17;
	v8 =	vor.u32 $0x5, v1;
	v2 =	vld.idx.msk [tilespmem:v2+s5+$0x0], $0xffff  }
0x102: {  	s6 =	sadd.s32 $0x7400, s6;
	v9 =	vor.u32 $0x6, v1;
	v4 =	vld.idx.msk [tilespmem:v4+s5+$0x0], $0xffff  }
0x103: {  	v11 =	vld.idx.msk [tilespmem:v11+s5+$0x0], $0xffff;
	[tilespmem:s6+$0xA000] =	vst v5;
	v5 =	vshll.u32 v6, $0x4  }
0x104: {  	v6 =	vld.idx.msk [tilespmem:v7+s5+$0x0], $0xffff;
	v7 =	vor.u32 $0x7, v1  }
0x105: {  	v16 =	vld.idx.msk [tilespmem:v16+s5+$0x0], $0xffff;
	[tilespmem:s6+$0xA080] =	vst v0;
	v3 =	vor.u32 $0x1, v5  }
0x106: {  	v0 =	vld.idx.msk [tilespmem:v8+s5+$0x0], $0xffff;
	[tilespmem:s6+$0xA100] =	vst v2;
	v2 =	vor.u32 $0x8, v1  }
0x107: {  	v15 =	vor.u32 $0x3, v5;
	v8 =	vld.idx.msk [tilespmem:v9+s5+$0x0], $0xffff  }
0x108: {  	[tilespmem:s6+$0xA180] =	vst v4;
	v4 =	vor.u32 $0x9, v1;
	v9 =	vld.idx.msk [tilespmem:v5+s5+$0x0], $0xffff  }
0x109: {  	v13 =	vor.u32 $0xA, v1;
	v7 =	vld.idx.msk [tilespmem:v7+s5+$0x0], $0xffff  }
0x10a: {  	[tilespmem:s6+$0xA200] =	vst v6;
	v6 =	vor.u32 $0x2, v5;
	v3 =	vld.idx.msk [tilespmem:v3+s5+$0x0], $0xffff  }
0x10b: {  	v14 =	vor.u32 $0xB, v1;
	v2 =	vld.idx.msk [tilespmem:v2+s5+$0x0], $0xffff  }
0x10c: {  	v19 =	vld.idx.msk [tilespmem:v15+s5+$0x0], $0xffff;
	[tilespmem:s6+$0xA280] =	vst v0;
	v0 =	vor.u32 $0x2, v10  }
0x10d: {  	s19 =	simm.s32 $0x0;
	s14 =	simm.s32 $0x0;
	v4 =	vld.idx.msk [tilespmem:v4+s5+$0x0], $0xffff;
	[tilespmem:s6+$0xA300] =	vst v8;
	v8 =	vor.u32 $0xC, v1  }
0x10e: {  	s14 =	sand.u32 $0x70, s14;
	s11 =	sand.u32 $0x7C00, s19;
	v13 =	vld.idx.msk [tilespmem:v13+s5+$0x0], $0xffff;
	[tilespmem:s6+$0xA380] =	vst v7;
	v7 =	vor.u32 $0xD, v1  }
0x10f: {  	s11 =	sor.u32 s14, s11;
	v18 =	vor.u32 $0xE, v1;
	v6 =	vld.idx.msk [tilespmem:v6+s5+$0x0], $0xffff  }
0x110: {  	s15 =	simm.s32 $0x80;
	s16 =	simm.s32 $0x10;
	s11 =	sadd.s32 $0x7400, s11;
	v14 =	vld.idx.msk [tilespmem:v14+s5+$0x0], $0xffff;
	[tilespmem:s6+$0xF000] =	vst v2;
	v2 =	vor.u32 $0x4, v5  }
0x111: {  	s29 =	sand.u32 $0xFC00, s15;
	s30 =	sand.u32 $0x70, s16;
	v1 =	vor.u32 $0xF, v1;
	[tilespmem:s11+$0xA000] =	vst v9;
	v17 =	vld.idx.msk [tilespmem:v0+s5+$0x0], $0xffff  }
0x112: {  	s14 =	sor.u32 s30, s29;
	v0 =	vld.idx.msk [tilespmem:v8+s5+$0x0], $0xffff;
	[tilespmem:s6+$0xF080] =	vst v4;
	v4 =	vor.u32 $0x4, v10  }
0x113: {  	s14 =	sadd.s32 $0x7400, s14;
	v8 =	vld.idx.msk [tilespmem:v7+s5+$0x0], $0xffff;
	v7 =	vor.u32 $0x5, v5;
	[tilespmem:s6+$0xF100] =	vst v13  }
0x114: {  	[tilespmem:s14+$0xA000] =	vst v12;
	v13 =	vor.u32 $0x5, v10;
	v15 =	vld.idx.msk [tilespmem:v18+s5+$0x0], $0xffff  }
0x115: {  	v9 =	vor.u32 $0x6, v5;
	v2 =	vld.idx.msk [tilespmem:v2+s5+$0x0], $0xffff;
	[tilespmem:s6+$0xF180] =	vst v14  }
0x116: {  	v14 =	vor.u32 $0x6, v10;
	[tilespmem:s11+$0xA080] =	vst v3;
	v1 =	vld.idx.msk [tilespmem:v1+s5+$0x0], $0xffff  }
0x117: {  	v3 =	vld.idx.msk [tilespmem:v4+s5+$0x0], $0xffff;
	v4 =	vor.u32 $0x7, v5;
	[tilespmem:s14+$0xA080] =	vst v11  }
0x118: {  	v11 =	vor.u32 $0x7, v10;
	v7 =	vld.idx.msk [tilespmem:v7+s5+$0x0], $0xffff;
	[tilespmem:s11+$0xA100] =	vst v6  }
0x119: {  	v12 =	vor.u32 $0x8, v5;
	v6 =	vld.idx.msk [tilespmem:v13+s5+$0x0], $0xffff;
	[tilespmem:s14+$0xA100] =	vst v17  }
0x11a: {  	v13 =	vor.u32 $0x8, v10;
	v9 =	vld.idx.msk [tilespmem:v9+s5+$0x0], $0xffff;
	[tilespmem:s11+$0xA180] =	vst v19  }
0x11b: {  	v17 =	vld.idx.msk [tilespmem:v14+s5+$0x0], $0xffff;
	v14 =	vor.u32 $0x9, v5;
	[tilespmem:s14+$0xA180] =	vst v16  }
0x11c: {  	v18 =	vor.u32 $0x9, v10;
	v4 =	vld.idx.msk [tilespmem:v4+s5+$0x0], $0xffff;
	[tilespmem:s6+$0xF380] =	vst v1  }
0x11d: {  	v1 =	vor.u32 $0xA, v5;
	[tilespmem:s11+$0xA200] =	vst v2;
	v2 =	vld.idx.msk [tilespmem:v11+s5+$0x0], $0xffff  }
0x11e: {  	v19 =	vor.u32 $0xA, v10;
	[tilespmem:s14+$0xA200] =	vst v3;
	v12 =	vld.idx.msk [tilespmem:v12+s5+$0x0], $0xffff  }
0x11f: {  	v20 =	vor.u32 $0xB, v5;
	[tilespmem:s11+$0xA280] =	vst v7;
	v21 =	vld.idx.msk [tilespmem:v13+s5+$0x0], $0xffff  }
0x120: {  	v22 =	vor.u32 $0xB, v10;
	[tilespmem:s14+$0xA280] =	vst v6;
	v16 =	vld.idx.msk [tilespmem:v14+s5+$0x0], $0xffff  }
0x121: {  	v23 =	vor.u32 $0xC, v5;
	[tilespmem:s11+$0xA300] =	vst v9;
	v14 =	vld.idx.msk [tilespmem:v18+s5+$0x0], $0xffff  }
0x122: {  	[tilespmem:s14+$0xA300] =	vst v17;
	v11 =	vld.idx.msk [tilespmem:v1+s5+$0x0], $0xffff  }
0x123: {  	[tilespmem:s11+$0xA380] =	vst v4;
	v13 =	vld.idx.msk [tilespmem:v19+s5+$0x0], $0xffff  }
0x124: {  	v3 =	vor.u32 $0xD, v5;
	[tilespmem:s14+$0xA380] =	vst v2;
	v9 =	vld.idx.msk [tilespmem:v20+s5+$0x0], $0xffff  }
0x125: {  	v7 =	vor.u32 $0xC, v10;
	v6 =	vor.u32 $0xD, v10;
	v4 =	vor.u32 $0xE, v5;
	[tilespmem:s11+$0xF000] =	vst v12;
	v12 =	vld.idx.msk [tilespmem:v22+s5+$0x0], $0xffff  }
0x126: {  	s15 =	simm.s32 $0x0;
	s16 =	simm.s32 $0x6A50;
	v1 =	vor.u32 $0xF, v5;
	v5 =	vor.u32 $0xE, v10;
	v2 =	vor.u32 $0xF, v10;
	v10 =	vld.idx.msk [tilespmem:v23+s5+$0x0], $0xffff;
	[tilespmem:s14+$0xF000] =	vst v21  }
.LBB2_9:
0x127: {  	v17 =	vld [tilespmem:s16+$0x0];
	s15 =	sadd.s32 $0x3, s15;
	[tilespmem:s11+$0xF080] =	vst v16  }
0x128: {  	v16 =	vld [tilespmem:s16+$0xFFFFFFF0];
	p0 =	slt.u32 s15, $0x9C;
	[tilespmem:s6+$0xF300] =	vst v15  }
0x129: {  	v15 =	vld [tilespmem:s16+$0xFFFFFFE0];
	[tilespmem:s6+$0xF280] =	vst v8  }
0x12a: {  	v7 =	vld.idx.msk [tilespmem:v7+s5+$0x0], $0xffff;
	[tilespmem:s14+$0xF080] =	vst v14  }
0x12b: {  	v3 =	vld.idx.msk [tilespmem:v3+s5+$0x0], $0xffff;
	[tilespmem:s11+$0xF100] =	vst v11  }
0x12c: {  	v8 =	vshll.u32 v17, $0x4;
	v6 =	vld.idx.msk [tilespmem:v6+s5+$0x0], $0xffff;
	[tilespmem:s14+$0xF100] =	vst v13  }
0x12d: {  	v16 =	vshll.u32 v16, $0x4;
	v13 =	vor.u32 $0x1, v8;
	v4 =	vld.idx.msk [tilespmem:v4+s5+$0x0], $0xffff;
	[tilespmem:s11+$0xF180] =	vst v9  }
0x12e: {  	v18 =	vor.u32 $0x2, v8;
	v15 =	vshll.u32 v15, $0x4;
	v17 =	vor.u32 $0x1, v16;
	v5 =	vld.idx.msk [tilespmem:v5+s5+$0x0], $0xffff;
	[tilespmem:s14+$0xF180] =	vst v12  }
0x12f: {  	v21 =	vor.u32 $0x3, v8;
	v19 =	vor.u32 $0x1, v15;
	v20 =	vor.u32 $0x2, v15;
	v1 =	vld.idx.msk [tilespmem:v1+s5+$0x0], $0xffff;
	[tilespmem:s11+$0xF200] =	vst v10  }
0x130: {  	v23 =	vor.u32 $0x2, v16;
	v24 =	vor.u32 $0x3, v16;
	v22 =	vor.u32 $0x3, v15;
	v2 =	vld.idx.msk [tilespmem:v2+s5+$0x0], $0xffff;
	[tilespmem:s14+$0xF200] =	vst v7  }
0x131: {  	v26 =	vor.u32 $0x4, v16;
	v25 =	vor.u32 $0x4, v15;
	v14 =	vor.u32 $0x5, v15;
	v7 =	vld.idx.msk [tilespmem:v8+s5+$0x0], $0xffff;
	[tilespmem:s11+$0xF280] =	vst v3  }
0x132: {  	v27 =	vor.u32 $0x5, v16;
	v11 =	vor.u32 $0x6, v15;
	v10 =	vor.u32 $0x6, v16;
	v28 =	vld.idx.msk [tilespmem:v13+s5+$0x0], $0xffff;
	[tilespmem:s14+$0xF280] =	vst v6  }
0x133: {  	s8 =	sadd.s32 $0x30, s8;
	s10 =	sadd.s32 $0x180, s10;
	v29 =	vor.u32 $0x4, v8;
	v9 =	vor.u32 $0x7, v16;
	v12 =	vor.u32 $0x7, v15;
	v18 =	vld.idx.msk [tilespmem:v18+s5+$0x0], $0xffff;
	[tilespmem:s11+$0xF300] =	vst v4  }
0x134: {  	s17 =	sadd.s32 $0xFFFFFF00, s10;
	s29 =	sand.u32 $0xFC00, s10;
	s30 =	sand.u32 $0x70, s8;
	v31 =	vor.u32 $0x5, v8;
	v30 =	vor.u32 $0x8, v15;
	v13 =	vor.u32 $0x8, v16;
	v21 =	vld.idx.msk [tilespmem:v21+s5+$0x0], $0xffff;
	[tilespmem:s14+$0xF300] =	vst v5  }
0x135: {  	s19 =	sadd.s32 $0xFFFFFFE0, s8;
	s12 =	sadd.s32 $0xFFFFFF80, s10;
	s29 =	sor.u32 s30, s29;
	v35 =	vor.u32 $0x6, v8;
	v34 =	vor.u32 $0x9, v16;
	v33 =	vor.u32 $0x9, v15;
	v32 =	vld.idx.msk [tilespmem:v15+s5+$0x0], $0xffff;
	[tilespmem:s11+$0xF380] =	vst v1  }
0x136: {  	s29 =	sadd.s32 $0x7400, s29;
	v39 =	vor.u32 $0x7, v8;
	v38 =	vor.u32 $0xA, v16;
	v36 =	vor.u32 $0xA, v15;
	s11 =	sand.u32 $0x7C00, s17;
	s17 =	sadd.s32 $0xFFFFFFF0, s8;
	v37 =	vld.idx.msk [tilespmem:v16+s5+$0x0], $0xffff;
	[tilespmem:s14+$0xF380] =	vst v2  }
0x137: {  	s12 =	sand.u32 $0xFC00, s12;
	v42 =	vor.u32 $0xB, v16;
	v40 =	vor.u32 $0xB, v15;
	v41 =	vor.u32 $0xC, v15;
	s14 =	sand.u32 $0x70, s19;
	s17 =	sand.u32 $0x70, s17;
	v19 =	vld.idx.msk [tilespmem:v19+s5+$0x0], $0xffff;
	[tilespmem:s29+$0xA000] =	vst v7  }
0x138: {  	v3 =	vor.u32 $0xD, v15;
	v6 =	vor.u32 $0xD, v16;
	s11 =	sor.u32 s14, s11;
	s12 =	sor.u32 s17, s12;
	v7 =	vor.u32 $0xC, v16;
	v29 =	vld.idx.msk [tilespmem:v29+s5+$0x0], $0xffff;
	[tilespmem:s29+$0xA080] =	vst v28  }
0x139: {  	v4 =	vor.u32 $0xE, v15;
	v5 =	vor.u32 $0xE, v16;
	v1 =	vor.u32 $0xF, v15;
	s11 =	sadd.s32 $0x7400, s11;
	s14 =	sadd.s32 $0x7400, s12;
	v15 =	vld.idx.msk [tilespmem:v31+s5+$0x0], $0xffff;
	[tilespmem:s29+$0xA100] =	vst v18  }
0x13a: {  	v2 =	vor.u32 $0xF, v16;
	v18 =	vor.u32 $0x8, v8;
	v16 =	vld.idx.msk [tilespmem:v35+s5+$0x0], $0xffff;
	[tilespmem:s29+$0xA180] =	vst v21  }
0x13b: {  	v28 =	vor.u32 $0x9, v8;
	v21 =	vld.idx.msk [tilespmem:v39+s5+$0x0], $0xffff;
	[tilespmem:s6+$0xF200] =	vst v0;
	s6 =	smov.u32 s29  }
0x13c: {  	v0 =	vor.u32 $0xA, v8;
	v17 =	vld.idx.msk [tilespmem:v17+s5+$0x0], $0xffff  }
0x13d: {  	v31 =	vor.u32 $0xB, v8;
	v20 =	vld.idx.msk [tilespmem:v20+s5+$0x0], $0xffff  }
0x13e: {  	v23 =	vld.idx.msk [tilespmem:v23+s5+$0x0], $0xffff;
	[tilespmem:s6+$0xA200] =	vst v29  }
0x13f: {  	v18 =	vld.idx.msk [tilespmem:v18+s5+$0x0], $0xffff;
	[tilespmem:s6+$0xA280] =	vst v15  }
0x140: {  	v15 =	vld.idx.msk [tilespmem:v28+s5+$0x0], $0xffff;
	[tilespmem:s6+$0xA300] =	vst v16  }
0x141: {  	v16 =	vld.idx.msk [tilespmem:v0+s5+$0x0], $0xffff;
	[tilespmem:s6+$0xA380] =	vst v21;
	v0 =	vor.u32 $0xC, v8  }
0x142: {  	v28 =	vor.u32 $0xD, v8;
	v21 =	vld.idx.msk [tilespmem:v31+s5+$0x0], $0xffff  }
0x143: {  	v29 =	vor.u32 $0xE, v8;
	v22 =	vld.idx.msk [tilespmem:v22+s5+$0x0], $0xffff;
	[tilespmem:s11+$0xA000] =	vst v32  }
0x144: {  	v31 =	vor.u32 $0xF, v8;
	v24 =	vld.idx.msk [tilespmem:v24+s5+$0x0], $0xffff;
	[tilespmem:s14+$0xA000] =	vst v37  }
0x145: {  	v25 =	vld.idx.msk [tilespmem:v25+s5+$0x0], $0xffff;
	[tilespmem:s6+$0xF000] =	vst v18  }
0x146: {  	v0 =	vld.idx.msk [tilespmem:v0+s5+$0x0], $0xffff;
	[tilespmem:s6+$0xF080] =	vst v15  }
0x147: {  	v8 =	vld.idx.msk [tilespmem:v28+s5+$0x0], $0xffff;
	[tilespmem:s6+$0xF100] =	vst v16  }
0x148: {  	v15 =	vld.idx.msk [tilespmem:v29+s5+$0x0], $0xffff;
	[tilespmem:s6+$0xF180] =	vst v21  }
0x149: {  	[tilespmem:s11+$0xA080] =	vst v19;
	v16 =	vld.idx.msk [tilespmem:v31+s5+$0x0], $0xffff  }
0x14a: {  	v18 =	vld.idx.msk [tilespmem:v26+s5+$0x0], $0xffff;
	[tilespmem:s14+$0xA080] =	vst v17  }
0x14b: {  	v14 =	vld.idx.msk [tilespmem:v14+s5+$0x0], $0xffff;
	[tilespmem:s11+$0xA100] =	vst v20  }
0x14c: {  	v17 =	vld.idx.msk [tilespmem:v27+s5+$0x0], $0xffff;
	[tilespmem:s14+$0xA100] =	vst v23  }
0x14d: {  	v11 =	vld.idx.msk [tilespmem:v11+s5+$0x0], $0xffff;
	[tilespmem:s11+$0xA180] =	vst v22  }
0x14e: {  	v10 =	vld.idx.msk [tilespmem:v10+s5+$0x0], $0xffff;
	[tilespmem:s14+$0xA180] =	vst v24  }
0x14f: {  	v12 =	vld.idx.msk [tilespmem:v12+s5+$0x0], $0xffff;
	[tilespmem:s6+$0xF380] =	vst v16  }
0x150: {  	[tilespmem:s11+$0xA200] =	vst v25;
	v19 =	vld.idx.msk [tilespmem:v9+s5+$0x0], $0xffff  }
0x151: {  	v20 =	vld.idx.msk [tilespmem:v30+s5+$0x0], $0xffff;
	[tilespmem:s14+$0xA200] =	vst v18  }
0x152: {  	[tilespmem:s11+$0xA280] =	vst v14;
	v18 =	vld.idx.msk [tilespmem:v13+s5+$0x0], $0xffff  }
0x153: {  	v16 =	vld.idx.msk [tilespmem:v33+s5+$0x0], $0xffff;
	[tilespmem:s14+$0xA280] =	vst v17  }
0x154: {  	[tilespmem:s11+$0xA300] =	vst v11;
	v14 =	vld.idx.msk [tilespmem:v34+s5+$0x0], $0xffff  }
.Ltmp6:
0x155: {  	v11 =	vld.idx.msk [tilespmem:v36+s5+$0x0], $0xffff;
	[tilespmem:s14+$0xA300] =	vst v10;
	(pc) =	sbr.rel @p0 .LBB2_9-.Ltmp6, $4  }
0x156: {  	[tilespmem:s11+$0xA380] =	vst v12;
	v13 =	vld.idx.msk [tilespmem:v38+s5+$0x0], $0xffff  }
0x157: {  	v9 =	vld.idx.msk [tilespmem:v40+s5+$0x0], $0xffff;
	[tilespmem:s14+$0xA380] =	vst v19  }
0x158: {  	[tilespmem:s11+$0xF000] =	vst v20;
	v12 =	vld.idx.msk [tilespmem:v42+s5+$0x0], $0xffff  }
0x159: {  	s16 =	sadd.s32 $0x30, s16;
	v10 =	vld.idx.msk [tilespmem:v41+s5+$0x0], $0xffff;
	[tilespmem:s14+$0xF000] =	vst v18  }
0x15a: {  	_ = 	snop  }
0x15b: {  	[tilespmem:s11+$0xF080] =	vst v16  }
0x15c: {  	[tilespmem:s6+$0xF300] =	vst v15  }
0x15d: {  	[tilespmem:s6+$0xF280] =	vst v8  }
0x15e: {  	v7 =	vld.idx.msk [tilespmem:v7+s5+$0x0], $0xffff;
	[tilespmem:s14+$0xF080] =	vst v14  }
0x15f: {  	[tilespmem:s6+$0xF200] =	vst v0  }
0x160: {  	v3 =	vld.idx.msk [tilespmem:v3+s5+$0x0], $0xffff;
	[tilespmem:s11+$0xF100] =	vst v11  }
0x161: {  	v6 =	vld.idx.msk [tilespmem:v6+s5+$0x0], $0xffff;
	[tilespmem:s14+$0xF100] =	vst v13  }
0x162: {  	v4 =	vld.idx.msk [tilespmem:v4+s5+$0x0], $0xffff;
	[tilespmem:s11+$0xF180] =	vst v9  }
0x163: {  	v5 =	vld.idx.msk [tilespmem:v5+s5+$0x0], $0xffff;
	[tilespmem:s14+$0xF180] =	vst v12  }
0x164: {  	v1 =	vld.idx.msk [tilespmem:v1+s5+$0x0], $0xffff;
	[tilespmem:s11+$0xF200] =	vst v10  }
0x165: {  	v2 =	vld.idx.msk [tilespmem:v2+s5+$0x0], $0xffff;
	[tilespmem:s14+$0xF200] =	vst v7  }
0x166: {  	[tilespmem:s11+$0xF280] =	vst v3  }
0x167: {  	[tilespmem:s14+$0xF280] =	vst v6  }
0x168: {  	[tilespmem:s11+$0xF300] =	vst v4  }
0x169: {  	[tilespmem:s14+$0xF300] =	vst v5  }
0x16a: {  	[tilespmem:s11+$0xF380] =	vst v1  }
0x16b: {  	[tilespmem:s14+$0xF380] =	vst v2  }
0x16c: {  	v0 =	vld [tilespmem:$0x73F0];
	_ =	sdelay $0x4  }
0x16d: {  	v0 =	vshll.u32 v0, $0x4  }
0x16e: {  	v50 =	vor.u32 $0x1, v0  }
0x16f: {  	v51 =	vor.u32 $0x2, v0  }
0x170: {  	v52 =	vor.u32 $0x3, v0;
	_ =	sdelay $0x1  }
0x171: {  	v4 =	vld.idx.msk [tilespmem:v0+s5+$0x0], $0xffff  }
0x172: {  	v53 =	vor.u32 $0x4, v0;
	v1 =	vld.idx.msk [tilespmem:v50+s5+$0x0], $0xffff  }
0x173: {  	v54 =	vor.u32 $0x5, v0;
	v2 =	vld.idx.msk [tilespmem:v51+s5+$0x0], $0xffff  }
0x174: {  	v55 =	vor.u32 $0x6, v0;
	v3 =	vld.idx.msk [tilespmem:v52+s5+$0x0], $0xffff  }
0x175: {  	v56 =	vor.u32 $0x7, v0  }
0x176: {  	[tilespmem:$0x16070] =	vst v4  }
0x177: {  	v5 =	vld.idx.msk [tilespmem:v53+s5+$0x0], $0xffff;
	[tilespmem:$0x160F0] =	vst v1  }
0x178: {  	v57 =	vor.u32 $0x8, v0;
	v6 =	vld.idx.msk [tilespmem:v54+s5+$0x0], $0xffff;
	[tilespmem:$0x16170] =	vst v2  }
0x179: {  	v58 =	vor.u32 $0x9, v0;
	v4 =	vld.idx.msk [tilespmem:v55+s5+$0x0], $0xffff;
	[tilespmem:$0x161F0] =	vst v3  }
0x17a: {  	v59 =	vor.u32 $0xA, v0;
	v1 =	vld.idx.msk [tilespmem:v56+s5+$0x0], $0xffff  }
0x17b: {  	v60 =	vor.u32 $0xB, v0  }
0x17c: {  	[tilespmem:$0x16270] =	vst v5  }
0x17d: {  	s0 =	sor.u32 $0x20, s0;
	v2 =	vld.idx.msk [tilespmem:v57+s5+$0x0], $0xffff;
	[tilespmem:$0x162F0] =	vst v6  }
0x17e: {  	p0 =	slt.s32 s0, $0xB3;
	v61 =	vor.u32 $0xC, v0;
	v3 =	vld.idx.msk [tilespmem:v58+s5+$0x0], $0xffff;
	[tilespmem:$0x16370] =	vst v4  }
0x17f: {  	s0 =	simm.s32 @!p0 $0xB3;
	v62 =	vor.u32 $0xD, v0;
	v5 =	vld.idx.msk [tilespmem:v59+s5+$0x0], $0xffff;
	[tilespmem:$0x163F0] =	vst v1  }
0x180: {  	s30 =	smulhi.u32 $0xCCCCCCCD, s0;
	v63 =	vor.u32 $0xE, v0;
	v6 =	vld.idx.msk [tilespmem:v60+s5+$0x0], $0xffff  }
0x181: {  	v0 =	vor.u32 $0xF, v0  }
0x182: {  	s6 =	sshrl.u32 s30, $0x4;
	[tilespmem:$0x1B070] =	vst v2  }
0x183: {  	s8 =	smul.u32 $0x14, s6;
	v4 =	vld.idx.msk [tilespmem:v61+s5+$0x0], $0xffff;
	[tilespmem:$0x1B0F0] =	vst v3  }
0x184: {  	v1 =	vld.idx.msk [tilespmem:v62+s5+$0x0], $0xffff;
	[tilespmem:$0x1B170] =	vst v5  }
0x185: {  	s0 =	ssub.s32 s0, s8;
	v2 =	vld.idx.msk [tilespmem:v63+s5+$0x0], $0xffff;
	[tilespmem:$0x1B1F0] =	vst v6  }
0x186: {  	s0 =	smul.u32 $0xA00, s0;
	v0 =	vld.idx.msk [tilespmem:v0+s5+$0x0], $0xffff  }
0x187: {  	s6 =	smul.u32 $0x18700, s6  }
0x188: {  	s0 =	smin.u32 s0, $0xB980;
	[tilespmem:$0x1B270] =	vst v4  }
0x189: {  	p0 =	seq.s32 s31, $0x2;
	s0 =	sadd.s32 s6, s0;
	[tilespmem:$0x1B2F0] =	vst v1  }
.Ltmp7:
0x18a: {  	s6 =	sand.u32 $0x1FFFFF80, s0;
	s0 =	sadd.s32 $0xC380, s0;
	[tilespmem:$0x1B370] =	vst v2;
	(pc) =	sbr.rel @p0 .LBB2_12-.Ltmp7, $4  }
0x18b: {  	s6 =	sadd.s32 s3, s6;
	s0 =	sand.u32 $0x1FFFFF80, s0;
	[tilespmem:$0x1B3F0] =	vst v0  }
0x18c: {  	[hbm4b:s6+s5] =	stream.linear.scatter [tilespmem:s26], [sflag:$0x4], $0x5000, $0x38;
	[tilespmem:$0x1B400] =	vst v63  }
0x18d: {  	s0 =	sadd.s32 s3, s0  }
0x18e: {  	[hbm4b:s0+s5] =	stream.linear.scatter [tilespmem:s28], [sflag:$0x4], $0x5000, $0x38;
	[tilespmem:$0x1B400] =	vst v63  }
0x18f: {  	s0 =	sadd.s32 s13, s2  }
0x190: {  	p0 =	slt.s32 s0, $0xB3  }
0x191: {  	s0 =	simm.s32 @!p0 $0xB3  }
0x192: {  	s30 =	smulhi.u32 $0xCCCCCCCD, s0;
	_ =	sdelay $0x1  }
0x193: {  	s2 =	sshrl.u32 s30, $0x4  }
0x194: {  	s6 =	smul.u32 $0x14, s2;
	_ =	sdelay $0x1  }
0x195: {  	s0 =	ssub.s32 s0, s6  }
0x196: {  	s0 =	smul.u32 $0xA00, s0  }
0x197: {  	s2 =	smul.u32 $0xC380, s2  }
.Ltmp8:
0x198: {  	s0 =	smin.u32 s0, $0xB980;
	(pc) =	sbr.rel .LBB2_2-.Ltmp8, $4  }
0x199: {  	s0 =	sadd.s32 s2, s0  }
0x19a: {  	s0 =	sshrl.u32 s0, $0x3  }
0x19b: {  	s31 =	sadd.s32 $0x1, s31;
	s0 =	sadd.s32 s7, s0  }
0x19c: {  	[tilespmem:s20], [sflag:$0x2] =	stream.linear.gather [hbm4b:s0+s5], $0xA00, $0x38;
	[tilespmem:$0x1B400] =	vst v63  }
.LBB2_12:
0x19d: {  	s0 =	simm.s32 $0x3  }
0x19e: {  	_ =	swait.ge [sflag:s0], $0x5000  }
0x19f: {  	[sflag:s0] =	ssyncset.done $0x0  }
0x1a0: {  	[sflag:s0] =	ssyncadd.s32 $0xFFFFB000  }
0x1a1: {  	_ =	swait.ge [sflag:s0], $0x5000  }
0x1a2: {  	[sflag:s0] =	ssyncset.done $0x0  }
0x1a3: {  	[sflag:s0] =	ssyncadd.s32 $0xFFFFB000  }
0x1a4: {  	_ =	swait.ge [sflag:s25], $0x5000  }
0x1a5: {  	[sflag:s25] =	ssyncset.done $0x0  }
0x1a6: {  	[sflag:s25] =	ssyncadd.s32 $0xFFFFB000  }
0x1a7: {  	_ =	swait.ge [sflag:s25], $0x5000  }
0x1a8: {  	s31 =	simm.s32 $0x0;
	[sflag:s25] =	ssyncset.done $0x0  }
0x1a9: {  	s2 =	simm.s32 $0x6000;
	s29 =	rddreg [dreg:$0x9];
	[sflag:s25] =	ssyncadd.s32 $0xFFFFB000  }
0x1aa: {  	[tilespmem:s2], [sflag:$0x1] =	stream.linear.gather [hbm4b:s29+s31], $0xA00, $0x38;
	[tilespmem:$0x1B400] =	vst v63  }
0x1ab: {  	s30 =	rddreg [dreg:$0xa]  }
0x1ac: {  	[tilespmem:s20], [sflag:$0x2] =	stream.linear.gather [hbm4b:s30+s31], $0xA00, $0x38;
	[tilespmem:$0x1B400] =	vst v63  }
.LBB2_13:
0x1ad: {  	_ =	swait.ge [sflag:s21], $0xA00  }
0x1ae: {  	p0 =	seq.s32 s31, $0x0;
	[sflag:s21] =	ssyncset.done $0x0  }
0x1af: {  	s0 =	simm.s32 @!p0 $0x3;
	[sflag:s21] =	ssyncadd.s32 $0xFFFFF600  }
0x1b0: {  	_ =	swait.ge @!p0 [sflag:s0], $0x5000  }
0x1b1: {  	[sflag:s0] =	ssyncset.done @!p0 $0x0  }
0x1b2: {  	[sflag:s0] =	ssyncadd.s32 @!p0 $0xFFFFB000  }
0x1b3: {  	_ =	swait.ge @!p0 [sflag:s0], $0x5000  }
0x1b4: {  	[sflag:s0] =	ssyncset.done @!p0 $0x0  }
0x1b5: {  	s16 =	simm.s32 $0x6020;
	[sflag:s0] =	ssyncadd.s32 @!p0 $0xFFFFB000  }
0x1b6: {  	v0 =	vld [tilespmem:s16+$0x0]  }
0x1b7: {  	v3 =	vld [tilespmem:s16+$0xFFFFFFF0];
	_ =	sdelay $0x3  }
0x1b8: {  	v1 =	vshll.u32 v0, $0x4  }
0x1b9: {  	v13 =	vshll.u32 v3, $0x4  }
0x1ba: {  	v0 =	vor.u32 $0x1, v1  }
0x1bb: {  	v2 =	vor.u32 $0x2, v1  }
0x1bc: {  	v6 =	vld [tilespmem:s16+$0xFFFFFFE0];
	v4 =	vor.u32 $0x3, v1  }
0x1bd: {  	v10 =	vor.u32 $0x1, v13;
	v5 =	vld.idx.msk [tilespmem:v1+s18+$0x0], $0xffff  }
0x1be: {  	v7 =	vor.u32 $0x4, v1;
	v12 =	vld.idx.msk [tilespmem:v13+s18+$0x0], $0xffff  }
0x1bf: {  	s6 =	simm.s32 $0x20;
	s8 =	simm.s32 $0x100;
	v16 =	vor.u32 $0x3, v13;
	v0 =	vld.idx.msk [tilespmem:v0+s18+$0x0], $0xffff  }
0x1c0: {  	s17 =	sand.u32 $0xFC00, s8;
	s2 =	sand.u32 $0x70, s6;
	v8 =	vor.u32 $0x5, v1;
	v2 =	vld.idx.msk [tilespmem:v2+s18+$0x0], $0xffff  }
0x1c1: {  	s0 =	sor.u32 s2, s17;
	v9 =	vor.u32 $0x6, v1;
	v4 =	vld.idx.msk [tilespmem:v4+s18+$0x0], $0xffff  }
0x1c2: {  	v10 =	vld.idx.msk [tilespmem:v10+s18+$0x0], $0xffff;
	[tilespmem:s0+$0x7400] =	vst v5;
	v5 =	vshll.u32 v6, $0x4  }
0x1c3: {  	v6 =	vld.idx.msk [tilespmem:v7+s18+$0x0], $0xffff;
	v7 =	vor.u32 $0x7, v1  }
0x1c4: {  	v16 =	vld.idx.msk [tilespmem:v16+s18+$0x0], $0xffff;
	[tilespmem:s0+$0x7480] =	vst v0;
	v3 =	vor.u32 $0x1, v5  }
0x1c5: {  	v0 =	vld.idx.msk [tilespmem:v8+s18+$0x0], $0xffff;
	[tilespmem:s0+$0x7500] =	vst v2;
	v2 =	vor.u32 $0x8, v1  }
0x1c6: {  	v15 =	vor.u32 $0x3, v5;
	v8 =	vld.idx.msk [tilespmem:v9+s18+$0x0], $0xffff  }
0x1c7: {  	[tilespmem:s0+$0x7580] =	vst v4;
	v4 =	vor.u32 $0x9, v1;
	v9 =	vld.idx.msk [tilespmem:v5+s18+$0x0], $0xffff  }
0x1c8: {  	v11 =	vor.u32 $0xA, v1;
	v7 =	vld.idx.msk [tilespmem:v7+s18+$0x0], $0xffff  }
0x1c9: {  	[tilespmem:s0+$0x7600] =	vst v6;
	v6 =	vor.u32 $0x2, v5;
	v3 =	vld.idx.msk [tilespmem:v3+s18+$0x0], $0xffff  }
0x1ca: {  	v14 =	vor.u32 $0xB, v1;
	v2 =	vld.idx.msk [tilespmem:v2+s18+$0x0], $0xffff  }
0x1cb: {  	v15 =	vld.idx.msk [tilespmem:v15+s18+$0x0], $0xffff;
	[tilespmem:s0+$0x7680] =	vst v0;
	v0 =	vor.u32 $0x2, v13  }
0x1cc: {  	v4 =	vld.idx.msk [tilespmem:v4+s18+$0x0], $0xffff;
	[tilespmem:s0+$0x7700] =	vst v8;
	v8 =	vor.u32 $0xC, v1  }
0x1cd: {  	s19 =	simm.s32 $0x0;
	s10 =	simm.s32 $0x0;
	v11 =	vld.idx.msk [tilespmem:v11+s18+$0x0], $0xffff;
	[tilespmem:s0+$0x7780] =	vst v7;
	v7 =	vor.u32 $0xD, v1  }
0x1ce: {  	s10 =	sand.u32 $0x70, s10;
	s2 =	sand.u32 $0x7C00, s19;
	v18 =	vor.u32 $0xE, v1;
	v6 =	vld.idx.msk [tilespmem:v6+s18+$0x0], $0xffff  }
0x1cf: {  	s10 =	sor.u32 s10, s2;
	v14 =	vld.idx.msk [tilespmem:v14+s18+$0x0], $0xffff;
	[tilespmem:s0+$0xC400] =	vst v2;
	v2 =	vor.u32 $0x4, v5  }
0x1d0: {  	s11 =	simm.s32 $0x80;
	s12 =	simm.s32 $0x10;
	v1 =	vor.u32 $0xF, v1;
	[tilespmem:s10+$0x7400] =	vst v9;
	v17 =	vld.idx.msk [tilespmem:v0+s18+$0x0], $0xffff  }
0x1d1: {  	s29 =	sand.u32 $0xFC00, s11;
	s30 =	sand.u32 $0x70, s12;
	v0 =	vld.idx.msk [tilespmem:v8+s18+$0x0], $0xffff;
	[tilespmem:s0+$0xC480] =	vst v4;
	v4 =	vor.u32 $0x4, v13  }
0x1d2: {  	s11 =	sor.u32 s30, s29;
	v8 =	vld.idx.msk [tilespmem:v7+s18+$0x0], $0xffff;
	v7 =	vor.u32 $0x5, v5;
	[tilespmem:s0+$0xC500] =	vst v11  }
0x1d3: {  	v19 =	vor.u32 $0x5, v13;
	[tilespmem:s11+$0x7400] =	vst v12;
	v11 =	vld.idx.msk [tilespmem:v18+s18+$0x0], $0xffff  }
0x1d4: {  	v9 =	vor.u32 $0x6, v5;
	v2 =	vld.idx.msk [tilespmem:v2+s18+$0x0], $0xffff;
	[tilespmem:s0+$0xC580] =	vst v14  }
0x1d5: {  	v14 =	vor.u32 $0x6, v13;
	[tilespmem:s10+$0x7480] =	vst v3;
	v1 =	vld.idx.msk [tilespmem:v1+s18+$0x0], $0xffff  }
0x1d6: {  	v3 =	vld.idx.msk [tilespmem:v4+s18+$0x0], $0xffff;
	v4 =	vor.u32 $0x7, v5;
	[tilespmem:s11+$0x7480] =	vst v10  }
0x1d7: {  	v10 =	vor.u32 $0x7, v13;
	v7 =	vld.idx.msk [tilespmem:v7+s18+$0x0], $0xffff;
	[tilespmem:s10+$0x7500] =	vst v6  }
0x1d8: {  	v12 =	vor.u32 $0x8, v5;
	v6 =	vld.idx.msk [tilespmem:v19+s18+$0x0], $0xffff;
	[tilespmem:s11+$0x7500] =	vst v17  }
0x1d9: {  	v17 =	vor.u32 $0x8, v13;
	v9 =	vld.idx.msk [tilespmem:v9+s18+$0x0], $0xffff;
	[tilespmem:s10+$0x7580] =	vst v15  }
0x1da: {  	v14 =	vld.idx.msk [tilespmem:v14+s18+$0x0], $0xffff;
	v15 =	vor.u32 $0x9, v5;
	[tilespmem:s11+$0x7580] =	vst v16  }
0x1db: {  	v18 =	vor.u32 $0x9, v13;
	v4 =	vld.idx.msk [tilespmem:v4+s18+$0x0], $0xffff;
	[tilespmem:s0+$0xC780] =	vst v1  }
0x1dc: {  	v1 =	vor.u32 $0xA, v5;
	[tilespmem:s10+$0x7600] =	vst v2;
	v2 =	vld.idx.msk [tilespmem:v10+s18+$0x0], $0xffff  }
0x1dd: {  	v19 =	vor.u32 $0xA, v13;
	[tilespmem:s11+$0x7600] =	vst v3;
	v12 =	vld.idx.msk [tilespmem:v12+s18+$0x0], $0xffff  }
0x1de: {  	v20 =	vor.u32 $0xB, v5;
	[tilespmem:s10+$0x7680] =	vst v7;
	v17 =	vld.idx.msk [tilespmem:v17+s18+$0x0], $0xffff  }
0x1df: {  	v21 =	vor.u32 $0xB, v13;
	[tilespmem:s11+$0x7680] =	vst v6;
	v16 =	vld.idx.msk [tilespmem:v15+s18+$0x0], $0xffff  }
0x1e0: {  	v22 =	vor.u32 $0xC, v5;
	[tilespmem:s10+$0x7700] =	vst v9;
	v15 =	vld.idx.msk [tilespmem:v18+s18+$0x0], $0xffff  }
0x1e1: {  	[tilespmem:s11+$0x7700] =	vst v14;
	v10 =	vld.idx.msk [tilespmem:v1+s18+$0x0], $0xffff  }
0x1e2: {  	[tilespmem:s10+$0x7780] =	vst v4;
	v14 =	vld.idx.msk [tilespmem:v19+s18+$0x0], $0xffff  }
0x1e3: {  	v3 =	vor.u32 $0xD, v5;
	[tilespmem:s11+$0x7780] =	vst v2;
	v9 =	vld.idx.msk [tilespmem:v20+s18+$0x0], $0xffff  }
0x1e4: {  	v7 =	vor.u32 $0xC, v13;
	v6 =	vor.u32 $0xD, v13;
	v4 =	vor.u32 $0xE, v5;
	[tilespmem:s10+$0xC400] =	vst v12;
	v12 =	vld.idx.msk [tilespmem:v21+s18+$0x0], $0xffff  }
0x1e5: {  	s14 =	simm.s32 $0x0;
	s15 =	simm.s32 $0x6050;
	s2 =	sshll.u32 s31, $0x6;
	v1 =	vor.u32 $0xF, v5;
	v5 =	vor.u32 $0xE, v13;
	v2 =	vor.u32 $0xF, v13;
	v13 =	vld.idx.msk [tilespmem:v22+s18+$0x0], $0xffff;
	[tilespmem:s11+$0xC400] =	vst v17  }
.LBB2_14:
0x1e6: {  	v17 =	vld [tilespmem:s15+$0x0];
	s14 =	sadd.s32 $0x3, s14;
	[tilespmem:s10+$0xC480] =	vst v16  }
0x1e7: {  	v16 =	vld [tilespmem:s15+$0xFFFFFFF0];
	p1 =	slt.u32 s14, $0x9C;
	[tilespmem:s0+$0xC700] =	vst v11  }
0x1e8: {  	v11 =	vld [tilespmem:s15+$0xFFFFFFE0];
	[tilespmem:s0+$0xC680] =	vst v8  }
0x1e9: {  	v7 =	vld.idx.msk [tilespmem:v7+s18+$0x0], $0xffff;
	[tilespmem:s11+$0xC480] =	vst v15  }
0x1ea: {  	v3 =	vld.idx.msk [tilespmem:v3+s18+$0x0], $0xffff;
	[tilespmem:s10+$0xC500] =	vst v10  }
0x1eb: {  	v8 =	vshll.u32 v17, $0x4;
	v6 =	vld.idx.msk [tilespmem:v6+s18+$0x0], $0xffff;
	[tilespmem:s11+$0xC500] =	vst v14  }
0x1ec: {  	v14 =	vshll.u32 v16, $0x4;
	v10 =	vor.u32 $0x1, v8;
	v4 =	vld.idx.msk [tilespmem:v4+s18+$0x0], $0xffff;
	[tilespmem:s10+$0xC580] =	vst v9  }
0x1ed: {  	v16 =	vor.u32 $0x2, v8;
	v11 =	vshll.u32 v11, $0x4;
	v15 =	vor.u32 $0x1, v14;
	v5 =	vld.idx.msk [tilespmem:v5+s18+$0x0], $0xffff;
	[tilespmem:s11+$0xC580] =	vst v12  }
0x1ee: {  	v18 =	vor.u32 $0x3, v8;
	v12 =	vor.u32 $0x1, v11;
	v17 =	vor.u32 $0x2, v11;
	v1 =	vld.idx.msk [tilespmem:v1+s18+$0x0], $0xffff;
	[tilespmem:s10+$0xC600] =	vst v13  }
0x1ef: {  	v19 =	vor.u32 $0x2, v14;
	v20 =	vor.u32 $0x3, v14;
	v13 =	vor.u32 $0x3, v11;
	v2 =	vld.idx.msk [tilespmem:v2+s18+$0x0], $0xffff;
	[tilespmem:s11+$0xC600] =	vst v7  }
0x1f0: {  	v23 =	vor.u32 $0x4, v14;
	v21 =	vor.u32 $0x4, v11;
	v22 =	vor.u32 $0x5, v11;
	v7 =	vld.idx.msk [tilespmem:v8+s18+$0x0], $0xffff;
	[tilespmem:s10+$0xC680] =	vst v3  }
0x1f1: {  	v25 =	vor.u32 $0x5, v14;
	v26 =	vor.u32 $0x6, v14;
	v24 =	vor.u32 $0x6, v11;
	v27 =	vld.idx.msk [tilespmem:v10+s18+$0x0], $0xffff;
	[tilespmem:s11+$0xC680] =	vst v6  }
0x1f2: {  	v29 =	vor.u32 $0x4, v8;
	v9 =	vor.u32 $0x7, v14;
	v28 =	vor.u32 $0x7, v11;
	v16 =	vld.idx.msk [tilespmem:v16+s18+$0x0], $0xffff;
	[tilespmem:s10+$0xC700] =	vst v4  }
0x1f3: {  	s6 =	sadd.s32 $0x30, s6;
	s8 =	sadd.s32 $0x180, s8;
	v31 =	vor.u32 $0x5, v8;
	v30 =	vor.u32 $0x8, v11;
	v10 =	vor.u32 $0x8, v14;
	v18 =	vld.idx.msk [tilespmem:v18+s18+$0x0], $0xffff;
	[tilespmem:s11+$0xC700] =	vst v5  }
0x1f4: {  	s12 =	sadd.s32 $0xFFFFFF00, s8;
	s16 =	sand.u32 $0xFC00, s8;
	s17 =	sand.u32 $0x70, s6;
	v35 =	vor.u32 $0x6, v8;
	v34 =	vor.u32 $0x9, v14;
	v33 =	vor.u32 $0x9, v11;
	v32 =	vld.idx.msk [tilespmem:v11+s18+$0x0], $0xffff;
	[tilespmem:s10+$0xC780] =	vst v1  }
0x1f5: {  	s19 =	sadd.s32 $0xFFFFFF80, s8;
	s16 =	sor.u32 s17, s16;
	v39 =	vor.u32 $0x7, v8;
	v38 =	vor.u32 $0xA, v14;
	v36 =	vor.u32 $0xA, v11;
	s10 =	sadd.s32 $0xFFFFFFE0, s6;
	v37 =	vld.idx.msk [tilespmem:v14+s18+$0x0], $0xffff;
	[tilespmem:s11+$0xC780] =	vst v2  }
0x1f6: {  	v42 =	vor.u32 $0xB, v14;
	v40 =	vor.u32 $0xB, v11;
	v41 =	vor.u32 $0xC, v11;
	s11 =	sand.u32 $0x7C00, s12;
	s10 =	sand.u32 $0x70, s10;
	s12 =	sadd.s32 $0xFFFFFFF0, s6;
	v12 =	vld.idx.msk [tilespmem:v12+s18+$0x0], $0xffff;
	[tilespmem:s16+$0x7400] =	vst v7  }
0x1f7: {  	v3 =	vor.u32 $0xD, v11;
	v6 =	vor.u32 $0xD, v14;
	s10 =	sor.u32 s10, s11;
	s11 =	sand.u32 $0xFC00, s19;
	s12 =	sand.u32 $0x70, s12;
	v7 =	vor.u32 $0xC, v14;
	v29 =	vld.idx.msk [tilespmem:v29+s18+$0x0], $0xffff;
	[tilespmem:s16+$0x7480] =	vst v27  }
0x1f8: {  	v4 =	vor.u32 $0xE, v11;
	v5 =	vor.u32 $0xE, v14;
	v1 =	vor.u32 $0xF, v11;
	s11 =	sor.u32 s12, s11;
	v11 =	vld.idx.msk [tilespmem:v31+s18+$0x0], $0xffff;
	[tilespmem:s16+$0x7500] =	vst v16  }
0x1f9: {  	v2 =	vor.u32 $0xF, v14;
	v16 =	vor.u32 $0x8, v8;
	v14 =	vld.idx.msk [tilespmem:v35+s18+$0x0], $0xffff;
	[tilespmem:s16+$0x7580] =	vst v18  }
0x1fa: {  	v27 =	vor.u32 $0x9, v8;
	v18 =	vld.idx.msk [tilespmem:v39+s18+$0x0], $0xffff;
	[tilespmem:s0+$0xC600] =	vst v0;
	s0 =	smov.u32 s16  }
0x1fb: {  	v0 =	vor.u32 $0xA, v8;
	v15 =	vld.idx.msk [tilespmem:v15+s18+$0x0], $0xffff  }
0x1fc: {  	v31 =	vor.u32 $0xB, v8;
	v17 =	vld.idx.msk [tilespmem:v17+s18+$0x0], $0xffff  }
0x1fd: {  	v19 =	vld.idx.msk [tilespmem:v19+s18+$0x0], $0xffff;
	[tilespmem:s0+$0x7600] =	vst v29  }
0x1fe: {  	v16 =	vld.idx.msk [tilespmem:v16+s18+$0x0], $0xffff;
	[tilespmem:s0+$0x7680] =	vst v11  }
0x1ff: {  	v11 =	vld.idx.msk [tilespmem:v27+s18+$0x0], $0xffff;
	[tilespmem:s0+$0x7700] =	vst v14  }
0x200: {  	v14 =	vld.idx.msk [tilespmem:v0+s18+$0x0], $0xffff;
	[tilespmem:s0+$0x7780] =	vst v18;
	v0 =	vor.u32 $0xC, v8  }
0x201: {  	v27 =	vor.u32 $0xD, v8;
	v18 =	vld.idx.msk [tilespmem:v31+s18+$0x0], $0xffff  }
0x202: {  	v29 =	vor.u32 $0xE, v8;
	v13 =	vld.idx.msk [tilespmem:v13+s18+$0x0], $0xffff;
	[tilespmem:s10+$0x7400] =	vst v32  }
0x203: {  	v31 =	vor.u32 $0xF, v8;
	v20 =	vld.idx.msk [tilespmem:v20+s18+$0x0], $0xffff;
	[tilespmem:s11+$0x7400] =	vst v37  }
0x204: {  	v21 =	vld.idx.msk [tilespmem:v21+s18+$0x0], $0xffff;
	[tilespmem:s0+$0xC400] =	vst v16  }
0x205: {  	v0 =	vld.idx.msk [tilespmem:v0+s18+$0x0], $0xffff;
	[tilespmem:s0+$0xC480] =	vst v11  }
0x206: {  	v8 =	vld.idx.msk [tilespmem:v27+s18+$0x0], $0xffff;
	[tilespmem:s0+$0xC500] =	vst v14  }
0x207: {  	v11 =	vld.idx.msk [tilespmem:v29+s18+$0x0], $0xffff;
	[tilespmem:s0+$0xC580] =	vst v18  }
0x208: {  	[tilespmem:s10+$0x7480] =	vst v12;
	v12 =	vld.idx.msk [tilespmem:v31+s18+$0x0], $0xffff  }
0x209: {  	v14 =	vld.idx.msk [tilespmem:v23+s18+$0x0], $0xffff;
	[tilespmem:s11+$0x7480] =	vst v15  }
0x20a: {  	v15 =	vld.idx.msk [tilespmem:v22+s18+$0x0], $0xffff;
	[tilespmem:s10+$0x7500] =	vst v17  }
0x20b: {  	v17 =	vld.idx.msk [tilespmem:v25+s18+$0x0], $0xffff;
	[tilespmem:s11+$0x7500] =	vst v19  }
0x20c: {  	v18 =	vld.idx.msk [tilespmem:v24+s18+$0x0], $0xffff;
	[tilespmem:s10+$0x7580] =	vst v13  }
0x20d: {  	v13 =	vld.idx.msk [tilespmem:v26+s18+$0x0], $0xffff;
	[tilespmem:s11+$0x7580] =	vst v20  }
0x20e: {  	v19 =	vld.idx.msk [tilespmem:v28+s18+$0x0], $0xffff;
	[tilespmem:s0+$0xC780] =	vst v12  }
0x20f: {  	[tilespmem:s10+$0x7600] =	vst v21;
	v12 =	vld.idx.msk [tilespmem:v9+s18+$0x0], $0xffff  }
0x210: {  	v20 =	vld.idx.msk [tilespmem:v30+s18+$0x0], $0xffff;
	[tilespmem:s11+$0x7600] =	vst v14  }
0x211: {  	[tilespmem:s10+$0x7680] =	vst v15;
	v21 =	vld.idx.msk [tilespmem:v10+s18+$0x0], $0xffff  }
0x212: {  	v16 =	vld.idx.msk [tilespmem:v33+s18+$0x0], $0xffff;
	[tilespmem:s11+$0x7680] =	vst v17  }
0x213: {  	[tilespmem:s10+$0x7700] =	vst v18;
	v15 =	vld.idx.msk [tilespmem:v34+s18+$0x0], $0xffff  }
.Ltmp9:
0x214: {  	v10 =	vld.idx.msk [tilespmem:v36+s18+$0x0], $0xffff;
	[tilespmem:s11+$0x7700] =	vst v13;
	(pc) =	sbr.rel @p1 .LBB2_14-.Ltmp9, $4  }
0x215: {  	[tilespmem:s10+$0x7780] =	vst v19;
	v14 =	vld.idx.msk [tilespmem:v38+s18+$0x0], $0xffff  }
0x216: {  	v9 =	vld.idx.msk [tilespmem:v40+s18+$0x0], $0xffff;
	[tilespmem:s11+$0x7780] =	vst v12  }
0x217: {  	[tilespmem:s10+$0xC400] =	vst v20;
	v12 =	vld.idx.msk [tilespmem:v42+s18+$0x0], $0xffff  }
0x218: {  	s15 =	sadd.s32 $0x30, s15;
	v13 =	vld.idx.msk [tilespmem:v41+s18+$0x0], $0xffff;
	[tilespmem:s11+$0xC400] =	vst v21  }
0x219: {  	_ = 	snop  }
0x21a: {  	[tilespmem:s10+$0xC480] =	vst v16  }
0x21b: {  	[tilespmem:s0+$0xC700] =	vst v11  }
0x21c: {  	[tilespmem:s0+$0xC680] =	vst v8  }
0x21d: {  	v7 =	vld.idx.msk [tilespmem:v7+s18+$0x0], $0xffff;
	[tilespmem:s11+$0xC480] =	vst v15  }
0x21e: {  	[tilespmem:s0+$0xC600] =	vst v0  }
0x21f: {  	v3 =	vld.idx.msk [tilespmem:v3+s18+$0x0], $0xffff;
	[tilespmem:s10+$0xC500] =	vst v10  }
0x220: {  	v6 =	vld.idx.msk [tilespmem:v6+s18+$0x0], $0xffff;
	[tilespmem:s11+$0xC500] =	vst v14  }
0x221: {  	v4 =	vld.idx.msk [tilespmem:v4+s18+$0x0], $0xffff;
	[tilespmem:s10+$0xC580] =	vst v9  }
0x222: {  	v5 =	vld.idx.msk [tilespmem:v5+s18+$0x0], $0xffff;
	[tilespmem:s11+$0xC580] =	vst v12  }
0x223: {  	v1 =	vld.idx.msk [tilespmem:v1+s18+$0x0], $0xffff;
	[tilespmem:s10+$0xC600] =	vst v13  }
0x224: {  	v2 =	vld.idx.msk [tilespmem:v2+s18+$0x0], $0xffff;
	[tilespmem:s11+$0xC600] =	vst v7  }
0x225: {  	[tilespmem:s10+$0xC680] =	vst v3  }
0x226: {  	[tilespmem:s11+$0xC680] =	vst v6  }
0x227: {  	[tilespmem:s10+$0xC700] =	vst v4  }
0x228: {  	[tilespmem:s11+$0xC700] =	vst v5  }
0x229: {  	[tilespmem:s10+$0xC780] =	vst v1  }
0x22a: {  	[tilespmem:s11+$0xC780] =	vst v2  }
0x22b: {  	v0 =	vld [tilespmem:$0x69F0];
	_ =	sdelay $0x4  }
0x22c: {  	v0 =	vshll.u32 v0, $0x4  }
0x22d: {  	v50 =	vor.u32 $0x1, v0  }
0x22e: {  	v51 =	vor.u32 $0x2, v0  }
0x22f: {  	v52 =	vor.u32 $0x3, v0;
	_ =	sdelay $0x1  }
0x230: {  	v4 =	vld.idx.msk [tilespmem:v0+s18+$0x0], $0xffff  }
0x231: {  	v53 =	vor.u32 $0x4, v0;
	v1 =	vld.idx.msk [tilespmem:v50+s18+$0x0], $0xffff  }
0x232: {  	v54 =	vor.u32 $0x5, v0;
	v2 =	vld.idx.msk [tilespmem:v51+s18+$0x0], $0xffff  }
0x233: {  	v55 =	vor.u32 $0x6, v0;
	v3 =	vld.idx.msk [tilespmem:v52+s18+$0x0], $0xffff  }
0x234: {  	v56 =	vor.u32 $0x7, v0  }
0x235: {  	[tilespmem:$0xC070] =	vst v4  }
0x236: {  	v5 =	vld.idx.msk [tilespmem:v53+s18+$0x0], $0xffff;
	[tilespmem:$0xC0F0] =	vst v1  }
0x237: {  	v57 =	vor.u32 $0x8, v0;
	v6 =	vld.idx.msk [tilespmem:v54+s18+$0x0], $0xffff;
	[tilespmem:$0xC170] =	vst v2  }
0x238: {  	v58 =	vor.u32 $0x9, v0;
	v4 =	vld.idx.msk [tilespmem:v55+s18+$0x0], $0xffff;
	[tilespmem:$0xC1F0] =	vst v3  }
0x239: {  	v59 =	vor.u32 $0xA, v0;
	v1 =	vld.idx.msk [tilespmem:v56+s18+$0x0], $0xffff  }
0x23a: {  	v60 =	vor.u32 $0xB, v0  }
0x23b: {  	s0 =	sor.u32 s1, s2;
	[tilespmem:$0xC270] =	vst v5  }
0x23c: {  	s6 =	smulhi.u32 $0xA2C2A87D, s0;
	v2 =	vld.idx.msk [tilespmem:v57+s18+$0x0], $0xffff;
	[tilespmem:$0xC2F0] =	vst v6  }
0x23d: {  	v61 =	vor.u32 $0xC, v0;
	v3 =	vld.idx.msk [tilespmem:v58+s18+$0x0], $0xffff;
	[tilespmem:$0xC370] =	vst v4  }
0x23e: {  	s8 =	ssub.s32 s0, s6;
	v62 =	vor.u32 $0xD, v0;
	v5 =	vld.idx.msk [tilespmem:v59+s18+$0x0], $0xffff;
	[tilespmem:$0xC3F0] =	vst v1  }
0x23f: {  	s8 =	sshrl.u32 s8, $0x1;
	v63 =	vor.u32 $0xE, v0;
	v6 =	vld.idx.msk [tilespmem:v60+s18+$0x0], $0xffff  }
0x240: {  	s6 =	sadd.s32 s6, s8;
	v0 =	vor.u32 $0xF, v0  }
0x241: {  	s6 =	sshrl.u32 s6, $0x8;
	[tilespmem:$0x11070] =	vst v2  }
0x242: {  	s30 =	smul.u32 $0x139, s6;
	v4 =	vld.idx.msk [tilespmem:v61+s18+$0x0], $0xffff;
	[tilespmem:$0x110F0] =	vst v3  }
0x243: {  	v1 =	vld.idx.msk [tilespmem:v62+s18+$0x0], $0xffff;
	[tilespmem:$0x11170] =	vst v5  }
0x244: {  	s8 =	ssub.s32 s0, s30;
	v2 =	vld.idx.msk [tilespmem:v63+s18+$0x0], $0xffff;
	[tilespmem:$0x111F0] =	vst v6  }
0x245: {  	s8 =	smul.u32 $0xA00, s8;
	v0 =	vld.idx.msk [tilespmem:v0+s18+$0x0], $0xffff  }
0x246: {  	s6 =	smul.u32 $0x186A00, s6  }
0x247: {  	s8 =	smin.u32 s8, $0xC2B00;
	[tilespmem:$0x11270] =	vst v4  }
0x248: {  	p1 =	sne.s32 s31, $0xE;
	s6 =	sadd.s32 s6, s8;
	[tilespmem:$0x112F0] =	vst v1  }
.Ltmp10:
0x249: {  	s8 =	sand.u32 $0x1FFFFF00, s6;
	s6 =	sadd.s32 $0xC3500, s6;
	[tilespmem:$0x11370] =	vst v2;
	(pc) =	sbr.rel @p1 .LBB2_17-.Ltmp10, $4  }
0x24a: {  	s8 =	sadd.s32 s4, s8;
	s6 =	sand.u32 $0x1FFFFF00, s6;
	[tilespmem:$0x113F0] =	vst v0  }
0x24b: {  	[hbm4b:s8+s5] =	stream.linear.scatter [tilespmem:s22], [sflag:$0x3], $0x5000, $0x38;
	[tilespmem:$0x1B400] =	vst v63  }
0x24c: {  	s6 =	sadd.s32 s4, s6  }
0x24d: {  	[hbm4b:s6+s5] =	stream.linear.scatter [tilespmem:s23], [sflag:$0x3], $0x5000, $0x38;
	[tilespmem:$0x1B400] =	vst v63  }
.Ltmp11:
0x24e: {  	(pc) =	sbr.rel .LBB2_18-.Ltmp11, $4  }
0x24f: {  	_ = 	snop  }
0x250: {  	_ =	swait.ge [sflag:s24], $0xA00  }
0x251: {  	[sflag:s24] =	ssyncset.done $0x0  }
0x252: {  	[sflag:s24] =	ssyncadd.s32 $0xFFFFF600  }
.LBB2_17:
0x253: {  	s6 =	rddreg [dreg:$0x8]  }
0x254: {  	s6 =	sadd.s32 s6, s2  }
0x255: {  	p1 =	slt.s32 s6, $0x3AA  }
0x256: {  	s6 =	simm.s32 @!p1 $0x3AA  }
0x257: {  	s8 =	smulhi.u32 $0xA2C2A87D, s6;
	_ =	sdelay $0x1  }
0x258: {  	s10 =	ssub.s32 s6, s8  }
0x259: {  	s10 =	sshrl.u32 s10, $0x1  }
0x25a: {  	s8 =	sadd.s32 s8, s10  }
0x25b: {  	s8 =	sshrl.u32 s8, $0x8  }
0x25c: {  	s29 =	smul.u32 $0x139, s8;
	_ =	sdelay $0x1  }
0x25d: {  	s6 =	ssub.s32 s6, s29  }
0x25e: {  	s6 =	smul.u32 $0xA00, s6  }
0x25f: {  	s8 =	smul.u32 $0xC3500, s8  }
0x260: {  	s6 =	smin.u32 s6, $0xC2B00  }
0x261: {  	s6 =	sadd.s32 s8, s6  }
0x262: {  	s6 =	sshrl.u32 s6, $0x3  }
.Ltmp12:
0x263: {  	s30 =	simm.s32 $0x6000;
	s6 =	sadd.s32 s9, s6;
	(pc) =	sbr.rel @p0 .LBB2_19-.Ltmp12, $4  }
0x264: {  	[tilespmem:s30], [sflag:$0x1] =	stream.linear.gather [hbm4b:s6+s5], $0xA00, $0x38;
	[tilespmem:$0x1B400] =	vst v63  }
0x265: {  	_ =	swait.ge [sflag:s24], $0xA00  }
0x266: {  	[sflag:s24] =	ssyncset.done $0x0  }
0x267: {  	[sflag:s24] =	ssyncadd.s32 $0xFFFFF600  }
.LBB2_18:
0x268: {  	_ =	swait.ge [sflag:s25], $0x5000  }
0x269: {  	[sflag:s25] =	ssyncset.done $0x0  }
0x26a: {  	[sflag:s25] =	ssyncadd.s32 $0xFFFFB000  }
0x26b: {  	_ =	swait.ge [sflag:s25], $0x5000  }
0x26c: {  	[sflag:s25] =	ssyncset.done $0x0  }
0x26d: {  	[sflag:s25] =	ssyncadd.s32 $0xFFFFB000  }
.LBB2_19:
0x26e: {  	s6 =	simm.s32 $0x6A20  }
0x26f: {  	v0 =	vld [tilespmem:s6+$0x0]  }
0x270: {  	v3 =	vld [tilespmem:s6+$0xFFFFFFF0];
	_ =	sdelay $0x3  }
0x271: {  	v1 =	vshll.u32 v0, $0x4  }
0x272: {  	v10 =	vshll.u32 v3, $0x4  }
0x273: {  	v0 =	vor.u32 $0x1, v1  }
0x274: {  	v2 =	vor.u32 $0x2, v1  }
0x275: {  	v6 =	vld [tilespmem:s6+$0xFFFFFFE0];
	v4 =	vor.u32 $0x3, v1  }
0x276: {  	v11 =	vor.u32 $0x1, v10;
	v5 =	vld.idx.msk [tilespmem:v1+s18+$0x0], $0xffff  }
0x277: {  	s8 =	simm.s32 $0x20;
	s10 =	simm.s32 $0x100;
	v7 =	vor.u32 $0x4, v1;
	v12 =	vld.idx.msk [tilespmem:v10+s18+$0x0], $0xffff  }
0x278: {  	s17 =	sand.u32 $0xFC00, s10;
	s11 =	sand.u32 $0x70, s8;
	v16 =	vor.u32 $0x3, v10;
	v0 =	vld.idx.msk [tilespmem:v0+s18+$0x0], $0xffff  }
0x279: {  	s6 =	sor.u32 s11, s17;
	v8 =	vor.u32 $0x5, v1;
	v2 =	vld.idx.msk [tilespmem:v2+s18+$0x0], $0xffff  }
0x27a: {  	s6 =	sadd.s32 $0x7400, s6;
	v9 =	vor.u32 $0x6, v1;
	v4 =	vld.idx.msk [tilespmem:v4+s18+$0x0], $0xffff  }
0x27b: {  	v11 =	vld.idx.msk [tilespmem:v11+s18+$0x0], $0xffff;
	[tilespmem:s6+$0xA000] =	vst v5;
	v5 =	vshll.u32 v6, $0x4  }
0x27c: {  	v6 =	vld.idx.msk [tilespmem:v7+s18+$0x0], $0xffff;
	v7 =	vor.u32 $0x7, v1  }
0x27d: {  	v16 =	vld.idx.msk [tilespmem:v16+s18+$0x0], $0xffff;
	[tilespmem:s6+$0xA080] =	vst v0;
	v3 =	vor.u32 $0x1, v5  }
0x27e: {  	v0 =	vld.idx.msk [tilespmem:v8+s18+$0x0], $0xffff;
	[tilespmem:s6+$0xA100] =	vst v2;
	v2 =	vor.u32 $0x8, v1  }
0x27f: {  	v15 =	vor.u32 $0x3, v5;
	v8 =	vld.idx.msk [tilespmem:v9+s18+$0x0], $0xffff  }
0x280: {  	[tilespmem:s6+$0xA180] =	vst v4;
	v4 =	vor.u32 $0x9, v1;
	v9 =	vld.idx.msk [tilespmem:v5+s18+$0x0], $0xffff  }
0x281: {  	v13 =	vor.u32 $0xA, v1;
	v7 =	vld.idx.msk [tilespmem:v7+s18+$0x0], $0xffff  }
0x282: {  	[tilespmem:s6+$0xA200] =	vst v6;
	v6 =	vor.u32 $0x2, v5;
	v3 =	vld.idx.msk [tilespmem:v3+s18+$0x0], $0xffff  }
0x283: {  	v14 =	vor.u32 $0xB, v1;
	v2 =	vld.idx.msk [tilespmem:v2+s18+$0x0], $0xffff  }
0x284: {  	v19 =	vld.idx.msk [tilespmem:v15+s18+$0x0], $0xffff;
	[tilespmem:s6+$0xA280] =	vst v0;
	v0 =	vor.u32 $0x2, v10  }
0x285: {  	s19 =	simm.s32 $0x0;
	s12 =	simm.s32 $0x0;
	v4 =	vld.idx.msk [tilespmem:v4+s18+$0x0], $0xffff;
	[tilespmem:s6+$0xA300] =	vst v8;
	v8 =	vor.u32 $0xC, v1  }
0x286: {  	s12 =	sand.u32 $0x70, s12;
	s11 =	sand.u32 $0x7C00, s19;
	v13 =	vld.idx.msk [tilespmem:v13+s18+$0x0], $0xffff;
	[tilespmem:s6+$0xA380] =	vst v7;
	v7 =	vor.u32 $0xD, v1  }
0x287: {  	s11 =	sor.u32 s12, s11;
	v18 =	vor.u32 $0xE, v1;
	v6 =	vld.idx.msk [tilespmem:v6+s18+$0x0], $0xffff  }
0x288: {  	s14 =	simm.s32 $0x80;
	s15 =	simm.s32 $0x10;
	s11 =	sadd.s32 $0x7400, s11;
	v14 =	vld.idx.msk [tilespmem:v14+s18+$0x0], $0xffff;
	[tilespmem:s6+$0xF000] =	vst v2;
	v2 =	vor.u32 $0x4, v5  }
0x289: {  	s29 =	sand.u32 $0xFC00, s14;
	s30 =	sand.u32 $0x70, s15;
	v1 =	vor.u32 $0xF, v1;
	[tilespmem:s11+$0xA000] =	vst v9;
	v17 =	vld.idx.msk [tilespmem:v0+s18+$0x0], $0xffff  }
0x28a: {  	s12 =	sor.u32 s30, s29;
	v0 =	vld.idx.msk [tilespmem:v8+s18+$0x0], $0xffff;
	[tilespmem:s6+$0xF080] =	vst v4;
	v4 =	vor.u32 $0x4, v10  }
0x28b: {  	s14 =	sadd.s32 $0x7400, s12;
	v8 =	vld.idx.msk [tilespmem:v7+s18+$0x0], $0xffff;
	v7 =	vor.u32 $0x5, v5;
	[tilespmem:s6+$0xF100] =	vst v13  }
0x28c: {  	[tilespmem:s14+$0xA000] =	vst v12;
	v13 =	vor.u32 $0x5, v10;
	v15 =	vld.idx.msk [tilespmem:v18+s18+$0x0], $0xffff  }
0x28d: {  	v9 =	vor.u32 $0x6, v5;
	v2 =	vld.idx.msk [tilespmem:v2+s18+$0x0], $0xffff;
	[tilespmem:s6+$0xF180] =	vst v14  }
0x28e: {  	v14 =	vor.u32 $0x6, v10;
	[tilespmem:s11+$0xA080] =	vst v3;
	v1 =	vld.idx.msk [tilespmem:v1+s18+$0x0], $0xffff  }
0x28f: {  	v3 =	vld.idx.msk [tilespmem:v4+s18+$0x0], $0xffff;
	v4 =	vor.u32 $0x7, v5;
	[tilespmem:s14+$0xA080] =	vst v11  }
0x290: {  	v11 =	vor.u32 $0x7, v10;
	v7 =	vld.idx.msk [tilespmem:v7+s18+$0x0], $0xffff;
	[tilespmem:s11+$0xA100] =	vst v6  }
0x291: {  	v12 =	vor.u32 $0x8, v5;
	v6 =	vld.idx.msk [tilespmem:v13+s18+$0x0], $0xffff;
	[tilespmem:s14+$0xA100] =	vst v17  }
0x292: {  	v13 =	vor.u32 $0x8, v10;
	v9 =	vld.idx.msk [tilespmem:v9+s18+$0x0], $0xffff;
	[tilespmem:s11+$0xA180] =	vst v19  }
0x293: {  	v17 =	vld.idx.msk [tilespmem:v14+s18+$0x0], $0xffff;
	v14 =	vor.u32 $0x9, v5;
	[tilespmem:s14+$0xA180] =	vst v16  }
0x294: {  	v18 =	vor.u32 $0x9, v10;
	v4 =	vld.idx.msk [tilespmem:v4+s18+$0x0], $0xffff;
	[tilespmem:s6+$0xF380] =	vst v1  }
0x295: {  	v1 =	vor.u32 $0xA, v5;
	[tilespmem:s11+$0xA200] =	vst v2;
	v2 =	vld.idx.msk [tilespmem:v11+s18+$0x0], $0xffff  }
0x296: {  	v19 =	vor.u32 $0xA, v10;
	[tilespmem:s14+$0xA200] =	vst v3;
	v12 =	vld.idx.msk [tilespmem:v12+s18+$0x0], $0xffff  }
0x297: {  	v20 =	vor.u32 $0xB, v5;
	[tilespmem:s11+$0xA280] =	vst v7;
	v21 =	vld.idx.msk [tilespmem:v13+s18+$0x0], $0xffff  }
0x298: {  	v22 =	vor.u32 $0xB, v10;
	[tilespmem:s14+$0xA280] =	vst v6;
	v16 =	vld.idx.msk [tilespmem:v14+s18+$0x0], $0xffff  }
0x299: {  	v23 =	vor.u32 $0xC, v5;
	[tilespmem:s11+$0xA300] =	vst v9;
	v14 =	vld.idx.msk [tilespmem:v18+s18+$0x0], $0xffff  }
0x29a: {  	[tilespmem:s14+$0xA300] =	vst v17;
	v11 =	vld.idx.msk [tilespmem:v1+s18+$0x0], $0xffff  }
0x29b: {  	[tilespmem:s11+$0xA380] =	vst v4;
	v13 =	vld.idx.msk [tilespmem:v19+s18+$0x0], $0xffff  }
0x29c: {  	v3 =	vor.u32 $0xD, v5;
	[tilespmem:s14+$0xA380] =	vst v2;
	v9 =	vld.idx.msk [tilespmem:v20+s18+$0x0], $0xffff  }
0x29d: {  	v7 =	vor.u32 $0xC, v10;
	v6 =	vor.u32 $0xD, v10;
	v4 =	vor.u32 $0xE, v5;
	[tilespmem:s11+$0xF000] =	vst v12;
	v12 =	vld.idx.msk [tilespmem:v22+s18+$0x0], $0xffff  }
0x29e: {  	s16 =	simm.s32 $0x6A50;
	s15 =	simm.s32 $0x0;
	v1 =	vor.u32 $0xF, v5;
	v5 =	vor.u32 $0xE, v10;
	v2 =	vor.u32 $0xF, v10;
	v10 =	vld.idx.msk [tilespmem:v23+s18+$0x0], $0xffff;
	[tilespmem:s14+$0xF000] =	vst v21  }
.LBB2_20:
0x29f: {  	v17 =	vld [tilespmem:s16+$0x0];
	s15 =	sadd.s32 $0x3, s15;
	[tilespmem:s11+$0xF080] =	vst v16  }
0x2a0: {  	v16 =	vld [tilespmem:s16+$0xFFFFFFF0];
	p0 =	slt.u32 s15, $0x9C;
	[tilespmem:s6+$0xF300] =	vst v15  }
0x2a1: {  	v15 =	vld [tilespmem:s16+$0xFFFFFFE0];
	[tilespmem:s6+$0xF280] =	vst v8  }
0x2a2: {  	v7 =	vld.idx.msk [tilespmem:v7+s18+$0x0], $0xffff;
	[tilespmem:s14+$0xF080] =	vst v14  }
0x2a3: {  	v3 =	vld.idx.msk [tilespmem:v3+s18+$0x0], $0xffff;
	[tilespmem:s11+$0xF100] =	vst v11  }
0x2a4: {  	v8 =	vshll.u32 v17, $0x4;
	v6 =	vld.idx.msk [tilespmem:v6+s18+$0x0], $0xffff;
	[tilespmem:s14+$0xF100] =	vst v13  }
0x2a5: {  	v16 =	vshll.u32 v16, $0x4;
	v13 =	vor.u32 $0x1, v8;
	v4 =	vld.idx.msk [tilespmem:v4+s18+$0x0], $0xffff;
	[tilespmem:s11+$0xF180] =	vst v9  }
0x2a6: {  	v18 =	vor.u32 $0x2, v8;
	v15 =	vshll.u32 v15, $0x4;
	v17 =	vor.u32 $0x1, v16;
	v5 =	vld.idx.msk [tilespmem:v5+s18+$0x0], $0xffff;
	[tilespmem:s14+$0xF180] =	vst v12  }
0x2a7: {  	v21 =	vor.u32 $0x3, v8;
	v19 =	vor.u32 $0x1, v15;
	v20 =	vor.u32 $0x2, v15;
	v1 =	vld.idx.msk [tilespmem:v1+s18+$0x0], $0xffff;
	[tilespmem:s11+$0xF200] =	vst v10  }
0x2a8: {  	v23 =	vor.u32 $0x2, v16;
	v24 =	vor.u32 $0x3, v16;
	v22 =	vor.u32 $0x3, v15;
	v2 =	vld.idx.msk [tilespmem:v2+s18+$0x0], $0xffff;
	[tilespmem:s14+$0xF200] =	vst v7  }
0x2a9: {  	v26 =	vor.u32 $0x4, v16;
	v25 =	vor.u32 $0x4, v15;
	v14 =	vor.u32 $0x5, v15;
	v7 =	vld.idx.msk [tilespmem:v8+s18+$0x0], $0xffff;
	[tilespmem:s11+$0xF280] =	vst v3  }
0x2aa: {  	v27 =	vor.u32 $0x5, v16;
	v11 =	vor.u32 $0x6, v15;
	v10 =	vor.u32 $0x6, v16;
	v28 =	vld.idx.msk [tilespmem:v13+s18+$0x0], $0xffff;
	[tilespmem:s14+$0xF280] =	vst v6  }
0x2ab: {  	s8 =	sadd.s32 $0x30, s8;
	s10 =	sadd.s32 $0x180, s10;
	v29 =	vor.u32 $0x4, v8;
	v9 =	vor.u32 $0x7, v16;
	v12 =	vor.u32 $0x7, v15;
	v18 =	vld.idx.msk [tilespmem:v18+s18+$0x0], $0xffff;
	[tilespmem:s11+$0xF300] =	vst v4  }
0x2ac: {  	s12 =	sadd.s32 $0xFFFFFF00, s10;
	s17 =	sand.u32 $0xFC00, s10;
	s19 =	sand.u32 $0x70, s8;
	v31 =	vor.u32 $0x5, v8;
	v30 =	vor.u32 $0x8, v15;
	v13 =	vor.u32 $0x8, v16;
	v21 =	vld.idx.msk [tilespmem:v21+s18+$0x0], $0xffff;
	[tilespmem:s14+$0xF300] =	vst v5  }
0x2ad: {  	s29 =	sadd.s32 $0xFFFFFFE0, s8;
	s30 =	sadd.s32 $0xFFFFFF80, s10;
	s17 =	sor.u32 s19, s17;
	v35 =	vor.u32 $0x6, v8;
	v34 =	vor.u32 $0x9, v16;
	v33 =	vor.u32 $0x9, v15;
	v32 =	vld.idx.msk [tilespmem:v15+s18+$0x0], $0xffff;
	[tilespmem:s11+$0xF380] =	vst v1  }
0x2ae: {  	s17 =	sadd.s32 $0x7400, s17;
	v39 =	vor.u32 $0x7, v8;
	v38 =	vor.u32 $0xA, v16;
	v36 =	vor.u32 $0xA, v15;
	s11 =	sand.u32 $0x7C00, s12;
	s12 =	sadd.s32 $0xFFFFFFF0, s8;
	v37 =	vld.idx.msk [tilespmem:v16+s18+$0x0], $0xffff;
	[tilespmem:s14+$0xF380] =	vst v2  }
0x2af: {  	s19 =	sand.u32 $0xFC00, s30;
	v42 =	vor.u32 $0xB, v16;
	v40 =	vor.u32 $0xB, v15;
	v41 =	vor.u32 $0xC, v15;
	s14 =	sand.u32 $0x70, s29;
	s12 =	sand.u32 $0x70, s12;
	v19 =	vld.idx.msk [tilespmem:v19+s18+$0x0], $0xffff;
	[tilespmem:s17+$0xA000] =	vst v7  }
0x2b0: {  	v3 =	vor.u32 $0xD, v15;
	v6 =	vor.u32 $0xD, v16;
	s11 =	sor.u32 s14, s11;
	s12 =	sor.u32 s12, s19;
	v7 =	vor.u32 $0xC, v16;
	v29 =	vld.idx.msk [tilespmem:v29+s18+$0x0], $0xffff;
	[tilespmem:s17+$0xA080] =	vst v28  }
0x2b1: {  	v4 =	vor.u32 $0xE, v15;
	v5 =	vor.u32 $0xE, v16;
	v1 =	vor.u32 $0xF, v15;
	s11 =	sadd.s32 $0x7400, s11;
	s14 =	sadd.s32 $0x7400, s12;
	v15 =	vld.idx.msk [tilespmem:v31+s18+$0x0], $0xffff;
	[tilespmem:s17+$0xA100] =	vst v18  }
0x2b2: {  	v2 =	vor.u32 $0xF, v16;
	v18 =	vor.u32 $0x8, v8;
	v16 =	vld.idx.msk [tilespmem:v35+s18+$0x0], $0xffff;
	[tilespmem:s17+$0xA180] =	vst v21  }
0x2b3: {  	v28 =	vor.u32 $0x9, v8;
	v21 =	vld.idx.msk [tilespmem:v39+s18+$0x0], $0xffff;
	[tilespmem:s6+$0xF200] =	vst v0;
	s6 =	smov.u32 s17  }
0x2b4: {  	v0 =	vor.u32 $0xA, v8;
	v17 =	vld.idx.msk [tilespmem:v17+s18+$0x0], $0xffff  }
0x2b5: {  	v31 =	vor.u32 $0xB, v8;
	v20 =	vld.idx.msk [tilespmem:v20+s18+$0x0], $0xffff  }
0x2b6: {  	v23 =	vld.idx.msk [tilespmem:v23+s18+$0x0], $0xffff;
	[tilespmem:s6+$0xA200] =	vst v29  }
0x2b7: {  	v18 =	vld.idx.msk [tilespmem:v18+s18+$0x0], $0xffff;
	[tilespmem:s6+$0xA280] =	vst v15  }
0x2b8: {  	v15 =	vld.idx.msk [tilespmem:v28+s18+$0x0], $0xffff;
	[tilespmem:s6+$0xA300] =	vst v16  }
0x2b9: {  	v16 =	vld.idx.msk [tilespmem:v0+s18+$0x0], $0xffff;
	[tilespmem:s6+$0xA380] =	vst v21;
	v0 =	vor.u32 $0xC, v8  }
0x2ba: {  	v28 =	vor.u32 $0xD, v8;
	v21 =	vld.idx.msk [tilespmem:v31+s18+$0x0], $0xffff  }
0x2bb: {  	v29 =	vor.u32 $0xE, v8;
	v22 =	vld.idx.msk [tilespmem:v22+s18+$0x0], $0xffff;
	[tilespmem:s11+$0xA000] =	vst v32  }
0x2bc: {  	v31 =	vor.u32 $0xF, v8;
	v24 =	vld.idx.msk [tilespmem:v24+s18+$0x0], $0xffff;
	[tilespmem:s14+$0xA000] =	vst v37  }
0x2bd: {  	v25 =	vld.idx.msk [tilespmem:v25+s18+$0x0], $0xffff;
	[tilespmem:s6+$0xF000] =	vst v18  }
0x2be: {  	v0 =	vld.idx.msk [tilespmem:v0+s18+$0x0], $0xffff;
	[tilespmem:s6+$0xF080] =	vst v15  }
0x2bf: {  	v8 =	vld.idx.msk [tilespmem:v28+s18+$0x0], $0xffff;
	[tilespmem:s6+$0xF100] =	vst v16  }
0x2c0: {  	v15 =	vld.idx.msk [tilespmem:v29+s18+$0x0], $0xffff;
	[tilespmem:s6+$0xF180] =	vst v21  }
0x2c1: {  	[tilespmem:s11+$0xA080] =	vst v19;
	v16 =	vld.idx.msk [tilespmem:v31+s18+$0x0], $0xffff  }
0x2c2: {  	v18 =	vld.idx.msk [tilespmem:v26+s18+$0x0], $0xffff;
	[tilespmem:s14+$0xA080] =	vst v17  }
0x2c3: {  	v14 =	vld.idx.msk [tilespmem:v14+s18+$0x0], $0xffff;
	[tilespmem:s11+$0xA100] =	vst v20  }
0x2c4: {  	v17 =	vld.idx.msk [tilespmem:v27+s18+$0x0], $0xffff;
	[tilespmem:s14+$0xA100] =	vst v23  }
0x2c5: {  	v11 =	vld.idx.msk [tilespmem:v11+s18+$0x0], $0xffff;
	[tilespmem:s11+$0xA180] =	vst v22  }
0x2c6: {  	v10 =	vld.idx.msk [tilespmem:v10+s18+$0x0], $0xffff;
	[tilespmem:s14+$0xA180] =	vst v24  }
0x2c7: {  	v12 =	vld.idx.msk [tilespmem:v12+s18+$0x0], $0xffff;
	[tilespmem:s6+$0xF380] =	vst v16  }
0x2c8: {  	[tilespmem:s11+$0xA200] =	vst v25;
	v19 =	vld.idx.msk [tilespmem:v9+s18+$0x0], $0xffff  }
0x2c9: {  	v20 =	vld.idx.msk [tilespmem:v30+s18+$0x0], $0xffff;
	[tilespmem:s14+$0xA200] =	vst v18  }
0x2ca: {  	[tilespmem:s11+$0xA280] =	vst v14;
	v18 =	vld.idx.msk [tilespmem:v13+s18+$0x0], $0xffff  }
0x2cb: {  	v16 =	vld.idx.msk [tilespmem:v33+s18+$0x0], $0xffff;
	[tilespmem:s14+$0xA280] =	vst v17  }
0x2cc: {  	[tilespmem:s11+$0xA300] =	vst v11;
	v14 =	vld.idx.msk [tilespmem:v34+s18+$0x0], $0xffff  }
.Ltmp13:
0x2cd: {  	v11 =	vld.idx.msk [tilespmem:v36+s18+$0x0], $0xffff;
	[tilespmem:s14+$0xA300] =	vst v10;
	(pc) =	sbr.rel @p0 .LBB2_20-.Ltmp13, $4  }
0x2ce: {  	[tilespmem:s11+$0xA380] =	vst v12;
	v13 =	vld.idx.msk [tilespmem:v38+s18+$0x0], $0xffff  }
0x2cf: {  	v9 =	vld.idx.msk [tilespmem:v40+s18+$0x0], $0xffff;
	[tilespmem:s14+$0xA380] =	vst v19  }
0x2d0: {  	[tilespmem:s11+$0xF000] =	vst v20;
	v12 =	vld.idx.msk [tilespmem:v42+s18+$0x0], $0xffff  }
0x2d1: {  	s16 =	sadd.s32 $0x30, s16;
	v10 =	vld.idx.msk [tilespmem:v41+s18+$0x0], $0xffff;
	[tilespmem:s14+$0xF000] =	vst v18  }
0x2d2: {  	_ = 	snop  }
0x2d3: {  	[tilespmem:s11+$0xF080] =	vst v16  }
0x2d4: {  	[tilespmem:s6+$0xF300] =	vst v15  }
0x2d5: {  	[tilespmem:s6+$0xF280] =	vst v8  }
0x2d6: {  	v7 =	vld.idx.msk [tilespmem:v7+s18+$0x0], $0xffff;
	[tilespmem:s14+$0xF080] =	vst v14  }
0x2d7: {  	[tilespmem:s6+$0xF200] =	vst v0  }
0x2d8: {  	v3 =	vld.idx.msk [tilespmem:v3+s18+$0x0], $0xffff;
	[tilespmem:s11+$0xF100] =	vst v11  }
0x2d9: {  	v6 =	vld.idx.msk [tilespmem:v6+s18+$0x0], $0xffff;
	[tilespmem:s14+$0xF100] =	vst v13  }
0x2da: {  	v4 =	vld.idx.msk [tilespmem:v4+s18+$0x0], $0xffff;
	[tilespmem:s11+$0xF180] =	vst v9  }
0x2db: {  	v5 =	vld.idx.msk [tilespmem:v5+s18+$0x0], $0xffff;
	[tilespmem:s14+$0xF180] =	vst v12  }
0x2dc: {  	v1 =	vld.idx.msk [tilespmem:v1+s18+$0x0], $0xffff;
	[tilespmem:s11+$0xF200] =	vst v10  }
0x2dd: {  	v2 =	vld.idx.msk [tilespmem:v2+s18+$0x0], $0xffff;
	[tilespmem:s14+$0xF200] =	vst v7  }
0x2de: {  	[tilespmem:s11+$0xF280] =	vst v3  }
0x2df: {  	[tilespmem:s14+$0xF280] =	vst v6  }
0x2e0: {  	[tilespmem:s11+$0xF300] =	vst v4  }
0x2e1: {  	[tilespmem:s14+$0xF300] =	vst v5  }
0x2e2: {  	[tilespmem:s11+$0xF380] =	vst v1  }
0x2e3: {  	[tilespmem:s14+$0xF380] =	vst v2  }
0x2e4: {  	v0 =	vld [tilespmem:$0x73F0];
	_ =	sdelay $0x4  }
0x2e5: {  	v0 =	vshll.u32 v0, $0x4  }
0x2e6: {  	v50 =	vor.u32 $0x1, v0  }
0x2e7: {  	v51 =	vor.u32 $0x2, v0  }
0x2e8: {  	v52 =	vor.u32 $0x3, v0;
	_ =	sdelay $0x1  }
0x2e9: {  	v4 =	vld.idx.msk [tilespmem:v0+s18+$0x0], $0xffff  }
0x2ea: {  	v53 =	vor.u32 $0x4, v0;
	v1 =	vld.idx.msk [tilespmem:v50+s18+$0x0], $0xffff  }
0x2eb: {  	v54 =	vor.u32 $0x5, v0;
	v2 =	vld.idx.msk [tilespmem:v51+s18+$0x0], $0xffff  }
0x2ec: {  	v55 =	vor.u32 $0x6, v0;
	v3 =	vld.idx.msk [tilespmem:v52+s18+$0x0], $0xffff  }
0x2ed: {  	v56 =	vor.u32 $0x7, v0  }
0x2ee: {  	[tilespmem:$0x16070] =	vst v4  }
0x2ef: {  	v5 =	vld.idx.msk [tilespmem:v53+s18+$0x0], $0xffff;
	[tilespmem:$0x160F0] =	vst v1  }
0x2f0: {  	v57 =	vor.u32 $0x8, v0;
	v6 =	vld.idx.msk [tilespmem:v54+s18+$0x0], $0xffff;
	[tilespmem:$0x16170] =	vst v2  }
0x2f1: {  	v58 =	vor.u32 $0x9, v0;
	v4 =	vld.idx.msk [tilespmem:v55+s18+$0x0], $0xffff;
	[tilespmem:$0x161F0] =	vst v3  }
0x2f2: {  	s0 =	sor.u32 $0x20, s0;
	v59 =	vor.u32 $0xA, v0;
	v1 =	vld.idx.msk [tilespmem:v56+s18+$0x0], $0xffff  }
0x2f3: {  	p0 =	slt.s32 s0, $0x3AA;
	v60 =	vor.u32 $0xB, v0  }
0x2f4: {  	s0 =	simm.s32 @!p0 $0x3AA;
	[tilespmem:$0x16270] =	vst v5  }
0x2f5: {  	s29 =	smulhi.u32 $0xA2C2A87D, s0;
	v2 =	vld.idx.msk [tilespmem:v57+s18+$0x0], $0xffff;
	[tilespmem:$0x162F0] =	vst v6  }
0x2f6: {  	v61 =	vor.u32 $0xC, v0;
	v3 =	vld.idx.msk [tilespmem:v58+s18+$0x0], $0xffff;
	[tilespmem:$0x16370] =	vst v4  }
0x2f7: {  	s8 =	ssub.s32 s0, s29;
	v62 =	vor.u32 $0xD, v0;
	v5 =	vld.idx.msk [tilespmem:v59+s18+$0x0], $0xffff;
	[tilespmem:$0x163F0] =	vst v1  }
0x2f8: {  	s8 =	sshrl.u32 s8, $0x1;
	v63 =	vor.u32 $0xE, v0;
	v6 =	vld.idx.msk [tilespmem:v60+s18+$0x0], $0xffff  }
0x2f9: {  	s6 =	sadd.s32 s29, s8;
	v0 =	vor.u32 $0xF, v0  }
0x2fa: {  	s6 =	sshrl.u32 s6, $0x8;
	[tilespmem:$0x1B070] =	vst v2  }
0x2fb: {  	s30 =	smul.u32 $0x139, s6;
	v4 =	vld.idx.msk [tilespmem:v61+s18+$0x0], $0xffff;
	[tilespmem:$0x1B0F0] =	vst v3  }
0x2fc: {  	v1 =	vld.idx.msk [tilespmem:v62+s18+$0x0], $0xffff;
	[tilespmem:$0x1B170] =	vst v5  }
0x2fd: {  	s0 =	ssub.s32 s0, s30;
	v2 =	vld.idx.msk [tilespmem:v63+s18+$0x0], $0xffff;
	[tilespmem:$0x1B1F0] =	vst v6  }
0x2fe: {  	s0 =	smul.u32 $0xA00, s0;
	v0 =	vld.idx.msk [tilespmem:v0+s18+$0x0], $0xffff  }
0x2ff: {  	s6 =	smul.u32 $0x186A00, s6  }
0x300: {  	s0 =	smin.u32 s0, $0xC2B00;
	[tilespmem:$0x1B270] =	vst v4  }
0x301: {  	p0 =	seq.s32 s31, $0xE;
	s0 =	sadd.s32 s6, s0;
	[tilespmem:$0x1B2F0] =	vst v1  }
.Ltmp14:
0x302: {  	s6 =	sand.u32 $0x1FFFFF00, s0;
	s0 =	sadd.s32 $0xC3500, s0;
	[tilespmem:$0x1B370] =	vst v2;
	(pc) =	sbr.rel @p0 .LBB2_23-.Ltmp14, $4  }
0x303: {  	s6 =	sadd.s32 s4, s6;
	s0 =	sand.u32 $0x1FFFFF00, s0;
	[tilespmem:$0x1B3F0] =	vst v0  }
0x304: {  	[hbm4b:s6+s5] =	stream.linear.scatter [tilespmem:s26], [sflag:$0x4], $0x5000, $0x38;
	[tilespmem:$0x1B400] =	vst v63  }
0x305: {  	s0 =	sadd.s32 s4, s0  }
0x306: {  	[hbm4b:s0+s5] =	stream.linear.scatter [tilespmem:s28], [sflag:$0x4], $0x5000, $0x38;
	[tilespmem:$0x1B400] =	vst v63  }
0x307: {  	s0 =	sadd.s32 s13, s2  }
0x308: {  	p0 =	slt.s32 s0, $0x3AA  }
0x309: {  	s0 =	simm.s32 @!p0 $0x3AA  }
0x30a: {  	s29 =	smulhi.u32 $0xA2C2A87D, s0;
	_ =	sdelay $0x1  }
0x30b: {  	s6 =	ssub.s32 s0, s29  }
0x30c: {  	s6 =	sshrl.u32 s6, $0x1  }
0x30d: {  	s2 =	sadd.s32 s29, s6  }
0x30e: {  	s2 =	sshrl.u32 s2, $0x8  }
0x30f: {  	s30 =	smul.u32 $0x139, s2;
	_ =	sdelay $0x1  }
0x310: {  	s0 =	ssub.s32 s0, s30  }
0x311: {  	s0 =	smul.u32 $0xA00, s0  }
0x312: {  	s2 =	smul.u32 $0xC3500, s2  }
.Ltmp15:
0x313: {  	s0 =	smin.u32 s0, $0xC2B00;
	(pc) =	sbr.rel .LBB2_13-.Ltmp15, $4  }
0x314: {  	s0 =	sadd.s32 s2, s0  }
0x315: {  	s0 =	sshrl.u32 s0, $0x3  }
0x316: {  	s31 =	sadd.s32 $0x1, s31;
	s0 =	sadd.s32 s9, s0  }
0x317: {  	[tilespmem:s20], [sflag:$0x2] =	stream.linear.gather [hbm4b:s0+s5], $0xA00, $0x38;
	[tilespmem:$0x1B400] =	vst v63  }
.LBB2_24:
0x318: {  	_ =	sfence.sel $0x180000  }
0x319: {  	[bflag:$0x0] =	sbarrier.arrive $0xFFFF  }
0x31a: {  	_ =	strace $0x90000047  }
0x31b: {  	s0 =	stileid.u32;
	[bflag:$0x2] =	sbarrier.arrive $0xFFFF  }
0x31c: {  	p0 =	sne.s32 s0, $0x0;
	s0 =	rddreg [dreg:$0x3]  }
0x31d: {  	s0 =	sadd.s32 @!p0 $0x100000, s0  }
0x31e: {  	[sflag:s0] =	ssyncadd.tile.s32 @!p0 $0x1;
	_ =	shalt  }
.Lfunc_end2:
_tile_overlayer_lowered:
.L_overlay_start_2:
0x31f: {  	(tag) =	ssettag $0x2  }
0x320: {  	s0 =	rddreg [dreg:$0x0];
	s2 =	stileid.u32  }
0x321: {  	s1 =	rddreg [dreg:$0x1];
	p0 =	sne.s32 s2, $0x0  }
0x322: {  	s3 =	rddreg [dreg:$0x2];
	[bflag:$0x3] =	sbarrier.arrive $0xFFFF;
	s2 =	simm.s32 @!p0 $0x1C05  }
0x323: {  	[timem:s3], [sflag:s2] =	dma.local @!p0 [hbm:s0], s1  }
0x324: {  	s0 =	simm.s32 @!p0 $0x5  }
0x325: {  	_ =	swait.ge @!p0 [sflag:s0], s1  }
0x326: {  	s1 =	ssub.s32 @!p0 $0x0, s1;
	[sflag:s0] =	ssyncset.done @!p0 $0x0  }
0x327: {  	[sflag:s0] =	ssyncadd.s32 @!p0 s1  }
0x328: {  	[bflag:$0x3] =	sbarrier.arrive $0xFFFF  }
0x329: {  	_ =	shalt  }

</sc_bundles>
